<compile_context>
chip_gen: v7x
topology: tpu7x:2x2x1
jax: 0.10.2.dev20260603
libtpu: 0.0.44.dev20260713+nightly
codegen_flags: <defaults>
</compile_context>

<pallas_src>
import functools

import jax
import jax.numpy as jnp
from jax import lax
from jax.experimental import pallas as pl
from jax.experimental.pallas import tpu as pltpu
from jax.experimental.pallas import tpu_sc as plsc

N = 10000
E = 640000
H = 128
G = 256

NC = 2
NS = 16
NW = NC * NS
CH = 100
EPW = E // NW
CPW = EPW // CH
GRP = 8
ZR = 624
TAIL = N - NS * ZR



@functools.cache
def _sc_mesh():
    return plsc.VectorSubcoreMesh(
        core_axis_name="c", subcore_axis_name="s",
        num_cores=NC, num_subcores=NS)


@functools.cache
def _sc_degree_kernel():
    return pl.kernel(
        _sc_degree_body,
        out_type=jax.ShapeDtypeStruct((NW, N), jnp.float32),
        mesh=_sc_mesh(),
        scratch_types=[
            pltpu.VMEM((EPW,), jnp.int32),
            pltpu.VMEM((N,), jnp.float32),
        ],
        compiler_params=pltpu.CompilerParams(needs_layout_passes=False),
    )


def _sc_degree_body(dst1, deg_out, dst_v, cnt_v):
    c = lax.axis_index("c")
    s = lax.axis_index("s")
    w = c * NS + s
    z16 = jnp.zeros((16,), jnp.float32)

    def zero(k, _):
        cnt_v[pl.ds(k * 16, 16)] = z16
        return ()

    lax.fori_loop(0, N // 16, zero, ())
    pltpu.sync_copy(dst1.at[pl.ds(w * EPW, EPW)], dst_v)
    o16 = jnp.ones((16,), jnp.float32)

    def body(k, _):
        idx = dst_v[pl.ds(k * 16, 16)]
        plsc.addupdate_scatter(cnt_v, [idx], o16)
        return ()

    lax.fori_loop(0, EPW // 16, body, ())
    pltpu.sync_copy(cnt_v, deg_out.at[w])


@functools.cache
def _sc_scatter_kernel():
    return pl.kernel(
        _sc_scatter_body,
        out_type=jax.ShapeDtypeStruct((NC, N, H), jnp.float32),
        mesh=_sc_mesh(),
        scratch_types=[
            pltpu.VMEM((GRP, CH), jnp.int32),
            pltpu.VMEM((GRP, CH), jnp.int32),
            pltpu.VMEM((CH, H), jnp.float32),
            pltpu.VMEM_SHARED((N, H), jnp.float32),
        ],
    )


def _sc_scatter_body(hws, src2, dst2, zrows, agg_out, src_v, dst_v, rows_v, acc):
    c = lax.axis_index("c")
    s = lax.axis_index("s")
    w = c * NS + s
    pltpu.sync_copy(zrows, acc.at[pl.ds(s * ZR, ZR)])

    @pl.when(s == 0)
    def _():
        pltpu.sync_copy(zrows.at[pl.ds(0, TAIL)], acc.at[pl.ds(NS * ZR, TAIL)])

    plsc.subcore_barrier()

    def group(g, _):
        base = w * CPW + g * GRP
        pltpu.sync_copy(src2.at[pl.ds(base, GRP)], src_v)
        pltpu.sync_copy(dst2.at[pl.ds(base, GRP)], dst_v)

        def body(i, _):
            pltpu.sync_copy(hws.at[src_v.at[i]], rows_v)
            pltpu.sync_copy(rows_v, acc.at[dst_v.at[i]], add=True)
            return ()

        lax.fori_loop(0, GRP, body, ())
        return ()

    lax.fori_loop(0, CPW // GRP, group, ())
    plsc.subcore_barrier()
    pltpu.sync_copy(acc.at[pl.ds(s * ZR, ZR)],
                    agg_out.at[c, pl.ds(s * ZR, ZR)])

    @pl.when(s == 0)
    def _():
        pltpu.sync_copy(acc.at[pl.ds(NS * ZR, TAIL)],
                        agg_out.at[c, pl.ds(NS * ZR, TAIL)])



_RB = 1000


def _tc_pre_body(deg_ref, x_ref, w_ref, dinv_ref, hws_ref):
    deg = jnp.sum(deg_ref[...], axis=1) + 1.0
    dinv = lax.rsqrt(deg)[:, None]
    dinv_ref[...] = jnp.broadcast_to(dinv, dinv_ref.shape)
    hw = jnp.dot(x_ref[...], w_ref[...], preferred_element_type=jnp.float32)
    hws_ref[...] = hw * dinv


def _tc_layer_body(agg_ref, hws_ref, dinv_ref, b_ref, w_ref, out_ref):
    dinv = dinv_ref[...][:, 0:1]
    a = (agg_ref[0] + agg_ref[1] + hws_ref[...]) * dinv + b_ref[...]
    h = jnp.tanh(a)
    out_ref[...] = jnp.dot(
        h, w_ref[...], preferred_element_type=jnp.float32) * dinv


def _tc_last_body(agg_ref, hws_ref, dinv_ref, b_ref, out_ref):
    dinv = dinv_ref[...][:, 0:1]
    a = (agg_ref[0] + agg_ref[1] + hws_ref[...]) * dinv + b_ref[...]
    out_ref[...] = jnp.tanh(a)


def _row_specs():
    agg = pl.BlockSpec((NC, _RB, H), lambda i: (0, i, 0))
    hws = pl.BlockSpec((_RB, H), lambda i: (i, 0))
    dinv = pl.BlockSpec((_RB, 16), lambda i: (i, 0))
    b = pl.BlockSpec((1, H), lambda i: (0, 0))
    w = pl.BlockSpec((H, H), lambda i: (0, 0))
    return agg, hws, dinv, b, w


def _tc_pre(deg32, x, W0):
    agg, hws, dinv, _, w = _row_specs()
    deg = pl.BlockSpec((_RB, NW), lambda i: (i, 0))
    return pl.pallas_call(
        _tc_pre_body,
        grid=(N // _RB,),
        in_specs=[deg, hws, w],
        out_specs=[dinv, hws],
        out_shape=[jax.ShapeDtypeStruct((N, 16), jnp.float32),
                   jax.ShapeDtypeStruct((N, H), jnp.float32)],
    )(deg32, x, W0)


def _tc_layer(agg2, hws_in, dinv16, b, Wn):
    agg, hws, dinv, bsp, w = _row_specs()
    return pl.pallas_call(
        _tc_layer_body,
        grid=(N // _RB,),
        in_specs=[agg, hws, dinv, bsp, w],
        out_specs=hws,
        out_shape=jax.ShapeDtypeStruct((N, H), jnp.float32),
    )(agg2, hws_in, dinv16, b, Wn)


def _tc_last(agg2, hws_in, dinv16, b):
    agg, hws, dinv, bsp, _ = _row_specs()
    return pl.pallas_call(
        _tc_last_body,
        grid=(N // _RB,),
        in_specs=[agg, hws, dinv, bsp],
        out_specs=hws,
        out_shape=jax.ShapeDtypeStruct((N, H), jnp.float32),
    )(agg2, hws_in, dinv16, b)


def _tc_pool_body(h_ref, batch_ref, wout_ref, bout_ref, out_ref, hid_ref,
                  mx_ref, sm_ref, cn_ref):
    mx_ref[...] = jnp.full((G, H), -3.4e38, jnp.float32)
    sm_ref[...] = jnp.zeros((G, H), jnp.float32)
    cn_ref[...] = jnp.zeros((G, H), jnp.float32)

    def body(i, _):
        g = batch_ref[i]
        row = h_ref[pl.ds(i, 1), :]
        mx_ref[pl.ds(g, 1), :] = jnp.maximum(mx_ref[pl.ds(g, 1), :], row)
        sm_ref[pl.ds(g, 1), :] = sm_ref[pl.ds(g, 1), :] + row
        cn_ref[pl.ds(g, 1), :] = cn_ref[pl.ds(g, 1), :] + 1.0
        return ()

    lax.fori_loop(0, N, body, ())
    cnt = cn_ref[...][:, 0:1]
    mx = jnp.where(cnt > 0, mx_ref[...], 0.0)
    mean = sm_ref[...] / jnp.maximum(cnt, 1.0)
    hidden = jnp.concatenate([mx, mean], axis=1)
    hid_ref[...] = hidden
    out_ref[...] = jnp.dot(
        hidden, wout_ref[...], preferred_element_type=jnp.float32) + bout_ref[...]


def _tc_pool(h4, batch_index, Wout, bout):
    return pl.pallas_call(
        _tc_pool_body,
        in_specs=[pl.BlockSpec(memory_space=pltpu.VMEM),
                  pl.BlockSpec(memory_space=pltpu.SMEM),
                  pl.BlockSpec(memory_space=pltpu.VMEM),
                  pl.BlockSpec(memory_space=pltpu.VMEM)],
        out_specs=[pl.BlockSpec(memory_space=pltpu.VMEM),
                   pl.BlockSpec(memory_space=pltpu.VMEM)],
        out_shape=[jax.ShapeDtypeStruct((G, 1), jnp.float32),
                   jax.ShapeDtypeStruct((G, 2 * H), jnp.float32)],
        scratch_shapes=[pltpu.VMEM((G, H), jnp.float32),
                        pltpu.VMEM((G, H), jnp.float32),
                        pltpu.VMEM((G, H), jnp.float32)],
    )(h4, batch_index, Wout, bout)



def kernel(x, edge_index, batch_index, W0, b0, W1, b1, W2, b2, W3, b3,
           Wout, bout):
    src2 = edge_index[0].reshape(E // CH, CH)
    dst2 = edge_index[1].reshape(E // CH, CH)
    zrows = jnp.zeros((ZR, H), jnp.float32)

    deg32 = _sc_degree_kernel()(edge_index[1])
    dinv16, hws = _tc_pre(deg32.T, x, W0)

    for b, Wn in ((b0, W1), (b1, W2), (b2, W3)):
        agg2 = _sc_scatter_kernel()(hws, src2, dst2, zrows)
        hws = _tc_layer(agg2, hws, dinv16, b.reshape(1, H), Wn)

    agg2 = _sc_scatter_kernel()(hws, src2, dst2, zrows)
    h4 = _tc_last(agg2, hws, dinv16, b3.reshape(1, H))

    out, hidden = _tc_pool(h4, batch_index, Wout, bout)
    return out, hidden

# --- scband reference (transcript-rebuilt; emitter-appended) ---
"""Pipeline reference for scband-gcn-original-42640435315479 (READ-ONLY COPY).

The authoritative reference and input builder live on the scoring server;
editing this copy changes nothing except your own understanding.
"""

import jax, jax.numpy as jnp
import numpy as np

N = 10000
E = 640000
F_IN = 128
H = 128
G = 256


def setup_inputs(seed: int = 0) -> dict:
    key = jax.random.key(seed)
    ks = jax.random.split(key, 16)
    x = jax.random.normal(ks[0], (N, F_IN), dtype=jnp.float32)
    edge_index = jax.random.randint(ks[1], (2, E), 0, N, dtype=jnp.int32)
    batch_index = jnp.sort(jax.random.randint(ks[2], (N,), 0, G, dtype=jnp.int32))
    def lin(k, fin, fout):
        s = 1.0 / np.sqrt(fin)
        kw, kb = jax.random.split(k)
        W = jax.random.uniform(kw, (fin, fout), minval=-s, maxval=s, dtype=jnp.float32)
        b = jax.random.uniform(kb, (fout,), minval=-s, maxval=s, dtype=jnp.float32)
        return W, b
    W0, b0 = lin(ks[3], F_IN, H)
    W1, b1 = lin(ks[4], H, H)
    W2, b2 = lin(ks[5], H, H)
    W3, b3 = lin(ks[6], H, H)
    Wout, bout = lin(ks[7], 2 * H, 1)
    return {"x": x, "edge_index": edge_index, "batch_index": batch_index,
            "W0": W0, "b0": b0, "W1": W1, "b1": b1, "W2": W2, "b2": b2,
            "W3": W3, "b3": b3, "Wout": Wout, "bout": bout}


def reference(x, edge_index, batch_index, W0, b0, W1, b1, W2, b2, W3, b3, Wout, bout):
    n = x.shape[0]
    src = edge_index[0]
    dst = edge_index[1]
    loop = jnp.arange(n, dtype=src.dtype)
    src_f = jnp.concatenate([src, loop])
    dst_f = jnp.concatenate([dst, loop])
    ew = jnp.ones(src_f.shape[0], dtype=x.dtype)  # improved=False -> self-loop weight 1
    deg = jnp.zeros((n,), dtype=x.dtype).at[dst_f].add(ew)
    dinv = jnp.where(deg > 0, jax.lax.rsqrt(jnp.maximum(deg, 1e-12)), 0.0)
    norm = dinv[src_f] * ew * dinv[dst_f]

    def gcn_conv(h, W, b):
        hw = h @ W
        msg = jnp.take(hw, src_f, axis=0) * norm[:, None]
        agg = jnp.zeros((n, W.shape[1]), dtype=h.dtype).at[dst_f].add(msg)
        return agg + b

    h = jnp.tanh(gcn_conv(x, W0, b0))
    h = jnp.tanh(gcn_conv(h, W1, b1))
    h = jnp.tanh(gcn_conv(h, W2, b2))
    h = jnp.tanh(gcn_conv(h, W3, b3))

    cnt = jax.ops.segment_sum(jnp.ones((n,), dtype=h.dtype), batch_index, num_segments=G)
    mx = jax.ops.segment_max(h, batch_index, num_segments=G)
    mx = jnp.where(cnt[:, None] > 0, mx, 0.0)
    sm = jax.ops.segment_sum(h, batch_index, num_segments=G)
    mean = sm / jnp.maximum(cnt, 1.0)[:, None]
    hidden = jnp.concatenate([mx, mean], axis=1)
    out = hidden @ Wout + bout
    return out, hidden

if __name__ == "__main__":
    import jax
    _d = setup_inputs()
    print(jax.jit(kernel)(*tuple(_d.values())))

</pallas_src>

<mosaic_0001>
#map = affine_map<(d0, d1) -> (0, 0)>
#map1 = affine_map<(d0, d1) -> (0, 0, 0)>
module attributes {stable_mosaic.version = 14 : i64} {
  func.func @_sc_scatter_body(%arg0: i32, %arg1: i32, %arg2: memref<10000x128xf32, #tpu.memory_space<hbm>>, %arg3: memref<6400x100xi32, #tpu.memory_space<hbm>>, %arg4: memref<6400x100xi32, #tpu.memory_space<hbm>>, %arg5: memref<624x128xf32, #tpu.memory_space<hbm>>, %arg6: memref<2x10000x128xf32, #tpu.memory_space<hbm>>, %arg7: memref<8x100xi32, #tpu.memory_space<vmem>>, %arg8: memref<8x100xi32, #tpu.memory_space<vmem>>, %arg9: memref<100x128xf32, #tpu.memory_space<vmem>>, %arg10: memref<10000x128xf32, #tpu.memory_space<vmem_shared>>) attributes {dimension_semantics = [#tpu.dimension_semantics<core_parallel>, #tpu.dimension_semantics<subcore_parallel>], iteration_bounds = array<i64: 2, 16>, scalar_prefetch = 0 : i64, scratch_operands = 4 : i64, tpu.core_type = #tpu.core_type<sc_vector_subcore>, window_params = [{transform_indices = #map}, {transform_indices = #map}, {transform_indices = #map}, {transform_indices = #map}, {transform_indices = #map1}]} {
    %mul3A = arith.constant 16 : i32
    %mul3A_0 = arith.muli %arg0, %mul3A : i32
    %add3A = arith.addi %mul3A_0, %arg1 : i32
    %mul3A_1 = arith.constant 624 : i32
    %mul3A_2 = arith.muli %arg1, %mul3A_1 : i32
    "tpu.region"() ({
      %run_scoped3A = tpu.sem_alloc : memref<!tpu.dma_semaphore, #tpu.memory_space<semaphore_mem>>
      %dma_start3A = arith.constant 0 : i32
      %dma_start3A_19 = tpu.memref_slice %arg10[%mul3A_2, %dma_start3A] : memref<10000x128xf32, #tpu.memory_space<vmem_shared>> -> memref<624x128xf32, #tpu.memory_space<vmem_shared>>
      tpu.enqueue_dma source(%arg5 : memref<624x128xf32, #tpu.memory_space<hbm>>) target(%dma_start3A_19 : memref<624x128xf32, #tpu.memory_space<vmem_shared>>) target_semaphore(%run_scoped3A : memref<!tpu.dma_semaphore, #tpu.memory_space<semaphore_mem>>)
      %dma_wait3A = arith.constant 0 : i32
      %dma_wait3A_20 = tpu.memref_slice %arg10[%mul3A_2, %dma_wait3A] : memref<10000x128xf32, #tpu.memory_space<vmem_shared>> -> memref<624x128xf32, #tpu.memory_space<vmem_shared>>
      tpu.wait_dma2 semaphore(%run_scoped3A : memref<!tpu.dma_semaphore, #tpu.memory_space<semaphore_mem>>) src(%arg5 : memref<624x128xf32, #tpu.memory_space<hbm>>) dst(%dma_wait3A_20 : memref<624x128xf32, #tpu.memory_space<vmem_shared>>)
      tpu.yield
    }) : () -> ()
    %eq3A = arith.constant 0 : i32
    %eq3A_3 = arith.cmpi eq, %arg1, %eq3A : i32
    %convert_element_type3A = arith.extui %eq3A_3 : i1 to i32
    %cond3A = arith.constant 0 : i32
    %cond3A_4 = arith.cmpi ne, %convert_element_type3A, %cond3A : i32
    scf.if %cond3A_4 {
      "tpu.region"() ({
        %run_scoped3A = tpu.sem_alloc : memref<!tpu.dma_semaphore, #tpu.memory_space<semaphore_mem>>
        %dma_start3A = arith.constant 9984 : i32
        %dma_start3A_19 = arith.constant 0 : i32
        %dma_start3A_20 = tpu.memref_slice %arg10[%dma_start3A, %dma_start3A_19] : memref<10000x128xf32, #tpu.memory_space<vmem_shared>> -> memref<16x128xf32, #tpu.memory_space<vmem_shared>>
        %dma_start3A_21 = arith.constant 0 : i32
        %dma_start3A_22 = arith.constant 0 : i32
        %dma_start3A_23 = tpu.memref_slice %arg5[%dma_start3A_21, %dma_start3A_22] : memref<624x128xf32, #tpu.memory_space<hbm>> -> memref<16x128xf32, #tpu.memory_space<hbm>>
        tpu.enqueue_dma source(%dma_start3A_23 : memref<16x128xf32, #tpu.memory_space<hbm>>) target(%dma_start3A_20 : memref<16x128xf32, #tpu.memory_space<vmem_shared>>) target_semaphore(%run_scoped3A : memref<!tpu.dma_semaphore, #tpu.memory_space<semaphore_mem>>)
        %dma_wait3A = arith.constant 9984 : i32
        %dma_wait3A_24 = arith.constant 0 : i32
        %dma_wait3A_25 = tpu.memref_slice %arg10[%dma_wait3A, %dma_wait3A_24] : memref<10000x128xf32, #tpu.memory_space<vmem_shared>> -> memref<16x128xf32, #tpu.memory_space<vmem_shared>>
        %dma_wait3A_26 = arith.constant 0 : i32
        %dma_wait3A_27 = arith.constant 0 : i32
        %dma_wait3A_28 = tpu.memref_slice %arg5[%dma_wait3A_26, %dma_wait3A_27] : memref<624x128xf32, #tpu.memory_space<hbm>> -> memref<16x128xf32, #tpu.memory_space<hbm>>
        tpu.wait_dma2 semaphore(%run_scoped3A : memref<!tpu.dma_semaphore, #tpu.memory_space<semaphore_mem>>) src(%dma_wait3A_28 : memref<16x128xf32, #tpu.memory_space<hbm>>) dst(%dma_wait3A_25 : memref<16x128xf32, #tpu.memory_space<vmem_shared>>)
        tpu.yield
      }) : () -> ()
    } else {
    }
    %barrier3A = arith.constant 0 : index
    tpu.barrier barrier_id(%barrier3A)
    %scan3A = arith.constant 0 : i32
    %scan3A_5 = arith.constant 25 : i32
    %scan3A_6 = arith.addi %scan3A, %scan3A_5 : i32
    %scan3A_7 = arith.constant 1 : i32
    scf.for %scan3A_19 = %scan3A to %scan3A_6 step %scan3A_7  : i32 {
      %mul3A_20 = arith.constant 200 : i32
      %mul3A_21 = arith.muli %add3A, %mul3A_20 : i32
      %mul3A_22 = arith.constant 8 : i32
      %mul3A_23 = arith.muli %scan3A_19, %mul3A_22 : i32
      %add3A_24 = arith.addi %mul3A_21, %mul3A_23 : i32
      "tpu.region"() ({
        %run_scoped3A = tpu.sem_alloc : memref<!tpu.dma_semaphore, #tpu.memory_space<semaphore_mem>>
        %dma_start3A = arith.constant 0 : i32
        %dma_start3A_30 = tpu.memref_slice %arg3[%add3A_24, %dma_start3A] : memref<6400x100xi32, #tpu.memory_space<hbm>> -> memref<8x100xi32, #tpu.memory_space<hbm>>
        %dma_start3A_31 = arith.constant 0 : i32
        %dma_start3A_32 = tpu.memref_slice %arg3[%add3A_24, %dma_start3A_31] : memref<6400x100xi32, #tpu.memory_space<hbm>> -> memref<8x100xi32, #tpu.memory_space<hbm>>
        tpu.enqueue_dma source(%dma_start3A_32 : memref<8x100xi32, #tpu.memory_space<hbm>>) target(%arg7 : memref<8x100xi32, #tpu.memory_space<vmem>>) target_semaphore(%run_scoped3A : memref<!tpu.dma_semaphore, #tpu.memory_space<semaphore_mem>>)
        %dma_wait3A = arith.constant 0 : i32
        %dma_wait3A_33 = tpu.memref_slice %arg3[%add3A_24, %dma_wait3A] : memref<6400x100xi32, #tpu.memory_space<hbm>> -> memref<8x100xi32, #tpu.memory_space<hbm>>
        %dma_wait3A_34 = arith.constant 0 : i32
        %dma_wait3A_35 = tpu.memref_slice %arg3[%add3A_24, %dma_wait3A_34] : memref<6400x100xi32, #tpu.memory_space<hbm>> -> memref<8x100xi32, #tpu.memory_space<hbm>>
        tpu.wait_dma2 semaphore(%run_scoped3A : memref<!tpu.dma_semaphore, #tpu.memory_space<semaphore_mem>>) src(%dma_wait3A_35 : memref<8x100xi32, #tpu.memory_space<hbm>>) dst(%arg7 : memref<8x100xi32, #tpu.memory_space<vmem>>)
        tpu.yield
      }) : () -> ()
      "tpu.region"() ({
        %run_scoped3A = tpu.sem_alloc : memref<!tpu.dma_semaphore, #tpu.memory_space<semaphore_mem>>
        %dma_start3A = arith.constant 0 : i32
        %dma_start3A_30 = tpu.memref_slice %arg4[%add3A_24, %dma_start3A] : memref<6400x100xi32, #tpu.memory_space<hbm>> -> memref<8x100xi32, #tpu.memory_space<hbm>>
        %dma_start3A_31 = arith.constant 0 : i32
        %dma_start3A_32 = tpu.memref_slice %arg4[%add3A_24, %dma_start3A_31] : memref<6400x100xi32, #tpu.memory_space<hbm>> -> memref<8x100xi32, #tpu.memory_space<hbm>>
        tpu.enqueue_dma source(%dma_start3A_32 : memref<8x100xi32, #tpu.memory_space<hbm>>) target(%arg8 : memref<8x100xi32, #tpu.memory_space<vmem>>) target_semaphore(%run_scoped3A : memref<!tpu.dma_semaphore, #tpu.memory_space<semaphore_mem>>)
        %dma_wait3A = arith.constant 0 : i32
        %dma_wait3A_33 = tpu.memref_slice %arg4[%add3A_24, %dma_wait3A] : memref<6400x100xi32, #tpu.memory_space<hbm>> -> memref<8x100xi32, #tpu.memory_space<hbm>>
        %dma_wait3A_34 = arith.constant 0 : i32
        %dma_wait3A_35 = tpu.memref_slice %arg4[%add3A_24, %dma_wait3A_34] : memref<6400x100xi32, #tpu.memory_space<hbm>> -> memref<8x100xi32, #tpu.memory_space<hbm>>
        tpu.wait_dma2 semaphore(%run_scoped3A : memref<!tpu.dma_semaphore, #tpu.memory_space<semaphore_mem>>) src(%dma_wait3A_35 : memref<8x100xi32, #tpu.memory_space<hbm>>) dst(%arg8 : memref<8x100xi32, #tpu.memory_space<vmem>>)
        tpu.yield
      }) : () -> ()
      %scan3A_25 = arith.constant 0 : i32
      %scan3A_26 = arith.constant 8 : i32
      %scan3A_27 = arith.addi %scan3A_25, %scan3A_26 : i32
      %scan3A_28 = arith.constant 1 : i32
      scf.for %scan3A_30 = %scan3A_25 to %scan3A_27 step %scan3A_28  : i32 {
        "tpu.region"() ({
          %run_scoped3A = tpu.sem_alloc : memref<!tpu.dma_semaphore, #tpu.memory_space<semaphore_mem>>
          %dma_start3A = arith.constant 0 : i32
          %dma_start3A_31 = tpu.memref_slice %arg7[%scan3A_30, %dma_start3A] : memref<8x100xi32, #tpu.memory_space<vmem>> -> memref<1x100xi32, #tpu.memory_space<vmem>>
          %dma_start3A_32 = tpu.memref_squeeze %dma_start3A_31 : memref<1x100xi32, #tpu.memory_space<vmem>> -> memref<100xi32, #tpu.memory_space<vmem>>
          %dma_start3A_33 = arith.constant 0 : i32
          %dma_start3A_34 = arith.constant 0 : i32
          %dma_start3A_35 = tpu.memref_slice %arg2[%dma_start3A_33, %dma_start3A_34] : memref<10000x128xf32, #tpu.memory_space<hbm>> -> memref<10000x128xf32, #tpu.memory_space<hbm>>
          tpu.enqueue_indirect_dma source(%dma_start3A_35 : memref<10000x128xf32, #tpu.memory_space<hbm>>) target(%arg9 : memref<100x128xf32, #tpu.memory_space<vmem>>) offsets(%dma_start3A_32 : memref<100xi32, #tpu.memory_space<vmem>>) semaphore(%run_scoped3A : memref<!tpu.dma_semaphore, #tpu.memory_space<semaphore_mem>>)
          %dma_wait3A = arith.constant 0 : i32
          %dma_wait3A_36 = tpu.memref_slice %arg7[%scan3A_30, %dma_wait3A] : memref<8x100xi32, #tpu.memory_space<vmem>> -> memref<1x100xi32, #tpu.memory_space<vmem>>
          %dma_wait3A_37 = tpu.memref_squeeze %dma_wait3A_36 : memref<1x100xi32, #tpu.memory_space<vmem>> -> memref<100xi32, #tpu.memory_space<vmem>>
          %dma_wait3A_38 = arith.constant 0 : i32
          %dma_wait3A_39 = arith.constant 0 : i32
          %dma_wait3A_40 = tpu.memref_slice %arg2[%dma_wait3A_38, %dma_wait3A_39] : memref<10000x128xf32, #tpu.memory_space<hbm>> -> memref<10000x128xf32, #tpu.memory_space<hbm>>
          tpu.wait_indirect_dma semaphore(%run_scoped3A : memref<!tpu.dma_semaphore, #tpu.memory_space<semaphore_mem>>) src(%dma_wait3A_40 : memref<10000x128xf32, #tpu.memory_space<hbm>>) dst(%arg9 : memref<100x128xf32, #tpu.memory_space<vmem>>)
          tpu.yield
        }) : () -> ()
        "tpu.region"() ({
          %run_scoped3A = tpu.sem_alloc : memref<!tpu.dma_semaphore, #tpu.memory_space<semaphore_mem>>
          %dma_start3A = arith.constant 0 : i32
          %dma_start3A_31 = tpu.memref_slice %arg8[%scan3A_30, %dma_start3A] : memref<8x100xi32, #tpu.memory_space<vmem>> -> memref<1x100xi32, #tpu.memory_space<vmem>>
          %dma_start3A_32 = tpu.memref_squeeze %dma_start3A_31 : memref<1x100xi32, #tpu.memory_space<vmem>> -> memref<100xi32, #tpu.memory_space<vmem>>
          %dma_start3A_33 = arith.constant 0 : i32
          %dma_start3A_34 = arith.constant 0 : i32
          %dma_start3A_35 = tpu.memref_slice %arg10[%dma_start3A_33, %dma_start3A_34] : memref<10000x128xf32, #tpu.memory_space<vmem_shared>> -> memref<10000x128xf32, #tpu.memory_space<vmem_shared>>
          tpu.enqueue_indirect_dma source(%arg9 : memref<100x128xf32, #tpu.memory_space<vmem>>) target(%dma_start3A_35 : memref<10000x128xf32, #tpu.memory_space<vmem_shared>>) offsets(%dma_start3A_32 : memref<100xi32, #tpu.memory_space<vmem>>) semaphore(%run_scoped3A : memref<!tpu.dma_semaphore, #tpu.memory_space<semaphore_mem>>) {add = true}
          %dma_wait3A = arith.constant 0 : i32
          %dma_wait3A_36 = tpu.memref_slice %arg8[%scan3A_30, %dma_wait3A] : memref<8x100xi32, #tpu.memory_space<vmem>> -> memref<1x100xi32, #tpu.memory_space<vmem>>
          %dma_wait3A_37 = tpu.memref_squeeze %dma_wait3A_36 : memref<1x100xi32, #tpu.memory_space<vmem>> -> memref<100xi32, #tpu.memory_space<vmem>>
          %dma_wait3A_38 = arith.constant 0 : i32
          %dma_wait3A_39 = arith.constant 0 : i32
          %dma_wait3A_40 = tpu.memref_slice %arg10[%dma_wait3A_38, %dma_wait3A_39] : memref<10000x128xf32, #tpu.memory_space<vmem_shared>> -> memref<10000x128xf32, #tpu.memory_space<vmem_shared>>
          tpu.wait_indirect_dma semaphore(%run_scoped3A : memref<!tpu.dma_semaphore, #tpu.memory_space<semaphore_mem>>) src(%arg9 : memref<100x128xf32, #tpu.memory_space<vmem>>) dst(%dma_wait3A_40 : memref<10000x128xf32, #tpu.memory_space<vmem_shared>>)
          tpu.yield
        }) : () -> ()
      }
      %scan3A_29 = arith.constant 8 : i32
    }
    %scan3A_8 = arith.constant 25 : i32
    %barrier3A_9 = arith.constant 0 : index
    tpu.barrier barrier_id(%barrier3A_9)
    %mul3A_10 = arith.constant 624 : i32
    %mul3A_11 = arith.muli %arg1, %mul3A_10 : i32
    %mul3A_12 = arith.constant 624 : i32
    %mul3A_13 = arith.muli %arg1, %mul3A_12 : i32
    "tpu.region"() ({
      %run_scoped3A = tpu.sem_alloc : memref<!tpu.dma_semaphore, #tpu.memory_space<semaphore_mem>>
      %dma_start3A = arith.constant 0 : i32
      %dma_start3A_19 = tpu.memref_slice %arg6[%arg0, %mul3A_13, %dma_start3A] : memref<2x10000x128xf32, #tpu.memory_space<hbm>> -> memref<1x624x128xf32, #tpu.memory_space<hbm>>
      %dma_start3A_20 = tpu.memref_squeeze %dma_start3A_19 : memref<1x624x128xf32, #tpu.memory_space<hbm>> -> memref<624x128xf32, #tpu.memory_space<hbm>>
      %dma_start3A_21 = arith.constant 0 : i32
      %dma_start3A_22 = tpu.memref_slice %arg10[%mul3A_11, %dma_start3A_21] : memref<10000x128xf32, #tpu.memory_space<vmem_shared>> -> memref<624x128xf32, #tpu.memory_space<vmem_shared>>
      tpu.enqueue_dma source(%dma_start3A_22 : memref<624x128xf32, #tpu.memory_space<vmem_shared>>) target(%dma_start3A_20 : memref<624x128xf32, #tpu.memory_space<hbm>>) target_semaphore(%run_scoped3A : memref<!tpu.dma_semaphore, #tpu.memory_space<semaphore_mem>>)
      %dma_wait3A = arith.constant 0 : i32
      %dma_wait3A_23 = tpu.memref_slice %arg6[%arg0, %mul3A_13, %dma_wait3A] : memref<2x10000x128xf32, #tpu.memory_space<hbm>> -> memref<1x624x128xf32, #tpu.memory_space<hbm>>
      %dma_wait3A_24 = tpu.memref_squeeze %dma_wait3A_23 : memref<1x624x128xf32, #tpu.memory_space<hbm>> -> memref<624x128xf32, #tpu.memory_space<hbm>>
      %dma_wait3A_25 = arith.constant 0 : i32
      %dma_wait3A_26 = tpu.memref_slice %arg10[%mul3A_11, %dma_wait3A_25] : memref<10000x128xf32, #tpu.memory_space<vmem_shared>> -> memref<624x128xf32, #tpu.memory_space<vmem_shared>>
      tpu.wait_dma2 semaphore(%run_scoped3A : memref<!tpu.dma_semaphore, #tpu.memory_space<semaphore_mem>>) src(%dma_wait3A_26 : memref<624x128xf32, #tpu.memory_space<vmem_shared>>) dst(%dma_wait3A_24 : memref<624x128xf32, #tpu.memory_space<hbm>>)
      tpu.yield
    }) : () -> ()
    %eq3A_14 = arith.constant 0 : i32
    %eq3A_15 = arith.cmpi eq, %arg1, %eq3A_14 : i32
    %convert_element_type3A_16 = arith.extui %eq3A_15 : i1 to i32
    %cond3A_17 = arith.constant 0 : i32
    %cond3A_18 = arith.cmpi ne, %convert_element_type3A_16, %cond3A_17 : i32
    scf.if %cond3A_18 {
      "tpu.region"() ({
        %run_scoped3A = tpu.sem_alloc : memref<!tpu.dma_semaphore, #tpu.memory_space<semaphore_mem>>
        %dma_start3A = arith.constant 9984 : i32
        %dma_start3A_19 = arith.constant 0 : i32
        %dma_start3A_20 = tpu.memref_slice %arg6[%arg0, %dma_start3A, %dma_start3A_19] : memref<2x10000x128xf32, #tpu.memory_space<hbm>> -> memref<1x16x128xf32, #tpu.memory_space<hbm>>
        %dma_start3A_21 = tpu.memref_squeeze %dma_start3A_20 : memref<1x16x128xf32, #tpu.memory_space<hbm>> -> memref<16x128xf32, #tpu.memory_space<hbm>>
        %dma_start3A_22 = arith.constant 9984 : i32
        %dma_start3A_23 = arith.constant 0 : i32
        %dma_start3A_24 = tpu.memref_slice %arg10[%dma_start3A_22, %dma_start3A_23] : memref<10000x128xf32, #tpu.memory_space<vmem_shared>> -> memref<16x128xf32, #tpu.memory_space<vmem_shared>>
        tpu.enqueue_dma source(%dma_start3A_24 : memref<16x128xf32, #tpu.memory_space<vmem_shared>>) target(%dma_start3A_21 : memref<16x128xf32, #tpu.memory_space<hbm>>) target_semaphore(%run_scoped3A : memref<!tpu.dma_semaphore, #tpu.memory_space<semaphore_mem>>)
        %dma_wait3A = arith.constant 9984 : i32
        %dma_wait3A_25 = arith.constant 0 : i32
        %dma_wait3A_26 = tpu.memref_slice %arg6[%arg0, %dma_wait3A, %dma_wait3A_25] : memref<2x10000x128xf32, #tpu.memory_space<hbm>> -> memref<1x16x128xf32, #tpu.memory_space<hbm>>
        %dma_wait3A_27 = tpu.memref_squeeze %dma_wait3A_26 : memref<1x16x128xf32, #tpu.memory_space<hbm>> -> memref<16x128xf32, #tpu.memory_space<hbm>>
        %dma_wait3A_28 = arith.constant 9984 : i32
        %dma_wait3A_29 = arith.constant 0 : i32
        %dma_wait3A_30 = tpu.memref_slice %arg10[%dma_wait3A_28, %dma_wait3A_29] : memref<10000x128xf32, #tpu.memory_space<vmem_shared>> -> memref<16x128xf32, #tpu.memory_space<vmem_shared>>
        tpu.wait_dma2 semaphore(%run_scoped3A : memref<!tpu.dma_semaphore, #tpu.memory_space<semaphore_mem>>) src(%dma_wait3A_30 : memref<16x128xf32, #tpu.memory_space<vmem_shared>>) dst(%dma_wait3A_27 : memref<16x128xf32, #tpu.memory_space<hbm>>)
        tpu.yield
      }) : () -> ()
    } else {
    }
    return
  }
}

#map = affine_map<(d0, d1) -> (0)>
#map1 = affine_map<(d0, d1) -> (0, 0)>
module attributes {stable_mosaic.version = 14 : i64} {
  func.func @_sc_degree_body(%arg0: i32, %arg1: i32, %arg2: memref<640000xi32, #tpu.memory_space<hbm>>, %arg3: memref<32x10000xf32, #tpu.memory_space<hbm>>, %arg4: memref<20000xi32, #tpu.memory_space<vmem>>, %arg5: memref<10000xf32, #tpu.memory_space<vmem>>) attributes {dimension_semantics = [#tpu.dimension_semantics<core_parallel>, #tpu.dimension_semantics<subcore_parallel>], iteration_bounds = array<i64: 2, 16>, scalar_prefetch = 0 : i64, scratch_operands = 2 : i64, tpu.core_type = #tpu.core_type<sc_vector_subcore>, window_params = [{transform_indices = #map}, {transform_indices = #map1}]} {
    %mul3A = arith.constant 16 : i32
    %mul3A_0 = arith.muli %arg0, %mul3A : i32
    %add3A = arith.addi %mul3A_0, %arg1 : i32
    %broadcast_in_dim3A = arith.constant 0.000000e+00 : f32
    %broadcast_in_dim3A_1 = vector.broadcast %broadcast_in_dim3A : f32 to vector<16xf32>
    %scan3A = arith.constant 0 : i32
    %scan3A_2 = arith.constant 625 : i32
    %scan3A_3 = arith.addi %scan3A, %scan3A_2 : i32
    %scan3A_4 = arith.constant 1 : i32
    scf.for %scan3A_15 = %scan3A to %scan3A_3 step %scan3A_4  : i32 {
      %mul3A_16 = arith.constant 16 : i32
      %mul3A_17 = arith.muli %scan3A_15, %mul3A_16 : i32
      %swap3A = arith.index_cast %mul3A_17 : i32 to index
      %swap3A_18 = tpu.vector_load %arg5[%swap3A] {strides = array<i32>} : memref<10000xf32, #tpu.memory_space<vmem>>, vector<16xf32>,
      tpu.vector_store %arg5[%swap3A], %broadcast_in_dim3A_1 {strides = array<i32>} : memref<10000xf32, #tpu.memory_space<vmem>>, vector<16xf32>,
    }
    %scan3A_5 = arith.constant 625 : i32
    %mul3A_6 = arith.constant 20000 : i32
    %mul3A_7 = arith.muli %add3A, %mul3A_6 : i32
    "tpu.region"() ({
      %run_scoped3A = tpu.sem_alloc : memref<!tpu.dma_semaphore, #tpu.memory_space<semaphore_mem>>
      %dma_start3A = tpu.memref_slice %arg2[%mul3A_7] : memref<640000xi32, #tpu.memory_space<hbm>> -> memref<20000xi32, #tpu.memory_space<hbm>>
      %dma_start3A_15 = tpu.memref_slice %arg2[%mul3A_7] : memref<640000xi32, #tpu.memory_space<hbm>> -> memref<20000xi32, #tpu.memory_space<hbm>>
      tpu.enqueue_dma source(%dma_start3A_15 : memref<20000xi32, #tpu.memory_space<hbm>>) target(%arg4 : memref<20000xi32, #tpu.memory_space<vmem>>) target_semaphore(%run_scoped3A : memref<!tpu.dma_semaphore, #tpu.memory_space<semaphore_mem>>)
      %dma_wait3A = tpu.memref_slice %arg2[%mul3A_7] : memref<640000xi32, #tpu.memory_space<hbm>> -> memref<20000xi32, #tpu.memory_space<hbm>>
      %dma_wait3A_16 = tpu.memref_slice %arg2[%mul3A_7] : memref<640000xi32, #tpu.memory_space<hbm>> -> memref<20000xi32, #tpu.memory_space<hbm>>
      tpu.wait_dma2 semaphore(%run_scoped3A : memref<!tpu.dma_semaphore, #tpu.memory_space<semaphore_mem>>) src(%dma_wait3A_16 : memref<20000xi32, #tpu.memory_space<hbm>>) dst(%arg4 : memref<20000xi32, #tpu.memory_space<vmem>>)
      tpu.yield
    }) : () -> ()
    %broadcast_in_dim3A_8 = arith.constant 1.000000e+00 : f32
    %broadcast_in_dim3A_9 = vector.broadcast %broadcast_in_dim3A_8 : f32 to vector<16xf32>
    %scan3A_10 = arith.constant 0 : i32
    %scan3A_11 = arith.constant 1250 : i32
    %scan3A_12 = arith.addi %scan3A_10, %scan3A_11 : i32
    %scan3A_13 = arith.constant 1 : i32
    scf.for %scan3A_15 = %scan3A_10 to %scan3A_12 step %scan3A_13  : i32 {
      %mul3A_16 = arith.constant 16 : i32
      %mul3A_17 = arith.muli %scan3A_15, %mul3A_16 : i32
      %get3A = arith.index_cast %mul3A_17 : i32 to index
      %get3A_18 = tpu.vector_load %arg4[%get3A] {strides = array<i32>} : memref<20000xi32, #tpu.memory_space<vmem>>, vector<16xi32>,
      tpu.vector_store_idx %arg5[%get3A_18], %broadcast_in_dim3A_9 {add = true} : memref<10000xf32, #tpu.memory_space<vmem>>[vector<16xi32>], vector<16xf32>,
    }
    %scan3A_14 = arith.constant 1250 : i32
    "tpu.region"() ({
      %run_scoped3A = tpu.sem_alloc : memref<!tpu.dma_semaphore, #tpu.memory_space<semaphore_mem>>
      %dma_start3A = arith.constant 0 : i32
      %dma_start3A_15 = tpu.memref_slice %arg3[%add3A, %dma_start3A] : memref<32x10000xf32, #tpu.memory_space<hbm>> -> memref<1x10000xf32, #tpu.memory_space<hbm>>
      %dma_start3A_16 = tpu.memref_squeeze %dma_start3A_15 : memref<1x10000xf32, #tpu.memory_space<hbm>> -> memref<10000xf32, #tpu.memory_space<hbm>>
      %dma_start3A_17 = arith.constant 0 : i32
      %dma_start3A_18 = tpu.memref_slice %arg3[%add3A, %dma_start3A_17] : memref<32x10000xf32, #tpu.memory_space<hbm>> -> memref<1x10000xf32, #tpu.memory_space<hbm>>
      %dma_start3A_19 = tpu.memref_squeeze %dma_start3A_18 : memref<1x10000xf32, #tpu.memory_space<hbm>> -> memref<10000xf32, #tpu.memory_space<hbm>>
      tpu.enqueue_dma source(%arg5 : memref<10000xf32, #tpu.memory_space<vmem>>) target(%dma_start3A_19 : memref<10000xf32, #tpu.memory_space<hbm>>) target_semaphore(%run_scoped3A : memref<!tpu.dma_semaphore, #tpu.memory_space<semaphore_mem>>)
      %dma_wait3A = arith.constant 0 : i32
      %dma_wait3A_20 = tpu.memref_slice %arg3[%add3A, %dma_wait3A] : memref<32x10000xf32, #tpu.memory_space<hbm>> -> memref<1x10000xf32, #tpu.memory_space<hbm>>
      %dma_wait3A_21 = tpu.memref_squeeze %dma_wait3A_20 : memref<1x10000xf32, #tpu.memory_space<hbm>> -> memref<10000xf32, #tpu.memory_space<hbm>>
      %dma_wait3A_22 = arith.constant 0 : i32
      %dma_wait3A_23 = tpu.memref_slice %arg3[%add3A, %dma_wait3A_22] : memref<32x10000xf32, #tpu.memory_space<hbm>> -> memref<1x10000xf32, #tpu.memory_space<hbm>>
      %dma_wait3A_24 = tpu.memref_squeeze %dma_wait3A_23 : memref<1x10000xf32, #tpu.memory_space<hbm>> -> memref<10000xf32, #tpu.memory_space<hbm>>
      tpu.wait_dma2 semaphore(%run_scoped3A : memref<!tpu.dma_semaphore, #tpu.memory_space<semaphore_mem>>) src(%arg5 : memref<10000xf32, #tpu.memory_space<vmem>>) dst(%dma_wait3A_24 : memref<10000xf32, #tpu.memory_space<hbm>>)
      tpu.yield
    }) : () -> ()
    return
  }
}

#map = affine_map<(d0, d1) -> (0, 0)>
#map1 = affine_map<(d0, d1) -> (0, 0, 0)>
module attributes {stable_mosaic.version = 14 : i64} {
  func.func @_sc_scatter_body(%arg0: i32, %arg1: i32, %arg2: memref<10000x128xf32, #tpu.memory_space<hbm>>, %arg3: memref<6400x100xi32, #tpu.memory_space<hbm>>, %arg4: memref<6400x100xi32, #tpu.memory_space<hbm>>, %arg5: memref<624x128xf32, #tpu.memory_space<hbm>>, %arg6: memref<2x10000x128xf32, #tpu.memory_space<hbm>>, %arg7: memref<8x100xi32, #tpu.memory_space<vmem>>, %arg8: memref<8x100xi32, #tpu.memory_space<vmem>>, %arg9: memref<100x128xf32, #tpu.memory_space<vmem>>, %arg10: memref<10000x128xf32, #tpu.memory_space<vmem_shared>>) attributes {dimension_semantics = [#tpu.dimension_semantics<core_parallel>, #tpu.dimension_semantics<subcore_parallel>], iteration_bounds = array<i64: 2, 16>, scalar_prefetch = 0 : i64, scratch_operands = 4 : i64, tpu.core_type = #tpu.core_type<sc_vector_subcore>, window_params = [{transform_indices = #map}, {transform_indices = #map}, {transform_indices = #map}, {transform_indices = #map}, {transform_indices = #map1}]} {
    %mul3A = arith.constant 16 : i32
    %mul3A_0 = arith.muli %arg0, %mul3A : i32
    %add3A = arith.addi %mul3A_0, %arg1 : i32
    %mul3A_1 = arith.constant 624 : i32
    %mul3A_2 = arith.muli %arg1, %mul3A_1 : i32
    "tpu.region"() ({
      %run_scoped3A = tpu.sem_alloc : memref<!tpu.dma_semaphore, #tpu.memory_space<semaphore_mem>>
      %dma_start3A = arith.constant 0 : i32
      %dma_start3A_19 = tpu.memref_slice %arg10[%mul3A_2, %dma_start3A] : memref<10000x128xf32, #tpu.memory_space<vmem_shared>> -> memref<624x128xf32, #tpu.memory_space<vmem_shared>>
      tpu.enqueue_dma source(%arg5 : memref<624x128xf32, #tpu.memory_space<hbm>>) target(%dma_start3A_19 : memref<624x128xf32, #tpu.memory_space<vmem_shared>>) target_semaphore(%run_scoped3A : memref<!tpu.dma_semaphore, #tpu.memory_space<semaphore_mem>>)
      %dma_wait3A = arith.constant 0 : i32
      %dma_wait3A_20 = tpu.memref_slice %arg10[%mul3A_2, %dma_wait3A] : memref<10000x128xf32, #tpu.memory_space<vmem_shared>> -> memref<624x128xf32, #tpu.memory_space<vmem_shared>>
      tpu.wait_dma2 semaphore(%run_scoped3A : memref<!tpu.dma_semaphore, #tpu.memory_space<semaphore_mem>>) src(%arg5 : memref<624x128xf32, #tpu.memory_space<hbm>>) dst(%dma_wait3A_20 : memref<624x128xf32, #tpu.memory_space<vmem_shared>>)
      tpu.yield
    }) : () -> ()
    %eq3A = arith.constant 0 : i32
    %eq3A_3 = arith.cmpi eq, %arg1, %eq3A : i32
    %convert_element_type3A = arith.extui %eq3A_3 : i1 to i32
    %cond3A = arith.constant 0 : i32
    %cond3A_4 = arith.cmpi ne, %convert_element_type3A, %cond3A : i32
    scf.if %cond3A_4 {
      "tpu.region"() ({
        %run_scoped3A = tpu.sem_alloc : memref<!tpu.dma_semaphore, #tpu.memory_space<semaphore_mem>>
        %dma_start3A = arith.constant 9984 : i32
        %dma_start3A_19 = arith.constant 0 : i32
        %dma_start3A_20 = tpu.memref_slice %arg10[%dma_start3A, %dma_start3A_19] : memref<10000x128xf32, #tpu.memory_space<vmem_shared>> -> memref<16x128xf32, #tpu.memory_space<vmem_shared>>
        %dma_start3A_21 = arith.constant 0 : i32
        %dma_start3A_22 = arith.constant 0 : i32
        %dma_start3A_23 = tpu.memref_slice %arg5[%dma_start3A_21, %dma_start3A_22] : memref<624x128xf32, #tpu.memory_space<hbm>> -> memref<16x128xf32, #tpu.memory_space<hbm>>
        tpu.enqueue_dma source(%dma_start3A_23 : memref<16x128xf32, #tpu.memory_space<hbm>>) target(%dma_start3A_20 : memref<16x128xf32, #tpu.memory_space<vmem_shared>>) target_semaphore(%run_scoped3A : memref<!tpu.dma_semaphore, #tpu.memory_space<semaphore_mem>>)
        %dma_wait3A = arith.constant 9984 : i32
        %dma_wait3A_24 = arith.constant 0 : i32
        %dma_wait3A_25 = tpu.memref_slice %arg10[%dma_wait3A, %dma_wait3A_24] : memref<10000x128xf32, #tpu.memory_space<vmem_shared>> -> memref<16x128xf32, #tpu.memory_space<vmem_shared>>
        %dma_wait3A_26 = arith.constant 0 : i32
        %dma_wait3A_27 = arith.constant 0 : i32
        %dma_wait3A_28 = tpu.memref_slice %arg5[%dma_wait3A_26, %dma_wait3A_27] : memref<624x128xf32, #tpu.memory_space<hbm>> -> memref<16x128xf32, #tpu.memory_space<hbm>>
        tpu.wait_dma2 semaphore(%run_scoped3A : memref<!tpu.dma_semaphore, #tpu.memory_space<semaphore_mem>>) src(%dma_wait3A_28 : memref<16x128xf32, #tpu.memory_space<hbm>>) dst(%dma_wait3A_25 : memref<16x128xf32, #tpu.memory_space<vmem_shared>>)
        tpu.yield
      }) : () -> ()
    } else {
    }
    %barrier3A = arith.constant 0 : index
    tpu.barrier barrier_id(%barrier3A)
    %scan3A = arith.constant 0 : i32
    %scan3A_5 = arith.constant 25 : i32
    %scan3A_6 = arith.addi %scan3A, %scan3A_5 : i32
    %scan3A_7 = arith.constant 1 : i32
    scf.for %scan3A_19 = %scan3A to %scan3A_6 step %scan3A_7  : i32 {
      %mul3A_20 = arith.constant 200 : i32
      %mul3A_21 = arith.muli %add3A, %mul3A_20 : i32
      %mul3A_22 = arith.constant 8 : i32
      %mul3A_23 = arith.muli %scan3A_19, %mul3A_22 : i32
      %add3A_24 = arith.addi %mul3A_21, %mul3A_23 : i32
      "tpu.region"() ({
        %run_scoped3A = tpu.sem_alloc : memref<!tpu.dma_semaphore, #tpu.memory_space<semaphore_mem>>
        %dma_start3A = arith.constant 0 : i32
        %dma_start3A_30 = tpu.memref_slice %arg3[%add3A_24, %dma_start3A] : memref<6400x100xi32, #tpu.memory_space<hbm>> -> memref<8x100xi32, #tpu.memory_space<hbm>>
        %dma_start3A_31 = arith.constant 0 : i32
        %dma_start3A_32 = tpu.memref_slice %arg3[%add3A_24, %dma_start3A_31] : memref<6400x100xi32, #tpu.memory_space<hbm>> -> memref<8x100xi32, #tpu.memory_space<hbm>>
        tpu.enqueue_dma source(%dma_start3A_32 : memref<8x100xi32, #tpu.memory_space<hbm>>) target(%arg7 : memref<8x100xi32, #tpu.memory_space<vmem>>) target_semaphore(%run_scoped3A : memref<!tpu.dma_semaphore, #tpu.memory_space<semaphore_mem>>)
        %dma_wait3A = arith.constant 0 : i32
        %dma_wait3A_33 = tpu.memref_slice %arg3[%add3A_24, %dma_wait3A] : memref<6400x100xi32, #tpu.memory_space<hbm>> -> memref<8x100xi32, #tpu.memory_space<hbm>>
        %dma_wait3A_34 = arith.constant 0 : i32
        %dma_wait3A_35 = tpu.memref_slice %arg3[%add3A_24, %dma_wait3A_34] : memref<6400x100xi32, #tpu.memory_space<hbm>> -> memref<8x100xi32, #tpu.memory_space<hbm>>
        tpu.wait_dma2 semaphore(%run_scoped3A : memref<!tpu.dma_semaphore, #tpu.memory_space<semaphore_mem>>) src(%dma_wait3A_35 : memref<8x100xi32, #tpu.memory_space<hbm>>) dst(%arg7 : memref<8x100xi32, #tpu.memory_space<vmem>>)
        tpu.yield
      }) : () -> ()
      "tpu.region"() ({
        %run_scoped3A = tpu.sem_alloc : memref<!tpu.dma_semaphore, #tpu.memory_space<semaphore_mem>>
        %dma_start3A = arith.constant 0 : i32
        %dma_start3A_30 = tpu.memref_slice %arg4[%add3A_24, %dma_start3A] : memref<6400x100xi32, #tpu.memory_space<hbm>> -> memref<8x100xi32, #tpu.memory_space<hbm>>
        %dma_start3A_31 = arith.constant 0 : i32
        %dma_start3A_32 = tpu.memref_slice %arg4[%add3A_24, %dma_start3A_31] : memref<6400x100xi32, #tpu.memory_space<hbm>> -> memref<8x100xi32, #tpu.memory_space<hbm>>
        tpu.enqueue_dma source(%dma_start3A_32 : memref<8x100xi32, #tpu.memory_space<hbm>>) target(%arg8 : memref<8x100xi32, #tpu.memory_space<vmem>>) target_semaphore(%run_scoped3A : memref<!tpu.dma_semaphore, #tpu.memory_space<semaphore_mem>>)
        %dma_wait3A = arith.constant 0 : i32
        %dma_wait3A_33 = tpu.memref_slice %arg4[%add3A_24, %dma_wait3A] : memref<6400x100xi32, #tpu.memory_space<hbm>> -> memref<8x100xi32, #tpu.memory_space<hbm>>
        %dma_wait3A_34 = arith.constant 0 : i32
        %dma_wait3A_35 = tpu.memref_slice %arg4[%add3A_24, %dma_wait3A_34] : memref<6400x100xi32, #tpu.memory_space<hbm>> -> memref<8x100xi32, #tpu.memory_space<hbm>>
        tpu.wait_dma2 semaphore(%run_scoped3A : memref<!tpu.dma_semaphore, #tpu.memory_space<semaphore_mem>>) src(%dma_wait3A_35 : memref<8x100xi32, #tpu.memory_space<hbm>>) dst(%arg8 : memref<8x100xi32, #tpu.memory_space<vmem>>)
        tpu.yield
      }) : () -> ()
      %scan3A_25 = arith.constant 0 : i32
      %scan3A_26 = arith.constant 8 : i32
      %scan3A_27 = arith.addi %scan3A_25, %scan3A_26 : i32
      %scan3A_28 = arith.constant 1 : i32
      scf.for %scan3A_30 = %scan3A_25 to %scan3A_27 step %scan3A_28  : i32 {
        "tpu.region"() ({
          %run_scoped3A = tpu.sem_alloc : memref<!tpu.dma_semaphore, #tpu.memory_space<semaphore_mem>>
          %dma_start3A = arith.constant 0 : i32
          %dma_start3A_31 = tpu.memref_slice %arg7[%scan3A_30, %dma_start3A] : memref<8x100xi32, #tpu.memory_space<vmem>> -> memref<1x100xi32, #tpu.memory_space<vmem>>
          %dma_start3A_32 = tpu.memref_squeeze %dma_start3A_31 : memref<1x100xi32, #tpu.memory_space<vmem>> -> memref<100xi32, #tpu.memory_space<vmem>>
          %dma_start3A_33 = arith.constant 0 : i32
          %dma_start3A_34 = arith.constant 0 : i32
          %dma_start3A_35 = tpu.memref_slice %arg2[%dma_start3A_33, %dma_start3A_34] : memref<10000x128xf32, #tpu.memory_space<hbm>> -> memref<10000x128xf32, #tpu.memory_space<hbm>>
          tpu.enqueue_indirect_dma source(%dma_start3A_35 : memref<10000x128xf32, #tpu.memory_space<hbm>>) target(%arg9 : memref<100x128xf32, #tpu.memory_space<vmem>>) offsets(%dma_start3A_32 : memref<100xi32, #tpu.memory_space<vmem>>) semaphore(%run_scoped3A : memref<!tpu.dma_semaphore, #tpu.memory_space<semaphore_mem>>)
          %dma_wait3A = arith.constant 0 : i32
          %dma_wait3A_36 = tpu.memref_slice %arg7[%scan3A_30, %dma_wait3A] : memref<8x100xi32, #tpu.memory_space<vmem>> -> memref<1x100xi32, #tpu.memory_space<vmem>>
          %dma_wait3A_37 = tpu.memref_squeeze %dma_wait3A_36 : memref<1x100xi32, #tpu.memory_space<vmem>> -> memref<100xi32, #tpu.memory_space<vmem>>
          %dma_wait3A_38 = arith.constant 0 : i32
          %dma_wait3A_39 = arith.constant 0 : i32
          %dma_wait3A_40 = tpu.memref_slice %arg2[%dma_wait3A_38, %dma_wait3A_39] : memref<10000x128xf32, #tpu.memory_space<hbm>> -> memref<10000x128xf32, #tpu.memory_space<hbm>>
          tpu.wait_indirect_dma semaphore(%run_scoped3A : memref<!tpu.dma_semaphore, #tpu.memory_space<semaphore_mem>>) src(%dma_wait3A_40 : memref<10000x128xf32, #tpu.memory_space<hbm>>) dst(%arg9 : memref<100x128xf32, #tpu.memory_space<vmem>>)
          tpu.yield
        }) : () -> ()
        "tpu.region"() ({
          %run_scoped3A = tpu.sem_alloc : memref<!tpu.dma_semaphore, #tpu.memory_space<semaphore_mem>>
          %dma_start3A = arith.constant 0 : i32
          %dma_start3A_31 = tpu.memref_slice %arg8[%scan3A_30, %dma_start3A] : memref<8x100xi32, #tpu.memory_space<vmem>> -> memref<1x100xi32, #tpu.memory_space<vmem>>
          %dma_start3A_32 = tpu.memref_squeeze %dma_start3A_31 : memref<1x100xi32, #tpu.memory_space<vmem>> -> memref<100xi32, #tpu.memory_space<vmem>>
          %dma_start3A_33 = arith.constant 0 : i32
          %dma_start3A_34 = arith.constant 0 : i32
          %dma_start3A_35 = tpu.memref_slice %arg10[%dma_start3A_33, %dma_start3A_34] : memref<10000x128xf32, #tpu.memory_space<vmem_shared>> -> memref<10000x128xf32, #tpu.memory_space<vmem_shared>>
          tpu.enqueue_indirect_dma source(%arg9 : memref<100x128xf32, #tpu.memory_space<vmem>>) target(%dma_start3A_35 : memref<10000x128xf32, #tpu.memory_space<vmem_shared>>) offsets(%dma_start3A_32 : memref<100xi32, #tpu.memory_space<vmem>>) semaphore(%run_scoped3A : memref<!tpu.dma_semaphore, #tpu.memory_space<semaphore_mem>>) {add = true}
          %dma_wait3A = arith.constant 0 : i32
          %dma_wait3A_36 = tpu.memref_slice %arg8[%scan3A_30, %dma_wait3A] : memref<8x100xi32, #tpu.memory_space<vmem>> -> memref<1x100xi32, #tpu.memory_space<vmem>>
          %dma_wait3A_37 = tpu.memref_squeeze %dma_wait3A_36 : memref<1x100xi32, #tpu.memory_space<vmem>> -> memref<100xi32, #tpu.memory_space<vmem>>
          %dma_wait3A_38 = arith.constant 0 : i32
          %dma_wait3A_39 = arith.constant 0 : i32
          %dma_wait3A_40 = tpu.memref_slice %arg10[%dma_wait3A_38, %dma_wait3A_39] : memref<10000x128xf32, #tpu.memory_space<vmem_shared>> -> memref<10000x128xf32, #tpu.memory_space<vmem_shared>>
          tpu.wait_indirect_dma semaphore(%run_scoped3A : memref<!tpu.dma_semaphore, #tpu.memory_space<semaphore_mem>>) src(%arg9 : memref<100x128xf32, #tpu.memory_space<vmem>>) dst(%dma_wait3A_40 : memref<10000x128xf32, #tpu.memory_space<vmem_shared>>)
          tpu.yield
        }) : () -> ()
      }
      %scan3A_29 = arith.constant 8 : i32
    }
    %scan3A_8 = arith.constant 25 : i32
    %barrier3A_9 = arith.constant 0 : index
    tpu.barrier barrier_id(%barrier3A_9)
    %mul3A_10 = arith.constant 624 : i32
    %mul3A_11 = arith.muli %arg1, %mul3A_10 : i32
    %mul3A_12 = arith.constant 624 : i32
    %mul3A_13 = arith.muli %arg1, %mul3A_12 : i32
    "tpu.region"() ({
      %run_scoped3A = tpu.sem_alloc : memref<!tpu.dma_semaphore, #tpu.memory_space<semaphore_mem>>
      %dma_start3A = arith.constant 0 : i32
      %dma_start3A_19 = tpu.memref_slice %arg6[%arg0, %mul3A_13, %dma_start3A] : memref<2x10000x128xf32, #tpu.memory_space<hbm>> -> memref<1x624x128xf32, #tpu.memory_space<hbm>>
      %dma_start3A_20 = tpu.memref_squeeze %dma_start3A_19 : memref<1x624x128xf32, #tpu.memory_space<hbm>> -> memref<624x128xf32, #tpu.memory_space<hbm>>
      %dma_start3A_21 = arith.constant 0 : i32
      %dma_start3A_22 = tpu.memref_slice %arg10[%mul3A_11, %dma_start3A_21] : memref<10000x128xf32, #tpu.memory_space<vmem_shared>> -> memref<624x128xf32, #tpu.memory_space<vmem_shared>>
      tpu.enqueue_dma source(%dma_start3A_22 : memref<624x128xf32, #tpu.memory_space<vmem_shared>>) target(%dma_start3A_20 : memref<624x128xf32, #tpu.memory_space<hbm>>) target_semaphore(%run_scoped3A : memref<!tpu.dma_semaphore, #tpu.memory_space<semaphore_mem>>)
      %dma_wait3A = arith.constant 0 : i32
      %dma_wait3A_23 = tpu.memref_slice %arg6[%arg0, %mul3A_13, %dma_wait3A] : memref<2x10000x128xf32, #tpu.memory_space<hbm>> -> memref<1x624x128xf32, #tpu.memory_space<hbm>>
      %dma_wait3A_24 = tpu.memref_squeeze %dma_wait3A_23 : memref<1x624x128xf32, #tpu.memory_space<hbm>> -> memref<624x128xf32, #tpu.memory_space<hbm>>
      %dma_wait3A_25 = arith.constant 0 : i32
      %dma_wait3A_26 = tpu.memref_slice %arg10[%mul3A_11, %dma_wait3A_25] : memref<10000x128xf32, #tpu.memory_space<vmem_shared>> -> memref<624x128xf32, #tpu.memory_space<vmem_shared>>
      tpu.wait_dma2 semaphore(%run_scoped3A : memref<!tpu.dma_semaphore, #tpu.memory_space<semaphore_mem>>) src(%dma_wait3A_26 : memref<624x128xf32, #tpu.memory_space<vmem_shared>>) dst(%dma_wait3A_24 : memref<624x128xf32, #tpu.memory_space<hbm>>)
      tpu.yield
    }) : () -> ()
    %eq3A_14 = arith.constant 0 : i32
    %eq3A_15 = arith.cmpi eq, %arg1, %eq3A_14 : i32
    %convert_element_type3A_16 = arith.extui %eq3A_15 : i1 to i32
    %cond3A_17 = arith.constant 0 : i32
    %cond3A_18 = arith.cmpi ne, %convert_element_type3A_16, %cond3A_17 : i32
    scf.if %cond3A_18 {
      "tpu.region"() ({
        %run_scoped3A = tpu.sem_alloc : memref<!tpu.dma_semaphore, #tpu.memory_space<semaphore_mem>>
        %dma_start3A = arith.constant 9984 : i32
        %dma_start3A_19 = arith.constant 0 : i32
        %dma_start3A_20 = tpu.memref_slice %arg6[%arg0, %dma_start3A, %dma_start3A_19] : memref<2x10000x128xf32, #tpu.memory_space<hbm>> -> memref<1x16x128xf32, #tpu.memory_space<hbm>>
        %dma_start3A_21 = tpu.memref_squeeze %dma_start3A_20 : memref<1x16x128xf32, #tpu.memory_space<hbm>> -> memref<16x128xf32, #tpu.memory_space<hbm>>
        %dma_start3A_22 = arith.constant 9984 : i32
        %dma_start3A_23 = arith.constant 0 : i32
        %dma_start3A_24 = tpu.memref_slice %arg10[%dma_start3A_22, %dma_start3A_23] : memref<10000x128xf32, #tpu.memory_space<vmem_shared>> -> memref<16x128xf32, #tpu.memory_space<vmem_shared>>
        tpu.enqueue_dma source(%dma_start3A_24 : memref<16x128xf32, #tpu.memory_space<vmem_shared>>) target(%dma_start3A_21 : memref<16x128xf32, #tpu.memory_space<hbm>>) target_semaphore(%run_scoped3A : memref<!tpu.dma_semaphore, #tpu.memory_space<semaphore_mem>>)
        %dma_wait3A = arith.constant 9984 : i32
        %dma_wait3A_25 = arith.constant 0 : i32
        %dma_wait3A_26 = tpu.memref_slice %arg6[%arg0, %dma_wait3A, %dma_wait3A_25] : memref<2x10000x128xf32, #tpu.memory_space<hbm>> -> memref<1x16x128xf32, #tpu.memory_space<hbm>>
        %dma_wait3A_27 = tpu.memref_squeeze %dma_wait3A_26 : memref<1x16x128xf32, #tpu.memory_space<hbm>> -> memref<16x128xf32, #tpu.memory_space<hbm>>
        %dma_wait3A_28 = arith.constant 9984 : i32
        %dma_wait3A_29 = arith.constant 0 : i32
        %dma_wait3A_30 = tpu.memref_slice %arg10[%dma_wait3A_28, %dma_wait3A_29] : memref<10000x128xf32, #tpu.memory_space<vmem_shared>> -> memref<16x128xf32, #tpu.memory_space<vmem_shared>>
        tpu.wait_dma2 semaphore(%run_scoped3A : memref<!tpu.dma_semaphore, #tpu.memory_space<semaphore_mem>>) src(%dma_wait3A_30 : memref<16x128xf32, #tpu.memory_space<vmem_shared>>) dst(%dma_wait3A_27 : memref<16x128xf32, #tpu.memory_space<hbm>>)
        tpu.yield
      }) : () -> ()
    } else {
    }
    return
  }
}

#map = affine_map<(d0, d1) -> (0, 0)>
#map1 = affine_map<(d0, d1) -> (0, 0, 0)>
module attributes {stable_mosaic.version = 14 : i64} {
  func.func @_sc_scatter_body(%arg0: i32, %arg1: i32, %arg2: memref<10000x128xf32, #tpu.memory_space<hbm>>, %arg3: memref<6400x100xi32, #tpu.memory_space<hbm>>, %arg4: memref<6400x100xi32, #tpu.memory_space<hbm>>, %arg5: memref<624x128xf32, #tpu.memory_space<hbm>>, %arg6: memref<2x10000x128xf32, #tpu.memory_space<hbm>>, %arg7: memref<8x100xi32, #tpu.memory_space<vmem>>, %arg8: memref<8x100xi32, #tpu.memory_space<vmem>>, %arg9: memref<100x128xf32, #tpu.memory_space<vmem>>, %arg10: memref<10000x128xf32, #tpu.memory_space<vmem_shared>>) attributes {dimension_semantics = [#tpu.dimension_semantics<core_parallel>, #tpu.dimension_semantics<subcore_parallel>], iteration_bounds = array<i64: 2, 16>, scalar_prefetch = 0 : i64, scratch_operands = 4 : i64, tpu.core_type = #tpu.core_type<sc_vector_subcore>, window_params = [{transform_indices = #map}, {transform_indices = #map}, {transform_indices = #map}, {transform_indices = #map}, {transform_indices = #map1}]} {
    %mul3A = arith.constant 16 : i32
    %mul3A_0 = arith.muli %arg0, %mul3A : i32
    %add3A = arith.addi %mul3A_0, %arg1 : i32
    %mul3A_1 = arith.constant 624 : i32
    %mul3A_2 = arith.muli %arg1, %mul3A_1 : i32
    "tpu.region"() ({
      %run_scoped3A = tpu.sem_alloc : memref<!tpu.dma_semaphore, #tpu.memory_space<semaphore_mem>>
      %dma_start3A = arith.constant 0 : i32
      %dma_start3A_19 = tpu.memref_slice %arg10[%mul3A_2, %dma_start3A] : memref<10000x128xf32, #tpu.memory_space<vmem_shared>> -> memref<624x128xf32, #tpu.memory_space<vmem_shared>>
      tpu.enqueue_dma source(%arg5 : memref<624x128xf32, #tpu.memory_space<hbm>>) target(%dma_start3A_19 : memref<624x128xf32, #tpu.memory_space<vmem_shared>>) target_semaphore(%run_scoped3A : memref<!tpu.dma_semaphore, #tpu.memory_space<semaphore_mem>>)
      %dma_wait3A = arith.constant 0 : i32
      %dma_wait3A_20 = tpu.memref_slice %arg10[%mul3A_2, %dma_wait3A] : memref<10000x128xf32, #tpu.memory_space<vmem_shared>> -> memref<624x128xf32, #tpu.memory_space<vmem_shared>>
      tpu.wait_dma2 semaphore(%run_scoped3A : memref<!tpu.dma_semaphore, #tpu.memory_space<semaphore_mem>>) src(%arg5 : memref<624x128xf32, #tpu.memory_space<hbm>>) dst(%dma_wait3A_20 : memref<624x128xf32, #tpu.memory_space<vmem_shared>>)
      tpu.yield
    }) : () -> ()
    %eq3A = arith.constant 0 : i32
    %eq3A_3 = arith.cmpi eq, %arg1, %eq3A : i32
    %convert_element_type3A = arith.extui %eq3A_3 : i1 to i32
    %cond3A = arith.constant 0 : i32
    %cond3A_4 = arith.cmpi ne, %convert_element_type3A, %cond3A : i32
    scf.if %cond3A_4 {
      "tpu.region"() ({
        %run_scoped3A = tpu.sem_alloc : memref<!tpu.dma_semaphore, #tpu.memory_space<semaphore_mem>>
        %dma_start3A = arith.constant 9984 : i32
        %dma_start3A_19 = arith.constant 0 : i32
        %dma_start3A_20 = tpu.memref_slice %arg10[%dma_start3A, %dma_start3A_19] : memref<10000x128xf32, #tpu.memory_space<vmem_shared>> -> memref<16x128xf32, #tpu.memory_space<vmem_shared>>
        %dma_start3A_21 = arith.constant 0 : i32
        %dma_start3A_22 = arith.constant 0 : i32
        %dma_start3A_23 = tpu.memref_slice %arg5[%dma_start3A_21, %dma_start3A_22] : memref<624x128xf32, #tpu.memory_space<hbm>> -> memref<16x128xf32, #tpu.memory_space<hbm>>
        tpu.enqueue_dma source(%dma_start3A_23 : memref<16x128xf32, #tpu.memory_space<hbm>>) target(%dma_start3A_20 : memref<16x128xf32, #tpu.memory_space<vmem_shared>>) target_semaphore(%run_scoped3A : memref<!tpu.dma_semaphore, #tpu.memory_space<semaphore_mem>>)
        %dma_wait3A = arith.constant 9984 : i32
        %dma_wait3A_24 = arith.constant 0 : i32
        %dma_wait3A_25 = tpu.memref_slice %arg10[%dma_wait3A, %dma_wait3A_24] : memref<10000x128xf32, #tpu.memory_space<vmem_shared>> -> memref<16x128xf32, #tpu.memory_space<vmem_shared>>
        %dma_wait3A_26 = arith.constant 0 : i32
        %dma_wait3A_27 = arith.constant 0 : i32
        %dma_wait3A_28 = tpu.memref_slice %arg5[%dma_wait3A_26, %dma_wait3A_27] : memref<624x128xf32, #tpu.memory_space<hbm>> -> memref<16x128xf32, #tpu.memory_space<hbm>>
        tpu.wait_dma2 semaphore(%run_scoped3A : memref<!tpu.dma_semaphore, #tpu.memory_space<semaphore_mem>>) src(%dma_wait3A_28 : memref<16x128xf32, #tpu.memory_space<hbm>>) dst(%dma_wait3A_25 : memref<16x128xf32, #tpu.memory_space<vmem_shared>>)
        tpu.yield
      }) : () -> ()
    } else {
    }
    %barrier3A = arith.constant 0 : index
    tpu.barrier barrier_id(%barrier3A)
    %scan3A = arith.constant 0 : i32
    %scan3A_5 = arith.constant 25 : i32
    %scan3A_6 = arith.addi %scan3A, %scan3A_5 : i32
    %scan3A_7 = arith.constant 1 : i32
    scf.for %scan3A_19 = %scan3A to %scan3A_6 step %scan3A_7  : i32 {
      %mul3A_20 = arith.constant 200 : i32
      %mul3A_21 = arith.muli %add3A, %mul3A_20 : i32
      %mul3A_22 = arith.constant 8 : i32
      %mul3A_23 = arith.muli %scan3A_19, %mul3A_22 : i32
      %add3A_24 = arith.addi %mul3A_21, %mul3A_23 : i32
      "tpu.region"() ({
        %run_scoped3A = tpu.sem_alloc : memref<!tpu.dma_semaphore, #tpu.memory_space<semaphore_mem>>
        %dma_start3A = arith.constant 0 : i32
        %dma_start3A_30 = tpu.memref_slice %arg3[%add3A_24, %dma_start3A] : memref<6400x100xi32, #tpu.memory_space<hbm>> -> memref<8x100xi32, #tpu.memory_space<hbm>>
        %dma_start3A_31 = arith.constant 0 : i32
        %dma_start3A_32 = tpu.memref_slice %arg3[%add3A_24, %dma_start3A_31] : memref<6400x100xi32, #tpu.memory_space<hbm>> -> memref<8x100xi32, #tpu.memory_space<hbm>>
        tpu.enqueue_dma source(%dma_start3A_32 : memref<8x100xi32, #tpu.memory_space<hbm>>) target(%arg7 : memref<8x100xi32, #tpu.memory_space<vmem>>) target_semaphore(%run_scoped3A : memref<!tpu.dma_semaphore, #tpu.memory_space<semaphore_mem>>)
        %dma_wait3A = arith.constant 0 : i32
        %dma_wait3A_33 = tpu.memref_slice %arg3[%add3A_24, %dma_wait3A] : memref<6400x100xi32, #tpu.memory_space<hbm>> -> memref<8x100xi32, #tpu.memory_space<hbm>>
        %dma_wait3A_34 = arith.constant 0 : i32
        %dma_wait3A_35 = tpu.memref_slice %arg3[%add3A_24, %dma_wait3A_34] : memref<6400x100xi32, #tpu.memory_space<hbm>> -> memref<8x100xi32, #tpu.memory_space<hbm>>
        tpu.wait_dma2 semaphore(%run_scoped3A : memref<!tpu.dma_semaphore, #tpu.memory_space<semaphore_mem>>) src(%dma_wait3A_35 : memref<8x100xi32, #tpu.memory_space<hbm>>) dst(%arg7 : memref<8x100xi32, #tpu.memory_space<vmem>>)
        tpu.yield
      }) : () -> ()
      "tpu.region"() ({
        %run_scoped3A = tpu.sem_alloc : memref<!tpu.dma_semaphore, #tpu.memory_space<semaphore_mem>>
        %dma_start3A = arith.constant 0 : i32
        %dma_start3A_30 = tpu.memref_slice %arg4[%add3A_24, %dma_start3A] : memref<6400x100xi32, #tpu.memory_space<hbm>> -> memref<8x100xi32, #tpu.memory_space<hbm>>
        %dma_start3A_31 = arith.constant 0 : i32
        %dma_start3A_32 = tpu.memref_slice %arg4[%add3A_24, %dma_start3A_31] : memref<6400x100xi32, #tpu.memory_space<hbm>> -> memref<8x100xi32, #tpu.memory_space<hbm>>
        tpu.enqueue_dma source(%dma_start3A_32 : memref<8x100xi32, #tpu.memory_space<hbm>>) target(%arg8 : memref<8x100xi32, #tpu.memory_space<vmem>>) target_semaphore(%run_scoped3A : memref<!tpu.dma_semaphore, #tpu.memory_space<semaphore_mem>>)
        %dma_wait3A = arith.constant 0 : i32
        %dma_wait3A_33 = tpu.memref_slice %arg4[%add3A_24, %dma_wait3A] : memref<6400x100xi32, #tpu.memory_space<hbm>> -> memref<8x100xi32, #tpu.memory_space<hbm>>
        %dma_wait3A_34 = arith.constant 0 : i32
        %dma_wait3A_35 = tpu.memref_slice %arg4[%add3A_24, %dma_wait3A_34] : memref<6400x100xi32, #tpu.memory_space<hbm>> -> memref<8x100xi32, #tpu.memory_space<hbm>>
        tpu.wait_dma2 semaphore(%run_scoped3A : memref<!tpu.dma_semaphore, #tpu.memory_space<semaphore_mem>>) src(%dma_wait3A_35 : memref<8x100xi32, #tpu.memory_space<hbm>>) dst(%arg8 : memref<8x100xi32, #tpu.memory_space<vmem>>)
        tpu.yield
      }) : () -> ()
      %scan3A_25 = arith.constant 0 : i32
      %scan3A_26 = arith.constant 8 : i32
      %scan3A_27 = arith.addi %scan3A_25, %scan3A_26 : i32
      %scan3A_28 = arith.constant 1 : i32
      scf.for %scan3A_30 = %scan3A_25 to %scan3A_27 step %scan3A_28  : i32 {
        "tpu.region"() ({
          %run_scoped3A = tpu.sem_alloc : memref<!tpu.dma_semaphore, #tpu.memory_space<semaphore_mem>>
          %dma_start3A = arith.constant 0 : i32
          %dma_start3A_31 = tpu.memref_slice %arg7[%scan3A_30, %dma_start3A] : memref<8x100xi32, #tpu.memory_space<vmem>> -> memref<1x100xi32, #tpu.memory_space<vmem>>
          %dma_start3A_32 = tpu.memref_squeeze %dma_start3A_31 : memref<1x100xi32, #tpu.memory_space<vmem>> -> memref<100xi32, #tpu.memory_space<vmem>>
          %dma_start3A_33 = arith.constant 0 : i32
          %dma_start3A_34 = arith.constant 0 : i32
          %dma_start3A_35 = tpu.memref_slice %arg2[%dma_start3A_33, %dma_start3A_34] : memref<10000x128xf32, #tpu.memory_space<hbm>> -> memref<10000x128xf32, #tpu.memory_space<hbm>>
          tpu.enqueue_indirect_dma source(%dma_start3A_35 : memref<10000x128xf32, #tpu.memory_space<hbm>>) target(%arg9 : memref<100x128xf32, #tpu.memory_space<vmem>>) offsets(%dma_start3A_32 : memref<100xi32, #tpu.memory_space<vmem>>) semaphore(%run_scoped3A : memref<!tpu.dma_semaphore, #tpu.memory_space<semaphore_mem>>)
          %dma_wait3A = arith.constant 0 : i32
          %dma_wait3A_36 = tpu.memref_slice %arg7[%scan3A_30, %dma_wait3A] : memref<8x100xi32, #tpu.memory_space<vmem>> -> memref<1x100xi32, #tpu.memory_space<vmem>>
          %dma_wait3A_37 = tpu.memref_squeeze %dma_wait3A_36 : memref<1x100xi32, #tpu.memory_space<vmem>> -> memref<100xi32, #tpu.memory_space<vmem>>
          %dma_wait3A_38 = arith.constant 0 : i32
          %dma_wait3A_39 = arith.constant 0 : i32
          %dma_wait3A_40 = tpu.memref_slice %arg2[%dma_wait3A_38, %dma_wait3A_39] : memref<10000x128xf32, #tpu.memory_space<hbm>> -> memref<10000x128xf32, #tpu.memory_space<hbm>>
          tpu.wait_indirect_dma semaphore(%run_scoped3A : memref<!tpu.dma_semaphore, #tpu.memory_space<semaphore_mem>>) src(%dma_wait3A_40 : memref<10000x128xf32, #tpu.memory_space<hbm>>) dst(%arg9 : memref<100x128xf32, #tpu.memory_space<vmem>>)
          tpu.yield
        }) : () -> ()
        "tpu.region"() ({
          %run_scoped3A = tpu.sem_alloc : memref<!tpu.dma_semaphore, #tpu.memory_space<semaphore_mem>>
          %dma_start3A = arith.constant 0 : i32
          %dma_start3A_31 = tpu.memref_slice %arg8[%scan3A_30, %dma_start3A] : memref<8x100xi32, #tpu.memory_space<vmem>> -> memref<1x100xi32, #tpu.memory_space<vmem>>
          %dma_start3A_32 = tpu.memref_squeeze %dma_start3A_31 : memref<1x100xi32, #tpu.memory_space<vmem>> -> memref<100xi32, #tpu.memory_space<vmem>>
          %dma_start3A_33 = arith.constant 0 : i32
          %dma_start3A_34 = arith.constant 0 : i32
          %dma_start3A_35 = tpu.memref_slice %arg10[%dma_start3A_33, %dma_start3A_34] : memref<10000x128xf32, #tpu.memory_space<vmem_shared>> -> memref<10000x128xf32, #tpu.memory_space<vmem_shared>>
          tpu.enqueue_indirect_dma source(%arg9 : memref<100x128xf32, #tpu.memory_space<vmem>>) target(%dma_start3A_35 : memref<10000x128xf32, #tpu.memory_space<vmem_shared>>) offsets(%dma_start3A_32 : memref<100xi32, #tpu.memory_space<vmem>>) semaphore(%run_scoped3A : memref<!tpu.dma_semaphore, #tpu.memory_space<semaphore_mem>>) {add = true}
          %dma_wait3A = arith.constant 0 : i32
          %dma_wait3A_36 = tpu.memref_slice %arg8[%scan3A_30, %dma_wait3A] : memref<8x100xi32, #tpu.memory_space<vmem>> -> memref<1x100xi32, #tpu.memory_space<vmem>>
          %dma_wait3A_37 = tpu.memref_squeeze %dma_wait3A_36 : memref<1x100xi32, #tpu.memory_space<vmem>> -> memref<100xi32, #tpu.memory_space<vmem>>
          %dma_wait3A_38 = arith.constant 0 : i32
          %dma_wait3A_39 = arith.constant 0 : i32
          %dma_wait3A_40 = tpu.memref_slice %arg10[%dma_wait3A_38, %dma_wait3A_39] : memref<10000x128xf32, #tpu.memory_space<vmem_shared>> -> memref<10000x128xf32, #tpu.memory_space<vmem_shared>>
          tpu.wait_indirect_dma semaphore(%run_scoped3A : memref<!tpu.dma_semaphore, #tpu.memory_space<semaphore_mem>>) src(%arg9 : memref<100x128xf32, #tpu.memory_space<vmem>>) dst(%dma_wait3A_40 : memref<10000x128xf32, #tpu.memory_space<vmem_shared>>)
          tpu.yield
        }) : () -> ()
      }
      %scan3A_29 = arith.constant 8 : i32
    }
    %scan3A_8 = arith.constant 25 : i32
    %barrier3A_9 = arith.constant 0 : index
    tpu.barrier barrier_id(%barrier3A_9)
    %mul3A_10 = arith.constant 624 : i32
    %mul3A_11 = arith.muli %arg1, %mul3A_10 : i32
    %mul3A_12 = arith.constant 624 : i32
    %mul3A_13 = arith.muli %arg1, %mul3A_12 : i32
    "tpu.region"() ({
      %run_scoped3A = tpu.sem_alloc : memref<!tpu.dma_semaphore, #tpu.memory_space<semaphore_mem>>
      %dma_start3A = arith.constant 0 : i32
      %dma_start3A_19 = tpu.memref_slice %arg6[%arg0, %mul3A_13, %dma_start3A] : memref<2x10000x128xf32, #tpu.memory_space<hbm>> -> memref<1x624x128xf32, #tpu.memory_space<hbm>>
      %dma_start3A_20 = tpu.memref_squeeze %dma_start3A_19 : memref<1x624x128xf32, #tpu.memory_space<hbm>> -> memref<624x128xf32, #tpu.memory_space<hbm>>
      %dma_start3A_21 = arith.constant 0 : i32
      %dma_start3A_22 = tpu.memref_slice %arg10[%mul3A_11, %dma_start3A_21] : memref<10000x128xf32, #tpu.memory_space<vmem_shared>> -> memref<624x128xf32, #tpu.memory_space<vmem_shared>>
      tpu.enqueue_dma source(%dma_start3A_22 : memref<624x128xf32, #tpu.memory_space<vmem_shared>>) target(%dma_start3A_20 : memref<624x128xf32, #tpu.memory_space<hbm>>) target_semaphore(%run_scoped3A : memref<!tpu.dma_semaphore, #tpu.memory_space<semaphore_mem>>)
      %dma_wait3A = arith.constant 0 : i32
      %dma_wait3A_23 = tpu.memref_slice %arg6[%arg0, %mul3A_13, %dma_wait3A] : memref<2x10000x128xf32, #tpu.memory_space<hbm>> -> memref<1x624x128xf32, #tpu.memory_space<hbm>>
      %dma_wait3A_24 = tpu.memref_squeeze %dma_wait3A_23 : memref<1x624x128xf32, #tpu.memory_space<hbm>> -> memref<624x128xf32, #tpu.memory_space<hbm>>
      %dma_wait3A_25 = arith.constant 0 : i32
      %dma_wait3A_26 = tpu.memref_slice %arg10[%mul3A_11, %dma_wait3A_25] : memref<10000x128xf32, #tpu.memory_space<vmem_shared>> -> memref<624x128xf32, #tpu.memory_space<vmem_shared>>
      tpu.wait_dma2 semaphore(%run_scoped3A : memref<!tpu.dma_semaphore, #tpu.memory_space<semaphore_mem>>) src(%dma_wait3A_26 : memref<624x128xf32, #tpu.memory_space<vmem_shared>>) dst(%dma_wait3A_24 : memref<624x128xf32, #tpu.memory_space<hbm>>)
      tpu.yield
    }) : () -> ()
    %eq3A_14 = arith.constant 0 : i32
    %eq3A_15 = arith.cmpi eq, %arg1, %eq3A_14 : i32
    %convert_element_type3A_16 = arith.extui %eq3A_15 : i1 to i32
    %cond3A_17 = arith.constant 0 : i32
    %cond3A_18 = arith.cmpi ne, %convert_element_type3A_16, %cond3A_17 : i32
    scf.if %cond3A_18 {
      "tpu.region"() ({
        %run_scoped3A = tpu.sem_alloc : memref<!tpu.dma_semaphore, #tpu.memory_space<semaphore_mem>>
        %dma_start3A = arith.constant 9984 : i32
        %dma_start3A_19 = arith.constant 0 : i32
        %dma_start3A_20 = tpu.memref_slice %arg6[%arg0, %dma_start3A, %dma_start3A_19] : memref<2x10000x128xf32, #tpu.memory_space<hbm>> -> memref<1x16x128xf32, #tpu.memory_space<hbm>>
        %dma_start3A_21 = tpu.memref_squeeze %dma_start3A_20 : memref<1x16x128xf32, #tpu.memory_space<hbm>> -> memref<16x128xf32, #tpu.memory_space<hbm>>
        %dma_start3A_22 = arith.constant 9984 : i32
        %dma_start3A_23 = arith.constant 0 : i32
        %dma_start3A_24 = tpu.memref_slice %arg10[%dma_start3A_22, %dma_start3A_23] : memref<10000x128xf32, #tpu.memory_space<vmem_shared>> -> memref<16x128xf32, #tpu.memory_space<vmem_shared>>
        tpu.enqueue_dma source(%dma_start3A_24 : memref<16x128xf32, #tpu.memory_space<vmem_shared>>) target(%dma_start3A_21 : memref<16x128xf32, #tpu.memory_space<hbm>>) target_semaphore(%run_scoped3A : memref<!tpu.dma_semaphore, #tpu.memory_space<semaphore_mem>>)
        %dma_wait3A = arith.constant 9984 : i32
        %dma_wait3A_25 = arith.constant 0 : i32
        %dma_wait3A_26 = tpu.memref_slice %arg6[%arg0, %dma_wait3A, %dma_wait3A_25] : memref<2x10000x128xf32, #tpu.memory_space<hbm>> -> memref<1x16x128xf32, #tpu.memory_space<hbm>>
        %dma_wait3A_27 = tpu.memref_squeeze %dma_wait3A_26 : memref<1x16x128xf32, #tpu.memory_space<hbm>> -> memref<16x128xf32, #tpu.memory_space<hbm>>
        %dma_wait3A_28 = arith.constant 9984 : i32
        %dma_wait3A_29 = arith.constant 0 : i32
        %dma_wait3A_30 = tpu.memref_slice %arg10[%dma_wait3A_28, %dma_wait3A_29] : memref<10000x128xf32, #tpu.memory_space<vmem_shared>> -> memref<16x128xf32, #tpu.memory_space<vmem_shared>>
        tpu.wait_dma2 semaphore(%run_scoped3A : memref<!tpu.dma_semaphore, #tpu.memory_space<semaphore_mem>>) src(%dma_wait3A_30 : memref<16x128xf32, #tpu.memory_space<vmem_shared>>) dst(%dma_wait3A_27 : memref<16x128xf32, #tpu.memory_space<hbm>>)
        tpu.yield
      }) : () -> ()
    } else {
    }
    return
  }
}

#map = affine_map<(d0, d1) -> (0, 0)>
#map1 = affine_map<(d0, d1) -> (0, 0, 0)>
module attributes {stable_mosaic.version = 14 : i64} {
  func.func @_sc_scatter_body(%arg0: i32, %arg1: i32, %arg2: memref<10000x128xf32, #tpu.memory_space<hbm>>, %arg3: memref<6400x100xi32, #tpu.memory_space<hbm>>, %arg4: memref<6400x100xi32, #tpu.memory_space<hbm>>, %arg5: memref<624x128xf32, #tpu.memory_space<hbm>>, %arg6: memref<2x10000x128xf32, #tpu.memory_space<hbm>>, %arg7: memref<8x100xi32, #tpu.memory_space<vmem>>, %arg8: memref<8x100xi32, #tpu.memory_space<vmem>>, %arg9: memref<100x128xf32, #tpu.memory_space<vmem>>, %arg10: memref<10000x128xf32, #tpu.memory_space<vmem_shared>>) attributes {dimension_semantics = [#tpu.dimension_semantics<core_parallel>, #tpu.dimension_semantics<subcore_parallel>], iteration_bounds = array<i64: 2, 16>, scalar_prefetch = 0 : i64, scratch_operands = 4 : i64, tpu.core_type = #tpu.core_type<sc_vector_subcore>, window_params = [{transform_indices = #map}, {transform_indices = #map}, {transform_indices = #map}, {transform_indices = #map}, {transform_indices = #map1}]} {
    %mul3A = arith.constant 16 : i32
    %mul3A_0 = arith.muli %arg0, %mul3A : i32
    %add3A = arith.addi %mul3A_0, %arg1 : i32
    %mul3A_1 = arith.constant 624 : i32
    %mul3A_2 = arith.muli %arg1, %mul3A_1 : i32
    "tpu.region"() ({
      %run_scoped3A = tpu.sem_alloc : memref<!tpu.dma_semaphore, #tpu.memory_space<semaphore_mem>>
      %dma_start3A = arith.constant 0 : i32
      %dma_start3A_19 = tpu.memref_slice %arg10[%mul3A_2, %dma_start3A] : memref<10000x128xf32, #tpu.memory_space<vmem_shared>> -> memref<624x128xf32, #tpu.memory_space<vmem_shared>>
      tpu.enqueue_dma source(%arg5 : memref<624x128xf32, #tpu.memory_space<hbm>>) target(%dma_start3A_19 : memref<624x128xf32, #tpu.memory_space<vmem_shared>>) target_semaphore(%run_scoped3A : memref<!tpu.dma_semaphore, #tpu.memory_space<semaphore_mem>>)
      %dma_wait3A = arith.constant 0 : i32
      %dma_wait3A_20 = tpu.memref_slice %arg10[%mul3A_2, %dma_wait3A] : memref<10000x128xf32, #tpu.memory_space<vmem_shared>> -> memref<624x128xf32, #tpu.memory_space<vmem_shared>>
      tpu.wait_dma2 semaphore(%run_scoped3A : memref<!tpu.dma_semaphore, #tpu.memory_space<semaphore_mem>>) src(%arg5 : memref<624x128xf32, #tpu.memory_space<hbm>>) dst(%dma_wait3A_20 : memref<624x128xf32, #tpu.memory_space<vmem_shared>>)
      tpu.yield
    }) : () -> ()
    %eq3A = arith.constant 0 : i32
    %eq3A_3 = arith.cmpi eq, %arg1, %eq3A : i32
    %convert_element_type3A = arith.extui %eq3A_3 : i1 to i32
    %cond3A = arith.constant 0 : i32
    %cond3A_4 = arith.cmpi ne, %convert_element_type3A, %cond3A : i32
    scf.if %cond3A_4 {
      "tpu.region"() ({
        %run_scoped3A = tpu.sem_alloc : memref<!tpu.dma_semaphore, #tpu.memory_space<semaphore_mem>>
        %dma_start3A = arith.constant 9984 : i32
        %dma_start3A_19 = arith.constant 0 : i32
        %dma_start3A_20 = tpu.memref_slice %arg10[%dma_start3A, %dma_start3A_19] : memref<10000x128xf32, #tpu.memory_space<vmem_shared>> -> memref<16x128xf32, #tpu.memory_space<vmem_shared>>
        %dma_start3A_21 = arith.constant 0 : i32
        %dma_start3A_22 = arith.constant 0 : i32
        %dma_start3A_23 = tpu.memref_slice %arg5[%dma_start3A_21, %dma_start3A_22] : memref<624x128xf32, #tpu.memory_space<hbm>> -> memref<16x128xf32, #tpu.memory_space<hbm>>
        tpu.enqueue_dma source(%dma_start3A_23 : memref<16x128xf32, #tpu.memory_space<hbm>>) target(%dma_start3A_20 : memref<16x128xf32, #tpu.memory_space<vmem_shared>>) target_semaphore(%run_scoped3A : memref<!tpu.dma_semaphore, #tpu.memory_space<semaphore_mem>>)
        %dma_wait3A = arith.constant 9984 : i32
        %dma_wait3A_24 = arith.constant 0 : i32
        %dma_wait3A_25 = tpu.memref_slice %arg10[%dma_wait3A, %dma_wait3A_24] : memref<10000x128xf32, #tpu.memory_space<vmem_shared>> -> memref<16x128xf32, #tpu.memory_space<vmem_shared>>
        %dma_wait3A_26 = arith.constant 0 : i32
        %dma_wait3A_27 = arith.constant 0 : i32
        %dma_wait3A_28 = tpu.memref_slice %arg5[%dma_wait3A_26, %dma_wait3A_27] : memref<624x128xf32, #tpu.memory_space<hbm>> -> memref<16x128xf32, #tpu.memory_space<hbm>>
        tpu.wait_dma2 semaphore(%run_scoped3A : memref<!tpu.dma_semaphore, #tpu.memory_space<semaphore_mem>>) src(%dma_wait3A_28 : memref<16x128xf32, #tpu.memory_space<hbm>>) dst(%dma_wait3A_25 : memref<16x128xf32, #tpu.memory_space<vmem_shared>>)
        tpu.yield
      }) : () -> ()
    } else {
    }
    %barrier3A = arith.constant 0 : index
    tpu.barrier barrier_id(%barrier3A)
    %scan3A = arith.constant 0 : i32
    %scan3A_5 = arith.constant 25 : i32
    %scan3A_6 = arith.addi %scan3A, %scan3A_5 : i32
    %scan3A_7 = arith.constant 1 : i32
    scf.for %scan3A_19 = %scan3A to %scan3A_6 step %scan3A_7  : i32 {
      %mul3A_20 = arith.constant 200 : i32
      %mul3A_21 = arith.muli %add3A, %mul3A_20 : i32
      %mul3A_22 = arith.constant 8 : i32
      %mul3A_23 = arith.muli %scan3A_19, %mul3A_22 : i32
      %add3A_24 = arith.addi %mul3A_21, %mul3A_23 : i32
      "tpu.region"() ({
        %run_scoped3A = tpu.sem_alloc : memref<!tpu.dma_semaphore, #tpu.memory_space<semaphore_mem>>
        %dma_start3A = arith.constant 0 : i32
        %dma_start3A_30 = tpu.memref_slice %arg3[%add3A_24, %dma_start3A] : memref<6400x100xi32, #tpu.memory_space<hbm>> -> memref<8x100xi32, #tpu.memory_space<hbm>>
        %dma_start3A_31 = arith.constant 0 : i32
        %dma_start3A_32 = tpu.memref_slice %arg3[%add3A_24, %dma_start3A_31] : memref<6400x100xi32, #tpu.memory_space<hbm>> -> memref<8x100xi32, #tpu.memory_space<hbm>>
        tpu.enqueue_dma source(%dma_start3A_32 : memref<8x100xi32, #tpu.memory_space<hbm>>) target(%arg7 : memref<8x100xi32, #tpu.memory_space<vmem>>) target_semaphore(%run_scoped3A : memref<!tpu.dma_semaphore, #tpu.memory_space<semaphore_mem>>)
        %dma_wait3A = arith.constant 0 : i32
        %dma_wait3A_33 = tpu.memref_slice %arg3[%add3A_24, %dma_wait3A] : memref<6400x100xi32, #tpu.memory_space<hbm>> -> memref<8x100xi32, #tpu.memory_space<hbm>>
        %dma_wait3A_34 = arith.constant 0 : i32
        %dma_wait3A_35 = tpu.memref_slice %arg3[%add3A_24, %dma_wait3A_34] : memref<6400x100xi32, #tpu.memory_space<hbm>> -> memref<8x100xi32, #tpu.memory_space<hbm>>
        tpu.wait_dma2 semaphore(%run_scoped3A : memref<!tpu.dma_semaphore, #tpu.memory_space<semaphore_mem>>) src(%dma_wait3A_35 : memref<8x100xi32, #tpu.memory_space<hbm>>) dst(%arg7 : memref<8x100xi32, #tpu.memory_space<vmem>>)
        tpu.yield
      }) : () -> ()
      "tpu.region"() ({
        %run_scoped3A = tpu.sem_alloc : memref<!tpu.dma_semaphore, #tpu.memory_space<semaphore_mem>>
        %dma_start3A = arith.constant 0 : i32
        %dma_start3A_30 = tpu.memref_slice %arg4[%add3A_24, %dma_start3A] : memref<6400x100xi32, #tpu.memory_space<hbm>> -> memref<8x100xi32, #tpu.memory_space<hbm>>
        %dma_start3A_31 = arith.constant 0 : i32
        %dma_start3A_32 = tpu.memref_slice %arg4[%add3A_24, %dma_start3A_31] : memref<6400x100xi32, #tpu.memory_space<hbm>> -> memref<8x100xi32, #tpu.memory_space<hbm>>
        tpu.enqueue_dma source(%dma_start3A_32 : memref<8x100xi32, #tpu.memory_space<hbm>>) target(%arg8 : memref<8x100xi32, #tpu.memory_space<vmem>>) target_semaphore(%run_scoped3A : memref<!tpu.dma_semaphore, #tpu.memory_space<semaphore_mem>>)
        %dma_wait3A = arith.constant 0 : i32
        %dma_wait3A_33 = tpu.memref_slice %arg4[%add3A_24, %dma_wait3A] : memref<6400x100xi32, #tpu.memory_space<hbm>> -> memref<8x100xi32, #tpu.memory_space<hbm>>
        %dma_wait3A_34 = arith.constant 0 : i32
        %dma_wait3A_35 = tpu.memref_slice %arg4[%add3A_24, %dma_wait3A_34] : memref<6400x100xi32, #tpu.memory_space<hbm>> -> memref<8x100xi32, #tpu.memory_space<hbm>>
        tpu.wait_dma2 semaphore(%run_scoped3A : memref<!tpu.dma_semaphore, #tpu.memory_space<semaphore_mem>>) src(%dma_wait3A_35 : memref<8x100xi32, #tpu.memory_space<hbm>>) dst(%arg8 : memref<8x100xi32, #tpu.memory_space<vmem>>)
        tpu.yield
      }) : () -> ()
      %scan3A_25 = arith.constant 0 : i32
      %scan3A_26 = arith.constant 8 : i32
      %scan3A_27 = arith.addi %scan3A_25, %scan3A_26 : i32
      %scan3A_28 = arith.constant 1 : i32
      scf.for %scan3A_30 = %scan3A_25 to %scan3A_27 step %scan3A_28  : i32 {
        "tpu.region"() ({
          %run_scoped3A = tpu.sem_alloc : memref<!tpu.dma_semaphore, #tpu.memory_space<semaphore_mem>>
          %dma_start3A = arith.constant 0 : i32
          %dma_start3A_31 = tpu.memref_slice %arg7[%scan3A_30, %dma_start3A] : memref<8x100xi32, #tpu.memory_space<vmem>> -> memref<1x100xi32, #tpu.memory_space<vmem>>
          %dma_start3A_32 = tpu.memref_squeeze %dma_start3A_31 : memref<1x100xi32, #tpu.memory_space<vmem>> -> memref<100xi32, #tpu.memory_space<vmem>>
          %dma_start3A_33 = arith.constant 0 : i32
          %dma_start3A_34 = arith.constant 0 : i32
          %dma_start3A_35 = tpu.memref_slice %arg2[%dma_start3A_33, %dma_start3A_34] : memref<10000x128xf32, #tpu.memory_space<hbm>> -> memref<10000x128xf32, #tpu.memory_space<hbm>>
          tpu.enqueue_indirect_dma source(%dma_start3A_35 : memref<10000x128xf32, #tpu.memory_space<hbm>>) target(%arg9 : memref<100x128xf32, #tpu.memory_space<vmem>>) offsets(%dma_start3A_32 : memref<100xi32, #tpu.memory_space<vmem>>) semaphore(%run_scoped3A : memref<!tpu.dma_semaphore, #tpu.memory_space<semaphore_mem>>)
          %dma_wait3A = arith.constant 0 : i32
          %dma_wait3A_36 = tpu.memref_slice %arg7[%scan3A_30, %dma_wait3A] : memref<8x100xi32, #tpu.memory_space<vmem>> -> memref<1x100xi32, #tpu.memory_space<vmem>>
          %dma_wait3A_37 = tpu.memref_squeeze %dma_wait3A_36 : memref<1x100xi32, #tpu.memory_space<vmem>> -> memref<100xi32, #tpu.memory_space<vmem>>
          %dma_wait3A_38 = arith.constant 0 : i32
          %dma_wait3A_39 = arith.constant 0 : i32
          %dma_wait3A_40 = tpu.memref_slice %arg2[%dma_wait3A_38, %dma_wait3A_39] : memref<10000x128xf32, #tpu.memory_space<hbm>> -> memref<10000x128xf32, #tpu.memory_space<hbm>>
          tpu.wait_indirect_dma semaphore(%run_scoped3A : memref<!tpu.dma_semaphore, #tpu.memory_space<semaphore_mem>>) src(%dma_wait3A_40 : memref<10000x128xf32, #tpu.memory_space<hbm>>) dst(%arg9 : memref<100x128xf32, #tpu.memory_space<vmem>>)
          tpu.yield
        }) : () -> ()
        "tpu.region"() ({
          %run_scoped3A = tpu.sem_alloc : memref<!tpu.dma_semaphore, #tpu.memory_space<semaphore_mem>>
          %dma_start3A = arith.constant 0 : i32
          %dma_start3A_31 = tpu.memref_slice %arg8[%scan3A_30, %dma_start3A] : memref<8x100xi32, #tpu.memory_space<vmem>> -> memref<1x100xi32, #tpu.memory_space<vmem>>
          %dma_start3A_32 = tpu.memref_squeeze %dma_start3A_31 : memref<1x100xi32, #tpu.memory_space<vmem>> -> memref<100xi32, #tpu.memory_space<vmem>>
          %dma_start3A_33 = arith.constant 0 : i32
          %dma_start3A_34 = arith.constant 0 : i32
          %dma_start3A_35 = tpu.memref_slice %arg10[%dma_start3A_33, %dma_start3A_34] : memref<10000x128xf32, #tpu.memory_space<vmem_shared>> -> memref<10000x128xf32, #tpu.memory_space<vmem_shared>>
          tpu.enqueue_indirect_dma source(%arg9 : memref<100x128xf32, #tpu.memory_space<vmem>>) target(%dma_start3A_35 : memref<10000x128xf32, #tpu.memory_space<vmem_shared>>) offsets(%dma_start3A_32 : memref<100xi32, #tpu.memory_space<vmem>>) semaphore(%run_scoped3A : memref<!tpu.dma_semaphore, #tpu.memory_space<semaphore_mem>>) {add = true}
          %dma_wait3A = arith.constant 0 : i32
          %dma_wait3A_36 = tpu.memref_slice %arg8[%scan3A_30, %dma_wait3A] : memref<8x100xi32, #tpu.memory_space<vmem>> -> memref<1x100xi32, #tpu.memory_space<vmem>>
          %dma_wait3A_37 = tpu.memref_squeeze %dma_wait3A_36 : memref<1x100xi32, #tpu.memory_space<vmem>> -> memref<100xi32, #tpu.memory_space<vmem>>
          %dma_wait3A_38 = arith.constant 0 : i32
          %dma_wait3A_39 = arith.constant 0 : i32
          %dma_wait3A_40 = tpu.memref_slice %arg10[%dma_wait3A_38, %dma_wait3A_39] : memref<10000x128xf32, #tpu.memory_space<vmem_shared>> -> memref<10000x128xf32, #tpu.memory_space<vmem_shared>>
          tpu.wait_indirect_dma semaphore(%run_scoped3A : memref<!tpu.dma_semaphore, #tpu.memory_space<semaphore_mem>>) src(%arg9 : memref<100x128xf32, #tpu.memory_space<vmem>>) dst(%dma_wait3A_40 : memref<10000x128xf32, #tpu.memory_space<vmem_shared>>)
          tpu.yield
        }) : () -> ()
      }
      %scan3A_29 = arith.constant 8 : i32
    }
    %scan3A_8 = arith.constant 25 : i32
    %barrier3A_9 = arith.constant 0 : index
    tpu.barrier barrier_id(%barrier3A_9)
    %mul3A_10 = arith.constant 624 : i32
    %mul3A_11 = arith.muli %arg1, %mul3A_10 : i32
    %mul3A_12 = arith.constant 624 : i32
    %mul3A_13 = arith.muli %arg1, %mul3A_12 : i32
    "tpu.region"() ({
      %run_scoped3A = tpu.sem_alloc : memref<!tpu.dma_semaphore, #tpu.memory_space<semaphore_mem>>
      %dma_start3A = arith.constant 0 : i32
      %dma_start3A_19 = tpu.memref_slice %arg6[%arg0, %mul3A_13, %dma_start3A] : memref<2x10000x128xf32, #tpu.memory_space<hbm>> -> memref<1x624x128xf32, #tpu.memory_space<hbm>>
      %dma_start3A_20 = tpu.memref_squeeze %dma_start3A_19 : memref<1x624x128xf32, #tpu.memory_space<hbm>> -> memref<624x128xf32, #tpu.memory_space<hbm>>
      %dma_start3A_21 = arith.constant 0 : i32
      %dma_start3A_22 = tpu.memref_slice %arg10[%mul3A_11, %dma_start3A_21] : memref<10000x128xf32, #tpu.memory_space<vmem_shared>> -> memref<624x128xf32, #tpu.memory_space<vmem_shared>>
      tpu.enqueue_dma source(%dma_start3A_22 : memref<624x128xf32, #tpu.memory_space<vmem_shared>>) target(%dma_start3A_20 : memref<624x128xf32, #tpu.memory_space<hbm>>) target_semaphore(%run_scoped3A : memref<!tpu.dma_semaphore, #tpu.memory_space<semaphore_mem>>)
      %dma_wait3A = arith.constant 0 : i32
      %dma_wait3A_23 = tpu.memref_slice %arg6[%arg0, %mul3A_13, %dma_wait3A] : memref<2x10000x128xf32, #tpu.memory_space<hbm>> -> memref<1x624x128xf32, #tpu.memory_space<hbm>>
      %dma_wait3A_24 = tpu.memref_squeeze %dma_wait3A_23 : memref<1x624x128xf32, #tpu.memory_space<hbm>> -> memref<624x128xf32, #tpu.memory_space<hbm>>
      %dma_wait3A_25 = arith.constant 0 : i32
      %dma_wait3A_26 = tpu.memref_slice %arg10[%mul3A_11, %dma_wait3A_25] : memref<10000x128xf32, #tpu.memory_space<vmem_shared>> -> memref<624x128xf32, #tpu.memory_space<vmem_shared>>
      tpu.wait_dma2 semaphore(%run_scoped3A : memref<!tpu.dma_semaphore, #tpu.memory_space<semaphore_mem>>) src(%dma_wait3A_26 : memref<624x128xf32, #tpu.memory_space<vmem_shared>>) dst(%dma_wait3A_24 : memref<624x128xf32, #tpu.memory_space<hbm>>)
      tpu.yield
    }) : () -> ()
    %eq3A_14 = arith.constant 0 : i32
    %eq3A_15 = arith.cmpi eq, %arg1, %eq3A_14 : i32
    %convert_element_type3A_16 = arith.extui %eq3A_15 : i1 to i32
    %cond3A_17 = arith.constant 0 : i32
    %cond3A_18 = arith.cmpi ne, %convert_element_type3A_16, %cond3A_17 : i32
    scf.if %cond3A_18 {
      "tpu.region"() ({
        %run_scoped3A = tpu.sem_alloc : memref<!tpu.dma_semaphore, #tpu.memory_space<semaphore_mem>>
        %dma_start3A = arith.constant 9984 : i32
        %dma_start3A_19 = arith.constant 0 : i32
        %dma_start3A_20 = tpu.memref_slice %arg6[%arg0, %dma_start3A, %dma_start3A_19] : memref<2x10000x128xf32, #tpu.memory_space<hbm>> -> memref<1x16x128xf32, #tpu.memory_space<hbm>>
        %dma_start3A_21 = tpu.memref_squeeze %dma_start3A_20 : memref<1x16x128xf32, #tpu.memory_space<hbm>> -> memref<16x128xf32, #tpu.memory_space<hbm>>
        %dma_start3A_22 = arith.constant 9984 : i32
        %dma_start3A_23 = arith.constant 0 : i32
        %dma_start3A_24 = tpu.memref_slice %arg10[%dma_start3A_22, %dma_start3A_23] : memref<10000x128xf32, #tpu.memory_space<vmem_shared>> -> memref<16x128xf32, #tpu.memory_space<vmem_shared>>
        tpu.enqueue_dma source(%dma_start3A_24 : memref<16x128xf32, #tpu.memory_space<vmem_shared>>) target(%dma_start3A_21 : memref<16x128xf32, #tpu.memory_space<hbm>>) target_semaphore(%run_scoped3A : memref<!tpu.dma_semaphore, #tpu.memory_space<semaphore_mem>>)
        %dma_wait3A = arith.constant 9984 : i32
        %dma_wait3A_25 = arith.constant 0 : i32
        %dma_wait3A_26 = tpu.memref_slice %arg6[%arg0, %dma_wait3A, %dma_wait3A_25] : memref<2x10000x128xf32, #tpu.memory_space<hbm>> -> memref<1x16x128xf32, #tpu.memory_space<hbm>>
        %dma_wait3A_27 = tpu.memref_squeeze %dma_wait3A_26 : memref<1x16x128xf32, #tpu.memory_space<hbm>> -> memref<16x128xf32, #tpu.memory_space<hbm>>
        %dma_wait3A_28 = arith.constant 9984 : i32
        %dma_wait3A_29 = arith.constant 0 : i32
        %dma_wait3A_30 = tpu.memref_slice %arg10[%dma_wait3A_28, %dma_wait3A_29] : memref<10000x128xf32, #tpu.memory_space<vmem_shared>> -> memref<16x128xf32, #tpu.memory_space<vmem_shared>>
        tpu.wait_dma2 semaphore(%run_scoped3A : memref<!tpu.dma_semaphore, #tpu.memory_space<semaphore_mem>>) src(%dma_wait3A_30 : memref<16x128xf32, #tpu.memory_space<vmem_shared>>) dst(%dma_wait3A_27 : memref<16x128xf32, #tpu.memory_space<hbm>>)
        tpu.yield
      }) : () -> ()
    } else {
    }
    return
  }
}

module attributes {stable_mosaic.version = 14 : i64} {
  func.func @_tc_pre_body(%arg0: i32, %arg1: memref<1000x32xf32, #tpu.memory_space<vmem>>, %arg2: memref<1000x128xf32, #tpu.memory_space<vmem>>, %arg3: memref<128x128xf32, #tpu.memory_space<vmem>>, %arg4: memref<1000x16xf32, #tpu.memory_space<vmem>>, %arg5: memref<1000x128xf32, #tpu.memory_space<vmem>>) attributes {dimension_semantics = [#tpu.dimension_semantics<arbitrary>], iteration_bounds = array<i64: 10>, scalar_prefetch = 0 : i64, scratch_operands = 0 : i64, tpu.core_type = #tpu.core_type<tc>, window_params = [{transform_indices = @transform_0, window_bounds = array<i64: 1000, 32>}, {transform_indices = @transform_1, window_bounds = array<i64: 1000, 128>}, {pipeline_mode = #tpu.pipeline_mode<synchronous>, transform_indices = @transform_2, window_bounds = array<i64: 128, 128>}, {transform_indices = @transform_3, window_bounds = array<i64: 1000, 16>}, {transform_indices = @transform_4, window_bounds = array<i64: 1000, 128>}]} {
    %get3A = arith.constant 0 : index
    %get3A_0 = arith.constant 0 : index
    %get3A_1 = vector.load %arg1[%get3A, %get3A_0] : memref<1000x32xf32, #tpu.memory_space<vmem>>, vector<1000x32xf32>
    %reduce_sum3A = arith.constant dense<0.000000e+00> : vector<1000xf32>
    %reduce_sum3A_2 = vector.multi_reduction <add>, %get3A_1, %reduce_sum3A [1] : vector<1000x32xf32> to vector<1000xf32>
    %add3A = arith.constant 1.000000e+00 : f32
    %add3A_3 = vector.broadcast %add3A : f32 to vector<1000xf32>
    %add3A_4 = arith.addf %reduce_sum3A_2, %add3A_3 : vector<1000xf32>
    %rsqrt3A = math.rsqrt %add3A_4 : vector<1000xf32>
    %broadcast_in_dim3A = vector.shape_cast %rsqrt3A : vector<1000xf32> to vector<1000x1xf32>
    %broadcast_in_dim3A_5 = vector.shape_cast %broadcast_in_dim3A : vector<1000x1xf32> to vector<1000x1xf32>
    %broadcast_in_dim3A_6 = vector.broadcast %broadcast_in_dim3A_5 : vector<1000x1xf32> to vector<1000x16xf32>
    %swap3A = arith.constant 0 : index
    %swap3A_7 = arith.constant 0 : index
    %swap3A_8 = vector.load %arg4[%swap3A, %swap3A_7] : memref<1000x16xf32, #tpu.memory_space<vmem>>, vector<1000x16xf32>
    tpu.vector_store %arg4[%swap3A, %swap3A_7], %broadcast_in_dim3A_6 {strides = array<i32>} : memref<1000x16xf32, #tpu.memory_space<vmem>>, vector<1000x16xf32>,
    %get3A_9 = arith.constant 0 : index
    %get3A_10 = arith.constant 0 : index
    %get3A_11 = vector.load %arg2[%get3A_9, %get3A_10] : memref<1000x128xf32, #tpu.memory_space<vmem>>, vector<1000x128xf32>
    %get3A_12 = arith.constant 0 : index
    %get3A_13 = arith.constant 0 : index
    %get3A_14 = vector.load %arg3[%get3A_12, %get3A_13] : memref<128x128xf32, #tpu.memory_space<vmem>>, vector<128x128xf32>
    %dot_general3A = arith.constant dense<0.000000e+00> : vector<1000x128xf32>
    %dot_general3A_15 = tpu.matmul %get3A_11, %get3A_14, %dot_general3A {dimension_numbers = #tpu.dot_dimension_numbers<[1], [0], [0], [1], [0, 0, 1, 1], [], []>, transpose_lhs_hint = false} : vector<1000x128xf32>, vector<128x128xf32>, vector<1000x128xf32> -> vector<1000x128xf32>
    %mul3A = vector.broadcast %broadcast_in_dim3A : vector<1000x1xf32> to vector<1000x128xf32>
    %mul3A_16 = arith.mulf %dot_general3A_15, %mul3A : vector<1000x128xf32>
    %swap3A_17 = arith.constant 0 : index
    %swap3A_18 = arith.constant 0 : index
    %swap3A_19 = vector.load %arg5[%swap3A_17, %swap3A_18] : memref<1000x128xf32, #tpu.memory_space<vmem>>, vector<1000x128xf32>
    tpu.vector_store %arg5[%swap3A_17, %swap3A_18], %mul3A_16 {strides = array<i32>} : memref<1000x128xf32, #tpu.memory_space<vmem>>, vector<1000x128xf32>,
    return
  }
  func.func @transform_0(%arg0: i32) -> (i32, i32) {
    %c0_i32 = arith.constant 0 : i32
    %c0_i32_0 = arith.constant 0 : i32
    return %arg0, %c0_i32 : i32, i32
  }
  func.func @transform_1(%arg0: i32) -> (i32, i32) {
    %c0_i32 = arith.constant 0 : i32
    %c0_i32_0 = arith.constant 0 : i32
    return %arg0, %c0_i32 : i32, i32
  }
  func.func @transform_2(%arg0: i32) -> (i32, i32) {
    %c0_i32 = arith.constant 0 : i32
    %c0_i32_0 = arith.constant 0 : i32
    %c0_i32_1 = arith.constant 0 : i32
    return %c0_i32, %c0_i32_0 : i32, i32
  }
  func.func @transform_3(%arg0: i32) -> (i32, i32) {
    %c0_i32 = arith.constant 0 : i32
    %c0_i32_0 = arith.constant 0 : i32
    return %arg0, %c0_i32 : i32, i32
  }
  func.func @transform_4(%arg0: i32) -> (i32, i32) {
    %c0_i32 = arith.constant 0 : i32
    %c0_i32_0 = arith.constant 0 : i32
    return %arg0, %c0_i32 : i32, i32
  }
}

module attributes {stable_mosaic.version = 14 : i64} {
  func.func @_tc_layer_body(%arg0: i32, %arg1: memref<2x1000x128xf32, #tpu.memory_space<vmem>>, %arg2: memref<1000x128xf32, #tpu.memory_space<vmem>>, %arg3: memref<1000x16xf32, #tpu.memory_space<vmem>>, %arg4: memref<1x128xf32, #tpu.memory_space<vmem>>, %arg5: memref<128x128xf32, #tpu.memory_space<vmem>>, %arg6: memref<1000x128xf32, #tpu.memory_space<vmem>>) attributes {dimension_semantics = [#tpu.dimension_semantics<arbitrary>], iteration_bounds = array<i64: 10>, scalar_prefetch = 0 : i64, scratch_operands = 0 : i64, tpu.core_type = #tpu.core_type<tc>, window_params = [{transform_indices = @transform_0, window_bounds = array<i64: 2, 1000, 128>}, {transform_indices = @transform_1, window_bounds = array<i64: 1000, 128>}, {transform_indices = @transform_2, window_bounds = array<i64: 1000, 16>}, {pipeline_mode = #tpu.pipeline_mode<synchronous>, transform_indices = @transform_3, window_bounds = array<i64: 1, 128>}, {pipeline_mode = #tpu.pipeline_mode<synchronous>, transform_indices = @transform_4, window_bounds = array<i64: 128, 128>}, {transform_indices = @transform_5, window_bounds = array<i64: 1000, 128>}]} {
    %get3A = arith.constant 0 : index
    %get3A_0 = arith.constant 0 : index
    %get3A_1 = vector.load %arg3[%get3A, %get3A_0] : memref<1000x16xf32, #tpu.memory_space<vmem>>, vector<1000x16xf32>
    %slice3A = vector.extract_strided_slice %get3A_1 {offsets = [0, 0], sizes = [1000, 1], strides = [1, 1]} : vector<1000x16xf32> to vector<1000x1xf32>
    %get3A_2 = arith.constant 0 : index
    %get3A_3 = arith.constant 0 : index
    %get3A_4 = arith.constant 0 : index
    %get3A_5 = vector.load %arg1[%get3A_2, %get3A_3, %get3A_4] : memref<2x1000x128xf32, #tpu.memory_space<vmem>>, vector<1x1000x128xf32>
    %get3A_6 = vector.shape_cast %get3A_5 : vector<1x1000x128xf32> to vector<1000x128xf32>
    %get3A_7 = arith.constant 1 : index
    %get3A_8 = arith.constant 0 : index
    %get3A_9 = arith.constant 0 : index
    %get3A_10 = vector.load %arg1[%get3A_7, %get3A_8, %get3A_9] : memref<2x1000x128xf32, #tpu.memory_space<vmem>>, vector<1x1000x128xf32>
    %get3A_11 = vector.shape_cast %get3A_10 : vector<1x1000x128xf32> to vector<1000x128xf32>
    %add3A = arith.addf %get3A_6, %get3A_11 : vector<1000x128xf32>
    %get3A_12 = arith.constant 0 : index
    %get3A_13 = arith.constant 0 : index
    %get3A_14 = vector.load %arg2[%get3A_12, %get3A_13] : memref<1000x128xf32, #tpu.memory_space<vmem>>, vector<1000x128xf32>
    %add3A_15 = arith.addf %add3A, %get3A_14 : vector<1000x128xf32>
    %mul3A = vector.broadcast %slice3A : vector<1000x1xf32> to vector<1000x128xf32>
    %mul3A_16 = arith.mulf %add3A_15, %mul3A : vector<1000x128xf32>
    %get3A_17 = arith.constant 0 : index
    %get3A_18 = arith.constant 0 : index
    %get3A_19 = vector.load %arg4[%get3A_17, %get3A_18] : memref<1x128xf32, #tpu.memory_space<vmem>>, vector<1x128xf32>
    %add3A_20 = vector.broadcast %get3A_19 : vector<1x128xf32> to vector<1000x128xf32>
    %add3A_21 = arith.addf %mul3A_16, %add3A_20 : vector<1000x128xf32>
    %tanh3A = math.tanh %add3A_21 : vector<1000x128xf32>
    %get3A_22 = arith.constant 0 : index
    %get3A_23 = arith.constant 0 : index
    %get3A_24 = vector.load %arg5[%get3A_22, %get3A_23] : memref<128x128xf32, #tpu.memory_space<vmem>>, vector<128x128xf32>
    %dot_general3A = arith.constant dense<0.000000e+00> : vector<1000x128xf32>
    %dot_general3A_25 = tpu.matmul %tanh3A, %get3A_24, %dot_general3A {dimension_numbers = #tpu.dot_dimension_numbers<[1], [0], [0], [1], [0, 0, 1, 1], [], []>, transpose_lhs_hint = false} : vector<1000x128xf32>, vector<128x128xf32>, vector<1000x128xf32> -> vector<1000x128xf32>
    %mul3A_26 = vector.broadcast %slice3A : vector<1000x1xf32> to vector<1000x128xf32>
    %mul3A_27 = arith.mulf %dot_general3A_25, %mul3A_26 : vector<1000x128xf32>
    %swap3A = arith.constant 0 : index
    %swap3A_28 = arith.constant 0 : index
    %swap3A_29 = vector.load %arg6[%swap3A, %swap3A_28] : memref<1000x128xf32, #tpu.memory_space<vmem>>, vector<1000x128xf32>
    tpu.vector_store %arg6[%swap3A, %swap3A_28], %mul3A_27 {strides = array<i32>} : memref<1000x128xf32, #tpu.memory_space<vmem>>, vector<1000x128xf32>,
    return
  }
  func.func @transform_0(%arg0: i32) -> (i32, i32, i32) {
    %c0_i32 = arith.constant 0 : i32
    %c0_i32_0 = arith.constant 0 : i32
    %c0_i32_1 = arith.constant 0 : i32
    return %c0_i32, %arg0, %c0_i32_0 : i32, i32, i32
  }
  func.func @transform_1(%arg0: i32) -> (i32, i32) {
    %c0_i32 = arith.constant 0 : i32
    %c0_i32_0 = arith.constant 0 : i32
    return %arg0, %c0_i32 : i32, i32
  }
  func.func @transform_2(%arg0: i32) -> (i32, i32) {
    %c0_i32 = arith.constant 0 : i32
    %c0_i32_0 = arith.constant 0 : i32
    return %arg0, %c0_i32 : i32, i32
  }
  func.func @transform_3(%arg0: i32) -> (i32, i32) {
    %c0_i32 = arith.constant 0 : i32
    %c0_i32_0 = arith.constant 0 : i32
    %c0_i32_1 = arith.constant 0 : i32
    return %c0_i32, %c0_i32_0 : i32, i32
  }
  func.func @transform_4(%arg0: i32) -> (i32, i32) {
    %c0_i32 = arith.constant 0 : i32
    %c0_i32_0 = arith.constant 0 : i32
    %c0_i32_1 = arith.constant 0 : i32
    return %c0_i32, %c0_i32_0 : i32, i32
  }
  func.func @transform_5(%arg0: i32) -> (i32, i32) {
    %c0_i32 = arith.constant 0 : i32
    %c0_i32_0 = arith.constant 0 : i32
    return %arg0, %c0_i32 : i32, i32
  }
}

module attributes {stable_mosaic.version = 14 : i64} {
  func.func @_tc_last_body(%arg0: i32, %arg1: memref<2x1000x128xf32, #tpu.memory_space<vmem>>, %arg2: memref<1000x128xf32, #tpu.memory_space<vmem>>, %arg3: memref<1000x16xf32, #tpu.memory_space<vmem>>, %arg4: memref<1x128xf32, #tpu.memory_space<vmem>>, %arg5: memref<1000x128xf32, #tpu.memory_space<vmem>>) attributes {dimension_semantics = [#tpu.dimension_semantics<arbitrary>], iteration_bounds = array<i64: 10>, scalar_prefetch = 0 : i64, scratch_operands = 0 : i64, tpu.core_type = #tpu.core_type<tc>, window_params = [{transform_indices = @transform_0, window_bounds = array<i64: 2, 1000, 128>}, {transform_indices = @transform_1, window_bounds = array<i64: 1000, 128>}, {transform_indices = @transform_2, window_bounds = array<i64: 1000, 16>}, {pipeline_mode = #tpu.pipeline_mode<synchronous>, transform_indices = @transform_3, window_bounds = array<i64: 1, 128>}, {transform_indices = @transform_4, window_bounds = array<i64: 1000, 128>}]} {
    %get3A = arith.constant 0 : index
    %get3A_0 = arith.constant 0 : index
    %get3A_1 = vector.load %arg3[%get3A, %get3A_0] : memref<1000x16xf32, #tpu.memory_space<vmem>>, vector<1000x16xf32>
    %slice3A = vector.extract_strided_slice %get3A_1 {offsets = [0, 0], sizes = [1000, 1], strides = [1, 1]} : vector<1000x16xf32> to vector<1000x1xf32>
    %get3A_2 = arith.constant 0 : index
    %get3A_3 = arith.constant 0 : index
    %get3A_4 = arith.constant 0 : index
    %get3A_5 = vector.load %arg1[%get3A_2, %get3A_3, %get3A_4] : memref<2x1000x128xf32, #tpu.memory_space<vmem>>, vector<1x1000x128xf32>
    %get3A_6 = vector.shape_cast %get3A_5 : vector<1x1000x128xf32> to vector<1000x128xf32>
    %get3A_7 = arith.constant 1 : index
    %get3A_8 = arith.constant 0 : index
    %get3A_9 = arith.constant 0 : index
    %get3A_10 = vector.load %arg1[%get3A_7, %get3A_8, %get3A_9] : memref<2x1000x128xf32, #tpu.memory_space<vmem>>, vector<1x1000x128xf32>
    %get3A_11 = vector.shape_cast %get3A_10 : vector<1x1000x128xf32> to vector<1000x128xf32>
    %add3A = arith.addf %get3A_6, %get3A_11 : vector<1000x128xf32>
    %get3A_12 = arith.constant 0 : index
    %get3A_13 = arith.constant 0 : index
    %get3A_14 = vector.load %arg2[%get3A_12, %get3A_13] : memref<1000x128xf32, #tpu.memory_space<vmem>>, vector<1000x128xf32>
    %add3A_15 = arith.addf %add3A, %get3A_14 : vector<1000x128xf32>
    %mul3A = vector.broadcast %slice3A : vector<1000x1xf32> to vector<1000x128xf32>
    %mul3A_16 = arith.mulf %add3A_15, %mul3A : vector<1000x128xf32>
    %get3A_17 = arith.constant 0 : index
    %get3A_18 = arith.constant 0 : index
    %get3A_19 = vector.load %arg4[%get3A_17, %get3A_18] : memref<1x128xf32, #tpu.memory_space<vmem>>, vector<1x128xf32>
    %add3A_20 = vector.broadcast %get3A_19 : vector<1x128xf32> to vector<1000x128xf32>
    %add3A_21 = arith.addf %mul3A_16, %add3A_20 : vector<1000x128xf32>
    %tanh3A = math.tanh %add3A_21 : vector<1000x128xf32>
    %swap3A = arith.constant 0 : index
    %swap3A_22 = arith.constant 0 : index
    %swap3A_23 = vector.load %arg5[%swap3A, %swap3A_22] : memref<1000x128xf32, #tpu.memory_space<vmem>>, vector<1000x128xf32>
    tpu.vector_store %arg5[%swap3A, %swap3A_22], %tanh3A {strides = array<i32>} : memref<1000x128xf32, #tpu.memory_space<vmem>>, vector<1000x128xf32>,
    return
  }
  func.func @transform_0(%arg0: i32) -> (i32, i32, i32) {
    %c0_i32 = arith.constant 0 : i32
    %c0_i32_0 = arith.constant 0 : i32
    %c0_i32_1 = arith.constant 0 : i32
    return %c0_i32, %arg0, %c0_i32_0 : i32, i32, i32
  }
  func.func @transform_1(%arg0: i32) -> (i32, i32) {
    %c0_i32 = arith.constant 0 : i32
    %c0_i32_0 = arith.constant 0 : i32
    return %arg0, %c0_i32 : i32, i32
  }
  func.func @transform_2(%arg0: i32) -> (i32, i32) {
    %c0_i32 = arith.constant 0 : i32
    %c0_i32_0 = arith.constant 0 : i32
    return %arg0, %c0_i32 : i32, i32
  }
  func.func @transform_3(%arg0: i32) -> (i32, i32) {
    %c0_i32 = arith.constant 0 : i32
    %c0_i32_0 = arith.constant 0 : i32
    %c0_i32_1 = arith.constant 0 : i32
    return %c0_i32, %c0_i32_0 : i32, i32
  }
  func.func @transform_4(%arg0: i32) -> (i32, i32) {
    %c0_i32 = arith.constant 0 : i32
    %c0_i32_0 = arith.constant 0 : i32
    return %arg0, %c0_i32 : i32, i32
  }
}

module attributes {stable_mosaic.version = 14 : i64} {
  func.func @_tc_pool_body(%arg0: memref<10000x128xf32, #tpu.memory_space<vmem>>, %arg1: memref<10000xi32, #tpu.memory_space<smem>>, %arg2: memref<256x1xf32, #tpu.memory_space<vmem>>, %arg3: memref<1xf32, #tpu.memory_space<vmem>>, %arg4: memref<256x1xf32, #tpu.memory_space<vmem>>, %arg5: memref<256x256xf32, #tpu.memory_space<vmem>>, %arg6: memref<256x128xf32, #tpu.memory_space<vmem>>, %arg7: memref<256x128xf32, #tpu.memory_space<vmem>>, %arg8: memref<256x128xf32, #tpu.memory_space<vmem>>) attributes {dimension_semantics = [], scalar_prefetch = 0 : i64, scratch_operands = 3 : i64, tpu.core_type = #tpu.core_type<tc>} {
    %broadcast_in_dim3A = arith.constant -3.400000e+38 : f32
    %broadcast_in_dim3A_0 = vector.broadcast %broadcast_in_dim3A : f32 to vector<256x128xf32>
    %swap3A = arith.constant 0 : index
    %swap3A_1 = arith.constant 0 : index
    %swap3A_2 = vector.load %arg6[%swap3A, %swap3A_1] : memref<256x128xf32, #tpu.memory_space<vmem>>, vector<256x128xf32>
    tpu.vector_store %arg6[%swap3A, %swap3A_1], %broadcast_in_dim3A_0 {strides = array<i32>} : memref<256x128xf32, #tpu.memory_space<vmem>>, vector<256x128xf32>,
    %broadcast_in_dim3A_3 = arith.constant 0.000000e+00 : f32
    %broadcast_in_dim3A_4 = vector.broadcast %broadcast_in_dim3A_3 : f32 to vector<256x128xf32>
    %swap3A_5 = arith.constant 0 : index
    %swap3A_6 = arith.constant 0 : index
    %swap3A_7 = vector.load %arg7[%swap3A_5, %swap3A_6] : memref<256x128xf32, #tpu.memory_space<vmem>>, vector<256x128xf32>
    tpu.vector_store %arg7[%swap3A_5, %swap3A_6], %broadcast_in_dim3A_4 {strides = array<i32>} : memref<256x128xf32, #tpu.memory_space<vmem>>, vector<256x128xf32>,
    %broadcast_in_dim3A_8 = arith.constant 0.000000e+00 : f32
    %broadcast_in_dim3A_9 = vector.broadcast %broadcast_in_dim3A_8 : f32 to vector<256x128xf32>
    %swap3A_10 = arith.constant 0 : index
    %swap3A_11 = arith.constant 0 : index
    %swap3A_12 = vector.load %arg8[%swap3A_10, %swap3A_11] : memref<256x128xf32, #tpu.memory_space<vmem>>, vector<256x128xf32>
    tpu.vector_store %arg8[%swap3A_10, %swap3A_11], %broadcast_in_dim3A_9 {strides = array<i32>} : memref<256x128xf32, #tpu.memory_space<vmem>>, vector<256x128xf32>,
    %scan3A = arith.constant 0 : i32
    %scan3A_13 = arith.constant 10000 : i32
    %scan3A_14 = arith.addi %scan3A, %scan3A_13 : i32
    %scan3A_15 = arith.constant 1 : i32
    scf.for %scan3A_47 = %scan3A to %scan3A_14 step %scan3A_15  : i32 {
      %get3A_48 = arith.index_cast %scan3A_47 : i32 to index
      %get3A_49 = memref.load %arg1[%get3A_48] : memref<10000xi32, #tpu.memory_space<smem>>
      %get3A_50 = arith.index_cast %scan3A_47 : i32 to index
      %get3A_51 = arith.constant 0 : index
      %get3A_52 = vector.load %arg0[%get3A_50, %get3A_51] : memref<10000x128xf32, #tpu.memory_space<vmem>>, vector<1x128xf32>
      %get3A_53 = arith.index_cast %get3A_49 : i32 to index
      %get3A_54 = arith.constant 0 : index
      %get3A_55 = vector.load %arg6[%get3A_53, %get3A_54] : memref<256x128xf32, #tpu.memory_space<vmem>>, vector<1x128xf32>
      %max3A_56 = arith.maximumf %get3A_55, %get3A_52 : vector<1x128xf32>
      %swap3A_57 = arith.index_cast %get3A_49 : i32 to index
      %swap3A_58 = arith.constant 0 : index
      %swap3A_59 = vector.load %arg6[%swap3A_57, %swap3A_58] : memref<256x128xf32, #tpu.memory_space<vmem>>, vector<1x128xf32>
      tpu.vector_store %arg6[%swap3A_57, %swap3A_58], %max3A_56 {strides = array<i32>} : memref<256x128xf32, #tpu.memory_space<vmem>>, vector<1x128xf32>,
      %get3A_60 = arith.index_cast %get3A_49 : i32 to index
      %get3A_61 = arith.constant 0 : index
      %get3A_62 = vector.load %arg7[%get3A_60, %get3A_61] : memref<256x128xf32, #tpu.memory_space<vmem>>, vector<1x128xf32>
      %add3A_63 = arith.addf %get3A_62, %get3A_52 : vector<1x128xf32>
      %swap3A_64 = arith.index_cast %get3A_49 : i32 to index
      %swap3A_65 = arith.constant 0 : index
      %swap3A_66 = vector.load %arg7[%swap3A_64, %swap3A_65] : memref<256x128xf32, #tpu.memory_space<vmem>>, vector<1x128xf32>
      tpu.vector_store %arg7[%swap3A_64, %swap3A_65], %add3A_63 {strides = array<i32>} : memref<256x128xf32, #tpu.memory_space<vmem>>, vector<1x128xf32>,
      %get3A_67 = arith.index_cast %get3A_49 : i32 to index
      %get3A_68 = arith.constant 0 : index
      %get3A_69 = vector.load %arg8[%get3A_67, %get3A_68] : memref<256x128xf32, #tpu.memory_space<vmem>>, vector<1x128xf32>
      %add3A_70 = arith.constant 1.000000e+00 : f32
      %add3A_71 = vector.broadcast %add3A_70 : f32 to vector<1x128xf32>
      %add3A_72 = arith.addf %get3A_69, %add3A_71 : vector<1x128xf32>
      %swap3A_73 = arith.index_cast %get3A_49 : i32 to index
      %swap3A_74 = arith.constant 0 : index
      %swap3A_75 = vector.load %arg8[%swap3A_73, %swap3A_74] : memref<256x128xf32, #tpu.memory_space<vmem>>, vector<1x128xf32>
      tpu.vector_store %arg8[%swap3A_73, %swap3A_74], %add3A_72 {strides = array<i32>} : memref<256x128xf32, #tpu.memory_space<vmem>>, vector<1x128xf32>,
    }
    %scan3A_16 = arith.constant 10000 : i32
    %get3A = arith.constant 0 : index
    %get3A_17 = arith.constant 0 : index
    %get3A_18 = vector.load %arg8[%get3A, %get3A_17] : memref<256x128xf32, #tpu.memory_space<vmem>>, vector<256x128xf32>
    %slice3A = vector.extract_strided_slice %get3A_18 {offsets = [0, 0], sizes = [256, 1], strides = [1, 1]} : vector<256x128xf32> to vector<256x1xf32>
    %gt3A = arith.constant 0.000000e+00 : f32
    %gt3A_19 = vector.broadcast %gt3A : f32 to vector<256x1xf32>
    %gt3A_20 = arith.cmpf ogt, %slice3A, %gt3A_19 : vector<256x1xf32>
    %get3A_21 = arith.constant 0 : index
    %get3A_22 = arith.constant 0 : index
    %get3A_23 = vector.load %arg6[%get3A_21, %get3A_22] : memref<256x128xf32, #tpu.memory_space<vmem>>, vector<256x128xf32>
    %jit3A = arith.constant 0.000000e+00 : f32
    %broadcast_in_dim3A_24 = vector.shape_cast %gt3A_20 : vector<256x1xi1> to vector<256x1xi1>
    %broadcast_in_dim3A_25 = vector.broadcast %broadcast_in_dim3A_24 : vector<256x1xi1> to vector<256x128xi1>
    %broadcast_in_dim3A_26 = vector.broadcast %jit3A : f32 to vector<256x128xf32>
    %select_n3A = arith.select %broadcast_in_dim3A_25, %get3A_23, %broadcast_in_dim3A_26 : vector<256x128xi1>, vector<256x128xf32>
    %get3A_27 = arith.constant 0 : index
    %get3A_28 = arith.constant 0 : index
    %get3A_29 = vector.load %arg7[%get3A_27, %get3A_28] : memref<256x128xf32, #tpu.memory_space<vmem>>, vector<256x128xf32>
    %max3A = arith.constant 1.000000e+00 : f32
    %max3A_30 = vector.broadcast %max3A : f32 to vector<256x1xf32>
    %max3A_31 = arith.maximumf %slice3A, %max3A_30 : vector<256x1xf32>
    %div3A = vector.broadcast %max3A_31 : vector<256x1xf32> to vector<256x128xf32>
    %div3A_32 = arith.divf %get3A_29, %div3A : vector<256x128xf32>
    %concatenate3A = tpu.concatenate %select_n3A, %div3A_32 in 1 : vector<256x128xf32>, vector<256x128xf32> -> vector<256x256xf32>
    %swap3A_33 = arith.constant 0 : index
    %swap3A_34 = arith.constant 0 : index
    %swap3A_35 = vector.load %arg5[%swap3A_33, %swap3A_34] : memref<256x256xf32, #tpu.memory_space<vmem>>, vector<256x256xf32>
    tpu.vector_store %arg5[%swap3A_33, %swap3A_34], %concatenate3A {strides = array<i32>} : memref<256x256xf32, #tpu.memory_space<vmem>>, vector<256x256xf32>,
    %get3A_36 = arith.constant 0 : index
    %get3A_37 = arith.constant 0 : index
    %get3A_38 = vector.load %arg2[%get3A_36, %get3A_37] : memref<256x1xf32, #tpu.memory_space<vmem>>, vector<256x1xf32>
    %dot_general3A = arith.constant dense<0.000000e+00> : vector<256x1xf32>
    %dot_general3A_39 = tpu.matmul %concatenate3A, %get3A_38, %dot_general3A {dimension_numbers = #tpu.dot_dimension_numbers<[1], [0], [0], [1], [0, 0, 1, 1], [], []>, transpose_lhs_hint = false} : vector<256x256xf32>, vector<256x1xf32>, vector<256x1xf32> -> vector<256x1xf32>
    %get3A_40 = arith.constant 0 : index
    %get3A_41 = vector.load %arg3[%get3A_40] : memref<1xf32, #tpu.memory_space<vmem>>, vector<1xf32>
    %broadcast_in_dim3A_42 = vector.shape_cast %get3A_41 : vector<1xf32> to vector<1x1xf32>
    %add3A = vector.broadcast %broadcast_in_dim3A_42 : vector<1x1xf32> to vector<256x1xf32>
    %add3A_43 = arith.addf %dot_general3A_39, %add3A : vector<256x1xf32>
    %swap3A_44 = arith.constant 0 : index
    %swap3A_45 = arith.constant 0 : index
    %swap3A_46 = vector.load %arg4[%swap3A_44, %swap3A_45] : memref<256x1xf32, #tpu.memory_space<vmem>>, vector<256x1xf32>
    tpu.vector_store %arg4[%swap3A_44, %swap3A_45], %add3A_43 {strides = array<i32>} : memref<256x1xf32, #tpu.memory_space<vmem>>, vector<256x1xf32>,
    return
  }
}

</mosaic_0001>

<sc_bundles>
// kernel: kernel.13.cloned.1.call-start
scs
__scs_entry_jumppad:
0x0: {  	(pc) =	sbr.rel $0x88, $3  }
0x1: {  	(tag) =	ssettag $0x0;
	lr =	simm.s32 $0x1  }
0x2: {  	[smem:$0x3F94] =	sst lr;
	_ =	strace $0xD0000000  }
0x3: {  	_ = 	snop  }
0x4: {  	_ = 	snop  }
0x5: {  	_ = 	snop  }
0x6: {  	_ = 	snop  }
0x7: {  	_ = 	snop  }
__scs_overlays_trampoline_lowered:
0x8: {  	[smem:$0x3FA3] =	sst s0  }
0x9: {  	[smem:$0x3FA4] =	sst s1  }
0xa: {  	[smem:$0x3FA5] =	sst s2  }
0xb: {  	[smem:$0x3FA6] =	sst s3  }
0xc: {  	[smem:$0x3FA7] =	sst s4  }
0xd: {  	[smem:$0x3FA8] =	sst s5  }
0xe: {  	[smem:$0x3FA9] =	sst s6  }
0xf: {  	[smem:$0x3FAA] =	sst s7  }
0x10: {  	[smem:$0x3FAB] =	sst s8  }
0x11: {  	[smem:$0x3FAC] =	sst s9;
	s0 =	simm.s32 @!p0 $0x0  }
0x12: {  	s1 =	sld [smem:$0x3F92];
	s0 =	simm.s32 @p0 $0x1  }
0x13: {  	[smem:$0x3FAD] =	sst s0;
	s0 =	simm.s32 @!p1 $0x0  }
0x14: {  	s2 =	sld [smem:$0x3F91];
	s0 =	simm.s32 @p1 $0x1  }
0x15: {  	[smem:$0x3FAE] =	sst s0;
	s0 =	simm.s32 @!p2 $0x0  }
0x16: {  	s3 =	sld [smem:$0x3FDB];
	s0 =	simm.s32 @p2 $0x1  }
0x17: {  	s4 =	simm.s32 $0x1BF5;
	[smem:$0x3FB0] =	sst s0  }
0x18: {  	s0 =	sld [smem:$0x3F93];
	_ =	swait.ge [sflag:s4], $0x0  }
0x19: {  	s7 =	sld [smem:$0x3F94]  }
0x1a: {  	s8 =	sadd.s32 $0xFFFFE003, lr  }
0x1b: {  	s9 =	sadd.s32 $0xFFFFFEF7, lr;
	s5 =	simm.s32 $0xFFFFFFFF;
	p2 =	slt.u32 s8, $0xFFFFF086  }
0x1c: {  	p1 =	slt.u32 s9, $0xF7A;
	s5 =	simm.s32 @!p2 $0x0  }
0x1d: {  	s5 =	simm.s32 @p1 $0x1;
	p0 =	seq.s32 s7, s2  }
0x1e: {  	s7 =	smul.u32 @!p0 $0xF7A, s2;
	p2 =	seq.s32 @!p0 s5, $0x0  }
0x1f: {  	s9 =	smul.u32 $0xF7A, s1;
	s8 =	simm.s32 @!p0 $0x1BF5;
	p2 =	por !p2, p0  }
0x20: {  	[sflag:s8] =	ssyncset.s32 @!p0 $0xFFFFF086;
	s6 =	sadd.s32 @!p0 s3, s7;
	s7 =	simm.s32 @!p0 $0x108  }
0x21: {  	s3 =	sadd.s32 s3, s9;
	s6 =	sadd.s32 @!p0 $0x88, s6;
	s7 =	simm.s32 @p2 $0x1082  }
0x22: {  	[simem:s7], [sflag:s8] =	dma.local @!p0 [hbm:s6], $0xF7A  }
0x23: {  	s9 =	sor.u32 $0xD0000000, s2;
	s6 =	simm.s32 $0x108;
	_ =	swait.ge @!p0 [sflag:s8], $0x0  }
0x24: {  	s3 =	sadd.s32 $0x88, s3;
	s6 =	simm.s32 @!p1 $0x1082;
	[sflag:s4] =	ssyncset.s32 $0xFFFFF086  }
0x25: {  	[simem:s6], [sflag:s4] =	dma.local [hbm:s3], $0xF7A  }
0x26: {  	[smem:$0x3F94] =	sst s1;
	(tag) =	ssettag s2;
	_ =	strace s9  }
0x27: {  	s1 =	sld [smem:$0x3FA4]  }
0x28: {  	s2 =	sld [smem:$0x3FA5]  }
0x29: {  	s4 =	sld [smem:$0x3FA7]  }
0x2a: {  	p0 =	seq.s32 s5, $0x0;
	s5 =	sld [smem:$0x3FA8]  }
0x2b: {  	s6 =	sld [smem:$0x3FA9]  }
0x2c: {  	s7 =	sld [smem:$0x3FAA]  }
0x2d: {  	s3 =	simm.s32 $0x108;
	s8 =	sld [smem:$0x3FAB]  }
0x2e: {  	s3 =	simm.s32 @!p0 $0x1082;
	s9 =	sld [smem:$0x3FAC]  }
0x2f: {  	lr =	sadd.s32 s0, s3;
	s0 =	sld [smem:$0x3FA3]  }
0x30: {  	s3 =	sld [smem:$0x3FA6]  }
0x31: {  	[smem:$0x3FAF] =	sst s10  }
0x32: {  	s10 =	sld [smem:$0x3FAD];
	_ =	sdelay $0x3  }
0x33: {  	p0 =	seq.s32 s10, $0x1;
	s10 =	sld [smem:$0x3FAF];
	_ =	sdelay $0x3  }
0x34: {  	[smem:$0x3FAF] =	sst s10  }
0x35: {  	s10 =	sld [smem:$0x3FAE];
	_ =	sdelay $0x3  }
0x36: {  	p1 =	seq.s32 s10, $0x1;
	s10 =	sld [smem:$0x3FAF];
	_ =	sdelay $0x3  }
0x37: {  	[smem:$0x3FAF] =	sst s10  }
0x38: {  	s10 =	sld [smem:$0x3FB0]  }
0x39: {  	_ = 	snop;
	(pc) =	sbr.ind lr, $3  }
0x3a: {  	_ = 	snop  }
0x3b: {  	_ = 	snop  }
0x3c: {  	p2 =	seq.s32 s10, $0x1;
	s10 =	sld [smem:$0x3FAF]  }
0x3d: {  	_ =	shalt  }
0x3e: {  	_ =	shalt  }
0x3f: {  	_ =	shalt  }
0x40: {  	_ =	shalt  }
0x41: {  	_ =	shalt  }
0x42: {  	_ =	shalt  }
0x43: {  	_ =	shalt  }
0x44: {  	_ =	shalt  }
0x45: {  	_ =	shalt  }
0x46: {  	_ =	shalt  }
0x47: {  	_ =	shalt  }
0x48: {  	_ =	shalt  }
0x49: {  	_ =	shalt  }
0x4a: {  	_ =	shalt  }
0x4b: {  	_ =	shalt  }
0x4c: {  	_ =	shalt  }
0x4d: {  	_ =	shalt  }
0x4e: {  	_ =	shalt  }
0x4f: {  	_ =	shalt  }
0x50: {  	_ =	shalt  }
0x51: {  	_ =	shalt  }
0x52: {  	_ =	shalt  }
0x53: {  	_ =	shalt  }
0x54: {  	_ =	shalt  }
0x55: {  	_ =	shalt  }
0x56: {  	_ =	shalt  }
0x57: {  	_ =	shalt  }
0x58: {  	_ =	shalt  }
0x59: {  	_ =	shalt  }
0x5a: {  	_ =	shalt  }
0x5b: {  	_ =	shalt  }
0x5c: {  	_ =	shalt  }
0x5d: {  	_ =	shalt  }
0x5e: {  	_ =	shalt  }
0x5f: {  	_ =	shalt  }
0x60: {  	_ =	shalt  }
0x61: {  	_ =	shalt  }
0x62: {  	_ =	shalt  }
0x63: {  	_ =	shalt  }
0x64: {  	_ =	shalt  }
0x65: {  	_ =	shalt  }
0x66: {  	_ =	shalt  }
0x67: {  	_ =	shalt  }
0x68: {  	_ =	shalt  }
0x69: {  	_ =	shalt  }
0x6a: {  	_ =	shalt  }
0x6b: {  	_ =	shalt  }
0x6c: {  	_ =	shalt  }
0x6d: {  	_ =	shalt  }
0x6e: {  	_ =	shalt  }
0x6f: {  	_ =	shalt  }
0x70: {  	_ =	shalt  }
0x71: {  	_ =	shalt  }
0x72: {  	_ =	shalt  }
0x73: {  	_ =	shalt  }
0x74: {  	_ =	shalt  }
0x75: {  	_ =	shalt  }
0x76: {  	_ =	shalt  }
0x77: {  	_ =	shalt  }
0x78: {  	_ =	shalt  }
0x79: {  	_ =	shalt  }
0x7a: {  	_ =	shalt  }
0x7b: {  	_ =	shalt  }
0x7c: {  	_ =	shalt  }
0x7d: {  	_ =	shalt  }
0x7e: {  	_ =	shalt  }
0x7f: {  	_ =	shalt  }
0x80: {  	_ =	shalt  }
0x81: {  	_ =	shalt  }
0x82: {  	_ =	shalt  }
0x83: {  	_ =	shalt  }
0x84: {  	_ =	shalt  }
0x85: {  	_ =	shalt  }
0x86: {  	_ =	shalt  }
0x87: {  	_ =	shalt  }
.Lfunc_end0:
.L_simem_size_0:
called_computation_lowered:
.L_overlay_start_0:
0x88: {  	s2 =	sld [smem:$0x3FD9]  }
0x89: {  	s3 =	sld [smem:$0x3FFE];
	_ =	sdelay $0x1  }
0x8a: {  	s1 =	srdreg.scid  }
0x8b: {  	s0 =	sand.u32 $0x1, s1  }
0x8c: {  	s16 =	sshll.u32 s0, $0xA;
	s2 =	sadd.s32 s3, s2  }
0x8d: {  	s2 =	sadd.s32 s2, s16  }
0x8e: {  	[smem:$0x3FBB] =	sst s2  }
0x8f: {  	_ = 	snop  }
0x90: {  	(tm) =	ssettm $0x1  }
0x91: {  	s17 =	sld [smem:$0x3FFB];
	_ =	sdelay $0x3  }
0x92: {  	_ =	strace s17  }
0x93: {  	s2 =	sld [smem:$0x3FFC];
	_ =	sdelay $0x3  }
0x94: {  	_ =	strace s2  }
0x95: {  	s2 =	sld [smem:$0x3FFD];
	_ =	sdelay $0x3  }
0x96: {  	_ =	strace s2  }
0x97: {  	_ =	strace $0x8FFFFFFF  }
0x98: {  	s18 =	sld [smem:$0x3FDB];
	_ =	sdelay $0x1  }
0x99: {  	s19 =	simm.s32 $_scs_section_size  }
0x9a: {  	s4 =	simm.s32 $_size__tile_overlayer_lowered;
	s5 =	simm.s32 $_tile_overlayer_lowered  }
0x9b: {  	s22 =	simm.s32 $0x1BFF;
	s21 =	sshll.u32 s5, $0x1;
	s2 =	sadd.s32 s19, s18  }
0x9c: {  	s6 =	simm.s32 $0x0;
	s20 =	sshll.u32 s4, $0x1;
	s4 =	sadd.s32 s21, s2  }
0x9d: {  	[timem:s6], [sflag:s22] =	dma.local [hbm:s4], s20  }
0x9e: {  	_ =	swait.ge [sflag:s22], s20  }
0x9f: {  	s3 =	ssub.s32 $0x0, s20;
	[sflag:s22] =	ssyncset.done $0x0  }
0xa0: {  	[sflag:s22] =	ssyncadd.s32 s3;
	_ =	sdelay $0x1  }
0xa1: {  	s23 =	simm.s32 $0x1B8B  }
0xa2: {  	_ =	swait.ge [sflag:s23], $0x1  }
0xa3: {  	[sflag:s23] =	ssyncset.done $0x0  }
0xa4: {  	s25 =	simm.s32 $0x1B8E;
	s24 =	sld [smem:$0x3FFE];
	[sflag:s23] =	ssyncadd.s32 $0xFFFFFFFF  }
0xa5: {  	s26 =	simm.s32 $execute0_lowered;
	[smem:$0x3FD2] =	sst s25  }
0xa6: {  	s4 =	sshll.u32 s26, $0x1;
	_ =	strace $0x80000046;
	[dreg:$0x1] =	wrdreg $0xFFFFFFFF  }
0xa7: {  	s28 =	simm.s32 $_size_execute0_lowered;
	s2 =	sadd.s32 s2, s4;
	[dreg:$0x0] =	wrdreg $0x0  }
0xa8: {  	s4 =	sshll.u32 s28, $0x1;
	[dreg:$0x2] =	wrdreg s2  }
0xa9: {  	[dreg:$0x3] =	wrdreg s4  }
0xaa: {  	[dreg:$0x4] =	wrdreg $0xC0  }
0xab: {  	_ =	task [dreg:s6], $0x5FFFF  }
0xac: {  	[dreg:$0x1] =	wrdreg $0xFFFFFFFF  }
0xad: {  	[dreg:$0x0] =	wrdreg $0x60  }
0xae: {  	[dreg:$0x2] =	wrdreg s24  }
0xaf: {  	[dreg:$0x3] =	wrdreg $0x9  }
0xb0: {  	_ =	task.clear_ibuf [dreg:s6], $0x4FFFF;
	_ =	strace $0x90000046  }
0xb1: {  	s29 =	simm.s32 $0x9;
	_ =	strace $0x80000048  }
0xb2: {  	_ =	swait.ge [sflag:s29], $0x1  }
0xb3: {  	[sflag:s29] =	ssyncadd.s32 $0xFFFFFFFF  }
0xb4: {  	_ =	strace $0x90000048  }
0xb5: {  	_ =	sfence  }
0xb6: {  	s30 =	sld [smem:$0x0];
	_ =	sdelay $0x2  }
0xb7: {  	s31 =	sshll.u32 s1, $0xD;
	s1 =	sshrl.u32 s1, $0x2  }
0xb8: {  	s3 =	sand.u32 $0x4000, s31;
	s1 =	sadd.s32 s1, s30  }
0xb9: {  	s0 =	sor.u32 s3, s0;
	s1 =	sshll.u32 s1, $0x11  }
0xba: {  	s0 =	sor.u32 s1, s0  }
0xbb: {  	s0 =	sadd.s32 $0x8F2B, s0  }
0xbc: {  	[sflag:s0] =	ssyncadd.remote.s32 $0x1  }
0xbd: {  	_ =	sfence.sel $0xFFFF  }
0xbe: {  	[dreg:$0x0] =	wrdreg $0xFFFFFFFF;
	(pc) =	sbr.abs _section_cstart, $3  }
0xbf: {  	[dreg:$0x1] =	wrdreg $0xFFFFFFFF  }
0xc0: {  	_ =	task.clear_ibuf [dreg:s6], $0x2FFFF;
	_ =	strace $0x9FFFFFFF  }
0xc1: {  	(tm) =	ssettm $0x7FFFFFFF  }
tec
execute0_lowered:
.L_overlay_start_1:
0x0: {  	(tag) =	ssettag $0x1  }
0x1: {  	s0 =	srdreg.scid  }
0x2: {  	s3 =	sand.u32 $0x1, s0  }
0x3: {  	s4 =	rddreg [dreg:$0x0];
	s0 =	stileid.u32;
	s1 =	sshll.u32 s3, $0x4  }
0x4: {  	s2 =	simm.s32 $0x0;
	s8 =	simm.s32 $0x80;
	s5 =	sor.u32 s0, s1  }
0x5: {  	s9 =	simm.s32 $0x400;
	[smem:$0x7FF] =	sst s2;
	s6 =	sshrl.u32 s5, $0x3  }
0x6: {  	s7 =	sshll.u32 s0, $0x7;
	s3 =	ssub.s32 $0x2, s3;
	s6 =	smul.u32 $0x13C00, s6  }
0x7: {  	s1 =	rddreg [dreg:$0x1];
	s7 =	sand.u32 $0x380, s7;
	s5 =	smul.u32 $0x9C4, s5  }
0x8: {  	_ =	strace $0x80000047;
	s30 =	sshrl.u32 s3, $0x1;
	s6 =	sor.u32 s7, s6  }
0x9: {  	s31 =	ssub.s32 s3, s30;
	s5 =	sadd.s32 s5, s4;
	s6 =	sshrl.u32 s6, $0x3  }
0xa: {  	s3 =	sadd.s32 $0x3C00, s5;
	s5 =	smax.u32 s31, $0x1;
	s4 =	sadd.s32 s6, s4  }
0xb: {  	v0 =	vimm.f32 $0.0e+00;
	v1 =	vimm.f32 $1.000000000e+00;
	s7 =	simm.s32 $0x4E80;
	s6 =	simm.s32 $0x1;
	s4 =	sadd.s32 $0x17600, s4  }
.LBB2_1:
0xc: {  	s10 =	simm.s32 $0x40;
	s11 =	simm.s32 $0x0  }
.LBB2_2:
0xd: {  	p0 =	sne.s32 s10, $0x9C00;
	[tilespmem:s11+$0x4E80] =	vst v0;
	s11 =	smov.u32 s10;
	s10 =	sadd.s32 $0x40, s10  }
.Ltmp0:
0xe: {  	(pc) =	sbr.rel @p0 .LBB2_2-.Ltmp0, $2  }
0xf: {  	_ =	sdelay $0x2  }
0x10: {  	s11 =	sshra.s32 s11, $0x2  }
0x11: {  	[tilespmem:s11+$0x4E80] =	vst v0;
	s10 =	simm.s32 $0x0  }
0x12: {  	[tilespmem:s10], [sflag:$0x1] =	stream.linear.gather [hbm4b:s3+s10], $0x4E20, $0x38;
	[tilespmem:$0x7600] =	vst v63  }
0x13: {  	_ =	swait.ge [sflag:s6], $0x4E20  }
0x14: {  	[sflag:s6] =	ssyncset.done $0x0  }
0x15: {  	s11 =	simm.s32 $0x0;
	s10 =	simm.s32 $0x40;
	[sflag:s6] =	ssyncadd.s32 $0xFFFFB1E0  }
.LBB2_4:
0x16: {  	p0 =	sne.s32 s10, $0x13840;
	v2 =	vld [tilespmem:s11+$0x0];
	_ =	sdelay $0x3  }
.Ltmp1:
0x17: {  	(pc) =	sbr.rel @p0 .LBB2_4-.Ltmp1, $2  }
0x18: {  	_ =	sdelay $0x2  }
0x19: {  	s11 =	sshra.s32 s10, $0x2;
	s10 =	sadd.s32 $0x40, s10;
	[tilespmem:v2+s7+$0x0] =	vst.idx.add.f32.msk $0xffff, v1  }
0x1a: {  	v2 =	vld [tilespmem:s11+$0x0];
	_ =	sdelay $0x5  }
0x1b: {  	s2 =	sadd.s32 $0x1, s2  }
0x1c: {  	p0 =	sne.s32 s2, s5  }
.Ltmp2:
0x1d: {  	[tilespmem:v2+s7+$0x0] =	vst.idx.add.f32.msk $0xffff, v1;
	(pc) =	sbr.rel @p0 .LBB2_1-.Ltmp2, $4  }
0x1e: {  	[hbm4b:s4+s8] =	stream.strided.scatter [tilespmem:s7], [sflag:$0x1], $0x2780, s9, s8, $0x38;
	[tilespmem:$0x7600] =	vst v63  }
0x1f: {  	_ =	swait.ge [sflag:s6], $0x2780  }
0x20: {  	[sflag:s6] =	ssyncset.done $0x0  }
0x21: {  	[sflag:s6] =	ssyncadd.s32 $0xFFFFD880  }
0x22: {  	_ =	sfence.sel $0x180000  }
0x23: {  	[bflag:$0x0] =	sbarrier.arrive $0xFFFF  }
0x24: {  	p0 =	sne.s32 s0, $0x0;
	_ =	strace $0x90000047  }
0x25: {  	s0 =	sadd.s32 @!p0 $0x100000, s1;
	[bflag:$0x2] =	sbarrier.arrive $0xFFFF  }
0x26: {  	[sflag:s0] =	ssyncadd.tile.s32 @!p0 $0x1;
	_ =	shalt  }
.Lfunc_end2:
_tile_overlayer_lowered:
.L_overlay_start_2:
0x27: {  	(tag) =	ssettag $0x2  }
0x28: {  	s0 =	rddreg [dreg:$0x0];
	s2 =	stileid.u32  }
0x29: {  	s1 =	rddreg [dreg:$0x1];
	p0 =	sne.s32 s2, $0x0  }
0x2a: {  	s3 =	rddreg [dreg:$0x2];
	[bflag:$0x3] =	sbarrier.arrive $0xFFFF;
	s2 =	simm.s32 @!p0 $0x1C01  }
0x2b: {  	[timem:s3], [sflag:s2] =	dma.local @!p0 [hbm:s0], s1  }
0x2c: {  	s0 =	simm.s32 @!p0 $0x1  }
0x2d: {  	_ =	swait.ge @!p0 [sflag:s0], s1  }
0x2e: {  	s1 =	ssub.s32 @!p0 $0x0, s1;
	[sflag:s0] =	ssyncset.done @!p0 $0x0  }
0x2f: {  	[sflag:s0] =	ssyncadd.s32 @!p0 s1  }
0x30: {  	[bflag:$0x3] =	sbarrier.arrive $0xFFFF  }
0x31: {  	_ =	shalt  }

// kernel: kernel.16.cloned.1.call-start
scs
__scs_entry_jumppad:
0x0: {  	(pc) =	sbr.rel $0x88, $3  }
0x1: {  	(tag) =	ssettag $0x0;
	lr =	simm.s32 $0x1  }
0x2: {  	[smem:$0x3F94] =	sst lr;
	_ =	strace $0xD0000000  }
0x3: {  	_ = 	snop  }
0x4: {  	_ = 	snop  }
0x5: {  	_ = 	snop  }
0x6: {  	_ = 	snop  }
0x7: {  	_ = 	snop  }
__scs_overlays_trampoline_lowered:
0x8: {  	[smem:$0x3FA3] =	sst s0  }
0x9: {  	[smem:$0x3FA4] =	sst s1  }
0xa: {  	[smem:$0x3FA5] =	sst s2  }
0xb: {  	[smem:$0x3FA6] =	sst s3  }
0xc: {  	[smem:$0x3FA7] =	sst s4  }
0xd: {  	[smem:$0x3FA8] =	sst s5  }
0xe: {  	[smem:$0x3FA9] =	sst s6  }
0xf: {  	[smem:$0x3FAA] =	sst s7  }
0x10: {  	[smem:$0x3FAB] =	sst s8  }
0x11: {  	[smem:$0x3FAC] =	sst s9;
	s0 =	simm.s32 @!p0 $0x0  }
0x12: {  	s1 =	sld [smem:$0x3F92];
	s0 =	simm.s32 @p0 $0x1  }
0x13: {  	[smem:$0x3FAD] =	sst s0;
	s0 =	simm.s32 @!p1 $0x0  }
0x14: {  	s2 =	sld [smem:$0x3F91];
	s0 =	simm.s32 @p1 $0x1  }
0x15: {  	[smem:$0x3FAE] =	sst s0;
	s0 =	simm.s32 @!p2 $0x0  }
0x16: {  	s3 =	sld [smem:$0x3FDB];
	s0 =	simm.s32 @p2 $0x1  }
0x17: {  	s4 =	simm.s32 $0x1BF5;
	[smem:$0x3FB0] =	sst s0  }
0x18: {  	s0 =	sld [smem:$0x3F93];
	_ =	swait.ge [sflag:s4], $0x0  }
0x19: {  	s7 =	sld [smem:$0x3F94]  }
0x1a: {  	s8 =	sadd.s32 $0xFFFFE003, lr  }
0x1b: {  	s9 =	sadd.s32 $0xFFFFFEF7, lr;
	s5 =	simm.s32 $0xFFFFFFFF;
	p2 =	slt.u32 s8, $0xFFFFF086  }
0x1c: {  	p1 =	slt.u32 s9, $0xF7A;
	s5 =	simm.s32 @!p2 $0x0  }
0x1d: {  	s5 =	simm.s32 @p1 $0x1;
	p0 =	seq.s32 s7, s2  }
0x1e: {  	s7 =	smul.u32 @!p0 $0xF7A, s2;
	p2 =	seq.s32 @!p0 s5, $0x0  }
0x1f: {  	s9 =	smul.u32 $0xF7A, s1;
	s8 =	simm.s32 @!p0 $0x1BF5;
	p2 =	por !p2, p0  }
0x20: {  	[sflag:s8] =	ssyncset.s32 @!p0 $0xFFFFF086;
	s6 =	sadd.s32 @!p0 s3, s7;
	s7 =	simm.s32 @!p0 $0x108  }
0x21: {  	s3 =	sadd.s32 s3, s9;
	s6 =	sadd.s32 @!p0 $0x88, s6;
	s7 =	simm.s32 @p2 $0x1082  }
0x22: {  	[simem:s7], [sflag:s8] =	dma.local @!p0 [hbm:s6], $0xF7A  }
0x23: {  	s9 =	sor.u32 $0xD0000000, s2;
	s6 =	simm.s32 $0x108;
	_ =	swait.ge @!p0 [sflag:s8], $0x0  }
0x24: {  	s3 =	sadd.s32 $0x88, s3;
	s6 =	simm.s32 @!p1 $0x1082;
	[sflag:s4] =	ssyncset.s32 $0xFFFFF086  }
0x25: {  	[simem:s6], [sflag:s4] =	dma.local [hbm:s3], $0xF7A  }
0x26: {  	[smem:$0x3F94] =	sst s1;
	(tag) =	ssettag s2;
	_ =	strace s9  }
0x27: {  	s1 =	sld [smem:$0x3FA4]  }
0x28: {  	s2 =	sld [smem:$0x3FA5]  }
0x29: {  	s4 =	sld [smem:$0x3FA7]  }
0x2a: {  	p0 =	seq.s32 s5, $0x0;
	s5 =	sld [smem:$0x3FA8]  }
0x2b: {  	s6 =	sld [smem:$0x3FA9]  }
0x2c: {  	s7 =	sld [smem:$0x3FAA]  }
0x2d: {  	s3 =	simm.s32 $0x108;
	s8 =	sld [smem:$0x3FAB]  }
0x2e: {  	s3 =	simm.s32 @!p0 $0x1082;
	s9 =	sld [smem:$0x3FAC]  }
0x2f: {  	lr =	sadd.s32 s0, s3;
	s0 =	sld [smem:$0x3FA3]  }
0x30: {  	s3 =	sld [smem:$0x3FA6]  }
0x31: {  	[smem:$0x3FAF] =	sst s10  }
0x32: {  	s10 =	sld [smem:$0x3FAD];
	_ =	sdelay $0x3  }
0x33: {  	p0 =	seq.s32 s10, $0x1;
	s10 =	sld [smem:$0x3FAF];
	_ =	sdelay $0x3  }
0x34: {  	[smem:$0x3FAF] =	sst s10  }
0x35: {  	s10 =	sld [smem:$0x3FAE];
	_ =	sdelay $0x3  }
0x36: {  	p1 =	seq.s32 s10, $0x1;
	s10 =	sld [smem:$0x3FAF];
	_ =	sdelay $0x3  }
0x37: {  	[smem:$0x3FAF] =	sst s10  }
0x38: {  	s10 =	sld [smem:$0x3FB0]  }
0x39: {  	_ = 	snop;
	(pc) =	sbr.ind lr, $3  }
0x3a: {  	_ = 	snop  }
0x3b: {  	_ = 	snop  }
0x3c: {  	p2 =	seq.s32 s10, $0x1;
	s10 =	sld [smem:$0x3FAF]  }
0x3d: {  	_ =	shalt  }
0x3e: {  	_ =	shalt  }
0x3f: {  	_ =	shalt  }
0x40: {  	_ =	shalt  }
0x41: {  	_ =	shalt  }
0x42: {  	_ =	shalt  }
0x43: {  	_ =	shalt  }
0x44: {  	_ =	shalt  }
0x45: {  	_ =	shalt  }
0x46: {  	_ =	shalt  }
0x47: {  	_ =	shalt  }
0x48: {  	_ =	shalt  }
0x49: {  	_ =	shalt  }
0x4a: {  	_ =	shalt  }
0x4b: {  	_ =	shalt  }
0x4c: {  	_ =	shalt  }
0x4d: {  	_ =	shalt  }
0x4e: {  	_ =	shalt  }
0x4f: {  	_ =	shalt  }
0x50: {  	_ =	shalt  }
0x51: {  	_ =	shalt  }
0x52: {  	_ =	shalt  }
0x53: {  	_ =	shalt  }
0x54: {  	_ =	shalt  }
0x55: {  	_ =	shalt  }
0x56: {  	_ =	shalt  }
0x57: {  	_ =	shalt  }
0x58: {  	_ =	shalt  }
0x59: {  	_ =	shalt  }
0x5a: {  	_ =	shalt  }
0x5b: {  	_ =	shalt  }
0x5c: {  	_ =	shalt  }
0x5d: {  	_ =	shalt  }
0x5e: {  	_ =	shalt  }
0x5f: {  	_ =	shalt  }
0x60: {  	_ =	shalt  }
0x61: {  	_ =	shalt  }
0x62: {  	_ =	shalt  }
0x63: {  	_ =	shalt  }
0x64: {  	_ =	shalt  }
0x65: {  	_ =	shalt  }
0x66: {  	_ =	shalt  }
0x67: {  	_ =	shalt  }
0x68: {  	_ =	shalt  }
0x69: {  	_ =	shalt  }
0x6a: {  	_ =	shalt  }
0x6b: {  	_ =	shalt  }
0x6c: {  	_ =	shalt  }
0x6d: {  	_ =	shalt  }
0x6e: {  	_ =	shalt  }
0x6f: {  	_ =	shalt  }
0x70: {  	_ =	shalt  }
0x71: {  	_ =	shalt  }
0x72: {  	_ =	shalt  }
0x73: {  	_ =	shalt  }
0x74: {  	_ =	shalt  }
0x75: {  	_ =	shalt  }
0x76: {  	_ =	shalt  }
0x77: {  	_ =	shalt  }
0x78: {  	_ =	shalt  }
0x79: {  	_ =	shalt  }
0x7a: {  	_ =	shalt  }
0x7b: {  	_ =	shalt  }
0x7c: {  	_ =	shalt  }
0x7d: {  	_ =	shalt  }
0x7e: {  	_ =	shalt  }
0x7f: {  	_ =	shalt  }
0x80: {  	_ =	shalt  }
0x81: {  	_ =	shalt  }
0x82: {  	_ =	shalt  }
0x83: {  	_ =	shalt  }
0x84: {  	_ =	shalt  }
0x85: {  	_ =	shalt  }
0x86: {  	_ =	shalt  }
0x87: {  	_ =	shalt  }
.Lfunc_end0:
.L_simem_size_0:
called_computation.1_lowered:
.L_overlay_start_0:
0x88: {  	s2 =	sld [smem:$0x3FD9]  }
0x89: {  	s3 =	sld [smem:$0x3FFE];
	_ =	sdelay $0x1  }
0x8a: {  	s1 =	srdreg.scid  }
0x8b: {  	s0 =	sand.u32 $0x1, s1  }
0x8c: {  	s16 =	sshll.u32 s0, $0xA;
	s2 =	sadd.s32 s3, s2  }
0x8d: {  	s2 =	sadd.s32 s2, s16  }
0x8e: {  	[smem:$0x3FBB] =	sst s2  }
0x8f: {  	_ = 	snop  }
0x90: {  	(tm) =	ssettm $0x1  }
0x91: {  	s17 =	sld [smem:$0x3FFB];
	_ =	sdelay $0x3  }
0x92: {  	_ =	strace s17  }
0x93: {  	s2 =	sld [smem:$0x3FFC];
	_ =	sdelay $0x3  }
0x94: {  	_ =	strace s2  }
0x95: {  	s2 =	sld [smem:$0x3FFD];
	_ =	sdelay $0x3  }
0x96: {  	_ =	strace s2  }
0x97: {  	_ =	strace $0x8FFFFFFF  }
0x98: {  	s18 =	sld [smem:$0x3FDB];
	_ =	sdelay $0x1  }
0x99: {  	s19 =	simm.s32 $_scs_section_size  }
0x9a: {  	s4 =	simm.s32 $_size__tile_overlayer_lowered;
	s5 =	simm.s32 $_tile_overlayer_lowered  }
0x9b: {  	s22 =	simm.s32 $0x1BFF;
	s21 =	sshll.u32 s5, $0x1;
	s2 =	sadd.s32 s19, s18  }
0x9c: {  	s6 =	simm.s32 $0x0;
	s20 =	sshll.u32 s4, $0x1;
	s4 =	sadd.s32 s21, s2  }
0x9d: {  	[timem:s6], [sflag:s22] =	dma.local [hbm:s4], s20  }
0x9e: {  	_ =	swait.ge [sflag:s22], s20  }
0x9f: {  	s3 =	ssub.s32 $0x0, s20;
	[sflag:s22] =	ssyncset.done $0x0  }
0xa0: {  	[sflag:s22] =	ssyncadd.s32 s3;
	_ =	sdelay $0x1  }
0xa1: {  	s23 =	simm.s32 $0x1B8B  }
0xa2: {  	_ =	swait.ge [sflag:s23], $0x1  }
0xa3: {  	[sflag:s23] =	ssyncset.done $0x0  }
0xa4: {  	s25 =	simm.s32 $0x1B8E;
	s24 =	sld [smem:$0x3FFE];
	[sflag:s23] =	ssyncadd.s32 $0xFFFFFFFF  }
0xa5: {  	s26 =	simm.s32 $execute0_lowered;
	[smem:$0x3FD2] =	sst s25  }
0xa6: {  	s4 =	sshll.u32 s26, $0x1;
	_ =	strace $0x80000049;
	[dreg:$0x1] =	wrdreg $0xFFFFFFFF  }
0xa7: {  	s28 =	simm.s32 $_size_execute0_lowered;
	s2 =	sadd.s32 s2, s4;
	[dreg:$0x0] =	wrdreg $0x0  }
0xa8: {  	s4 =	sshll.u32 s28, $0x1;
	[dreg:$0x2] =	wrdreg s2  }
0xa9: {  	[dreg:$0x3] =	wrdreg s4  }
0xaa: {  	[dreg:$0x4] =	wrdreg $0xC0  }
0xab: {  	_ =	task [dreg:s6], $0x5FFFF  }
0xac: {  	[dreg:$0x1] =	wrdreg $0xFFFFFFFF  }
0xad: {  	[dreg:$0x0] =	wrdreg $0x60  }
0xae: {  	[dreg:$0x2] =	wrdreg s24  }
0xaf: {  	[dreg:$0x3] =	wrdreg $0x3C000  }
0xb0: {  	[dreg:$0x4] =	wrdreg $0x9  }
0xb1: {  	_ =	task.clear_ibuf [dreg:s6], $0x5FFFF;
	_ =	strace $0x90000049  }
0xb2: {  	s29 =	simm.s32 $0x9;
	_ =	strace $0x8000004B  }
0xb3: {  	_ =	swait.ge [sflag:s29], $0x1  }
0xb4: {  	[sflag:s29] =	ssyncadd.s32 $0xFFFFFFFF  }
0xb5: {  	_ =	strace $0x9000004B  }
0xb6: {  	_ =	sfence  }
0xb7: {  	s30 =	sld [smem:$0x0];
	_ =	sdelay $0x2  }
0xb8: {  	s31 =	sshll.u32 s1, $0xD;
	s1 =	sshrl.u32 s1, $0x2  }
0xb9: {  	s3 =	sand.u32 $0x4000, s31;
	s1 =	sadd.s32 s1, s30  }
0xba: {  	s0 =	sor.u32 s3, s0;
	s1 =	sshll.u32 s1, $0x11  }
0xbb: {  	s0 =	sor.u32 s1, s0  }
0xbc: {  	s0 =	sadd.s32 $0x8F2B, s0  }
0xbd: {  	[sflag:s0] =	ssyncadd.remote.s32 $0x1  }
0xbe: {  	_ =	sfence.sel $0xFFFF  }
0xbf: {  	[dreg:$0x0] =	wrdreg $0xFFFFFFFF;
	(pc) =	sbr.abs _section_cstart, $3  }
0xc0: {  	[dreg:$0x1] =	wrdreg $0xFFFFFFFF  }
0xc1: {  	_ =	task.clear_ibuf [dreg:s6], $0x2FFFF;
	_ =	strace $0x9FFFFFFF  }
0xc2: {  	(tm) =	ssettm $0x7FFFFFFF  }
0xc3: {  	_ =	shalt  }
tec
execute0_lowered:
.L_overlay_start_1:
0x0: {  	(tag) =	ssettag $0x1  }
0x1: {  	s0 =	rddreg [dreg:$0x0]  }
0x2: {  	s1 =	rddreg [dreg:$0x1]  }
0x3: {  	s3 =	srdreg.scid;
	s2 =	simm.s32 $0x0;
	s6 =	stileid.u32  }
0x4: {  	s14 =	simm.s32 $0x400;
	s15 =	simm.s32 $0x64;
	s16 =	simm.s32 $0x800  }
0x5: {  	s17 =	simm.s32 $0x80;
	s28 =	simm.s32 $0x300;
	s29 =	simm.s32 $0x700  }
0x6: {  	s30 =	simm.s32 $0x380;
	s31 =	simm.s32 $0x780;
	s5 =	sand.u32 $0x1, s3  }
0x7: {  	[smem:$0x7FF] =	sst s2;
	s3 =	sadd.s32 $0x53400, s0;
	s8 =	smul.u32 $0x4E000, s6  }
0x8: {  	s18 =	sadd.s32 $0x3C00, s0;
	s11 =	smul.u32 $0x13800, s6;
	s21 =	sshll.u32 s6, $0x6  }
0x9: {  	s23 =	smul.u32 $0xC80, s6;
	s13 =	sadd.s32 $0x138000, s1;
	p0 =	sne.s32 s6, $0x0  }
0xa: {  	s4 =	smul.u32 $0xC800, s5;
	_ =	strace $0x8000004A;
	[dreg:$0x3] =	wrdreg s18  }
0xb: {  	s9 =	ssub.s32 $0x2, s5;
	s10 =	smul.u32 $0x138800, s5;
	s5 =	sor.u32 $0x1C01, s21  }
0xc: {  	s18 =	simm.s32 $0x480;
	s21 =	simm.s32 $0x180;
	s19 =	sshrl.u32 s9, $0x1  }
0xd: {  	s20 =	sshrl.u32 s8, $0x2;
	s7 =	sadd.s32 s4, s0;
	s0 =	sadd.s32 $0x7A600, s0  }
0xe: {  	s9 =	ssub.s32 s9, s19;
	s12 =	sadd.s32 s20, s1;
	s22 =	sadd.s32 s11, s10  }
0xf: {  	s10 =	sshrl.u32 s10, $0x3;
	s19 =	simm.s32 $0x100;
	s20 =	simm.s32 $0x500  }
0x10: {  	s8 =	sshrl.u32 s22, $0x3;
	s25 =	smax.u32 s9, $0x1;
	s26 =	sadd.s32 s23, s7  }
0x11: {  	s7 =	sshrl.u32 s12, $0x3;
	s12 =	simm.s32 $0x1;
	s22 =	simm.s32 $0x580  }
0x12: {  	s23 =	simm.s32 $0x200;
	s24 =	sadd.s32 s0, s8;
	s0 =	sadd.s32 s0, s10  }
0x13: {  	[dreg:$0x6] =	wrdreg s25;
	s9 =	sadd.s32 $0x3A400, s26;
	s10 =	sadd.s32 $0x21400, s26  }
0x14: {  	s8 =	sshrl.u32 @!p0 s13, $0x3;
	s25 =	simm.s32 $0x280;
	[dreg:$0x4] =	wrdreg s24  }
0x15: {  	s26 =	simm.s32 $0x680;
	s0 =	sadd.s32 $0x27000, s0;
	[dreg:$0x7] =	wrdreg s8  }
0x16: {  	s24 =	simm.s32 $0x600;
	[dreg:$0x5] =	wrdreg s0;
	s0 =	simm.s32 $0x0  }
.LBB2_1:
0x17: {  	s4 =	rddreg [dreg:$0x3]  }
0x18: {  	[spmem:s7], [sflag:s5] =	dma.local [hbm:s4], $0x2700  }
0x19: {  	_ =	swait.ge [sflag:s12], $0x2700  }
0x1a: {  	[sflag:s12] =	ssyncset.done $0x0  }
0x1b: {  	s6 =	simm.s32 @!p0 $0x1;
	[sflag:s12] =	ssyncadd.s32 $0xFFFFD900  }
0x1c: {  	[spmem:s8], [sflag:s5] =	dma.local @!p0 [hbm:s4], $0x100  }
0x1d: {  	_ =	swait.ge @!p0 [sflag:s6], $0x100  }
0x1e: {  	[sflag:s6] =	ssyncset.done @!p0 $0x0  }
0x1f: {  	[sflag:s6] =	ssyncadd.s32 @!p0 $0xFFFFFF00  }
0x20: {  	s8 =	sadd.s32 $0x0, s10;
	[bflag:$0x0] =	sbarrier.arrive $0xFFFF  }
0x21: {  	[tilespmem:s2], [sflag:$0x1] =	stream.linear.gather [hbm4b:s8+s2], $0x400, $0x38;
	[tilespmem:$0x17480] =	vst v63  }
0x22: {  	_ =	swait.ge [sflag:s12], $0x400  }
0x23: {  	[sflag:s12] =	ssyncset.done $0x0  }
0x24: {  	s11 =	sadd.s32 $0x0, s9;
	[sflag:s12] =	ssyncadd.s32 $0xFFFFFC00  }
0x25: {  	[tilespmem:s14], [sflag:$0x1] =	stream.linear.gather [hbm4b:s11+s2], $0x400, $0x38;
	[tilespmem:$0x17480] =	vst v63  }
0x26: {  	_ =	swait.ge [sflag:s12], $0x400  }
0x27: {  	[sflag:s12] =	ssyncset.done $0x0  }
0x28: {  	[sflag:s12] =	ssyncadd.s32 $0xFFFFFC00  }
0x29: {  	[tilespmem:s16], [sflag:$0x1] =	stream.indirect.gather [hbm4b:s3+s15], $0x80, s2, s15, $0xb8;
	[tilespmem:$0x17480] =	vst v63  }
0x2a: {  	_ =	swait.ge [sflag:s12], $0x3200  }
0x2b: {  	[sflag:s12] =	ssyncset.done $0x0  }
0x2c: {  	[sflag:s12] =	ssyncadd.s32 $0xFFFFCE00  }
0x2d: {  	[spmem:s1] =	stream.indirect.scatter.add.f32 [tilespmem:s16], [sflag:$0x1], $0x80, s14, s15, $0xb8;
	[tilespmem:$0x17480] =	vst v63  }
0x2e: {  	_ =	swait.ge [sflag:s12], $0x3200  }
0x2f: {  	[sflag:s12] =	ssyncset.done $0x0  }
0x30: {  	[sflag:s12] =	ssyncadd.s32 $0xFFFFCE00  }
0x31: {  	[tilespmem:s16], [sflag:$0x1] =	stream.indirect.gather [hbm4b:s3+s15], $0x80, s17, s15, $0xb8;
	[tilespmem:$0x17480] =	vst v63  }
0x32: {  	_ =	swait.ge [sflag:s12], $0x3200  }
0x33: {  	[sflag:s12] =	ssyncset.done $0x0  }
0x34: {  	[sflag:s12] =	ssyncadd.s32 $0xFFFFCE00  }
0x35: {  	[spmem:s1] =	stream.indirect.scatter.add.f32 [tilespmem:s16], [sflag:$0x1], $0x80, s18, s15, $0xb8;
	[tilespmem:$0x17480] =	vst v63  }
0x36: {  	_ =	swait.ge [sflag:s12], $0x3200  }
0x37: {  	[sflag:s12] =	ssyncset.done $0x0  }
0x38: {  	[sflag:s12] =	ssyncadd.s32 $0xFFFFCE00  }
0x39: {  	[tilespmem:s16], [sflag:$0x1] =	stream.indirect.gather [hbm4b:s3+s15], $0x80, s19, s15, $0xb8;
	[tilespmem:$0x17480] =	vst v63  }
0x3a: {  	_ =	swait.ge [sflag:s12], $0x3200  }
0x3b: {  	[sflag:s12] =	ssyncset.done $0x0  }
0x3c: {  	[sflag:s12] =	ssyncadd.s32 $0xFFFFCE00  }
0x3d: {  	[spmem:s1] =	stream.indirect.scatter.add.f32 [tilespmem:s16], [sflag:$0x1], $0x80, s20, s15, $0xb8;
	[tilespmem:$0x17480] =	vst v63  }
0x3e: {  	_ =	swait.ge [sflag:s12], $0x3200  }
0x3f: {  	[sflag:s12] =	ssyncset.done $0x0  }
0x40: {  	[sflag:s12] =	ssyncadd.s32 $0xFFFFCE00  }
0x41: {  	[tilespmem:s16], [sflag:$0x1] =	stream.indirect.gather [hbm4b:s3+s15], $0x80, s21, s15, $0xb8;
	[tilespmem:$0x17480] =	vst v63  }
0x42: {  	_ =	swait.ge [sflag:s12], $0x3200  }
0x43: {  	[sflag:s12] =	ssyncset.done $0x0  }
0x44: {  	[sflag:s12] =	ssyncadd.s32 $0xFFFFCE00  }
0x45: {  	[spmem:s1] =	stream.indirect.scatter.add.f32 [tilespmem:s16], [sflag:$0x1], $0x80, s22, s15, $0xb8;
	[tilespmem:$0x17480] =	vst v63  }
0x46: {  	_ =	swait.ge [sflag:s12], $0x3200  }
0x47: {  	[sflag:s12] =	ssyncset.done $0x0  }
0x48: {  	[sflag:s12] =	ssyncadd.s32 $0xFFFFCE00  }
0x49: {  	[tilespmem:s16], [sflag:$0x1] =	stream.indirect.gather [hbm4b:s3+s15], $0x80, s23, s15, $0xb8;
	[tilespmem:$0x17480] =	vst v63  }
0x4a: {  	_ =	swait.ge [sflag:s12], $0x3200  }
0x4b: {  	[sflag:s12] =	ssyncset.done $0x0  }
0x4c: {  	[sflag:s12] =	ssyncadd.s32 $0xFFFFCE00  }
0x4d: {  	[spmem:s1] =	stream.indirect.scatter.add.f32 [tilespmem:s16], [sflag:$0x1], $0x80, s24, s15, $0xb8;
	[tilespmem:$0x17480] =	vst v63  }
0x4e: {  	_ =	swait.ge [sflag:s12], $0x3200  }
0x4f: {  	[sflag:s12] =	ssyncset.done $0x0  }
0x50: {  	[sflag:s12] =	ssyncadd.s32 $0xFFFFCE00  }
0x51: {  	[tilespmem:s16], [sflag:$0x1] =	stream.indirect.gather [hbm4b:s3+s15], $0x80, s25, s15, $0xb8;
	[tilespmem:$0x17480] =	vst v63  }
0x52: {  	_ =	swait.ge [sflag:s12], $0x3200  }
0x53: {  	[sflag:s12] =	ssyncset.done $0x0  }
0x54: {  	[sflag:s12] =	ssyncadd.s32 $0xFFFFCE00  }
0x55: {  	[spmem:s1] =	stream.indirect.scatter.add.f32 [tilespmem:s16], [sflag:$0x1], $0x80, s26, s15, $0xb8;
	[tilespmem:$0x17480] =	vst v63  }
0x56: {  	_ =	swait.ge [sflag:s12], $0x3200  }
0x57: {  	[sflag:s12] =	ssyncset.done $0x0  }
0x58: {  	[sflag:s12] =	ssyncadd.s32 $0xFFFFCE00  }
0x59: {  	[tilespmem:s16], [sflag:$0x1] =	stream.indirect.gather [hbm4b:s3+s15], $0x80, s28, s15, $0xb8;
	[tilespmem:$0x17480] =	vst v63  }
0x5a: {  	_ =	swait.ge [sflag:s12], $0x3200  }
0x5b: {  	[sflag:s12] =	ssyncset.done $0x0  }
0x5c: {  	[sflag:s12] =	ssyncadd.s32 $0xFFFFCE00  }
0x5d: {  	[spmem:s1] =	stream.indirect.scatter.add.f32 [tilespmem:s16], [sflag:$0x1], $0x80, s29, s15, $0xb8;
	[tilespmem:$0x17480] =	vst v63  }
0x5e: {  	_ =	swait.ge [sflag:s12], $0x3200  }
0x5f: {  	[sflag:s12] =	ssyncset.done $0x0  }
0x60: {  	[sflag:s12] =	ssyncadd.s32 $0xFFFFCE00  }
0x61: {  	[tilespmem:s16], [sflag:$0x1] =	stream.indirect.gather [hbm4b:s3+s15], $0x80, s30, s15, $0xb8;
	[tilespmem:$0x17480] =	vst v63  }
0x62: {  	_ =	swait.ge [sflag:s12], $0x3200  }
0x63: {  	[sflag:s12] =	ssyncset.done $0x0  }
0x64: {  	[sflag:s12] =	ssyncadd.s32 $0xFFFFCE00  }
0x65: {  	[spmem:s1] =	stream.indirect.scatter.add.f32 [tilespmem:s16], [sflag:$0x1], $0x80, s31, s15, $0xb8;
	[tilespmem:$0x17480] =	vst v63  }
0x66: {  	s13 =	smov.u32 s7;
	_ =	swait.ge [sflag:s12], $0x3200  }
0x67: {  	s7 =	simm.s32 $0x100;
	s6 =	simm.s32 $0x80;
	[sflag:s12] =	ssyncset.done $0x0  }
.LBB2_2:
0x68: {  	s4 =	sadd.s32 s6, s10  }
0x69: {  	[sflag:s12] =	ssyncadd.s32 $0xFFFFCE00;
	s11 =	smov.u32 s7;
	s8 =	sadd.s32 $0x80, s7  }
0x6a: {  	[tilespmem:s2], [sflag:$0x1] =	stream.linear.gather [hbm4b:s4+s2], $0x400, $0x38;
	[tilespmem:$0x17480] =	vst v63  }
0x6b: {  	p1 =	sne.s32 s7, $0xC00;
	_ =	swait.ge [sflag:s12], $0x400  }
0x6c: {  	[sflag:s12] =	ssyncset.done $0x0  }
0x6d: {  	s4 =	sadd.s32 s6, s9;
	s6 =	smov.u32 s11;
	[sflag:s12] =	ssyncadd.s32 $0xFFFFFC00  }
0x6e: {  	[tilespmem:s14], [sflag:$0x1] =	stream.linear.gather [hbm4b:s4+s2], $0x400, $0x38;
	[tilespmem:$0x17480] =	vst v63  }
0x6f: {  	_ =	swait.ge [sflag:s12], $0x400  }
0x70: {  	[sflag:s12] =	ssyncset.done $0x0  }
0x71: {  	[sflag:s12] =	ssyncadd.s32 $0xFFFFFC00  }
0x72: {  	[tilespmem:s16], [sflag:$0x1] =	stream.indirect.gather [hbm4b:s3+s15], $0x80, s2, s15, $0xb8;
	[tilespmem:$0x17480] =	vst v63  }
0x73: {  	_ =	swait.ge [sflag:s12], $0x3200  }
0x74: {  	[sflag:s12] =	ssyncset.done $0x0  }
0x75: {  	[sflag:s12] =	ssyncadd.s32 $0xFFFFCE00  }
0x76: {  	[spmem:s1] =	stream.indirect.scatter.add.f32 [tilespmem:s16], [sflag:$0x1], $0x80, s14, s15, $0xb8;
	[tilespmem:$0x17480] =	vst v63  }
0x77: {  	_ =	swait.ge [sflag:s12], $0x3200  }
0x78: {  	[sflag:s12] =	ssyncset.done $0x0  }
0x79: {  	[sflag:s12] =	ssyncadd.s32 $0xFFFFCE00  }
0x7a: {  	[tilespmem:s16], [sflag:$0x1] =	stream.indirect.gather [hbm4b:s3+s15], $0x80, s17, s15, $0xb8;
	[tilespmem:$0x17480] =	vst v63  }
0x7b: {  	_ =	swait.ge [sflag:s12], $0x3200  }
0x7c: {  	[sflag:s12] =	ssyncset.done $0x0  }
0x7d: {  	[sflag:s12] =	ssyncadd.s32 $0xFFFFCE00  }
0x7e: {  	[spmem:s1] =	stream.indirect.scatter.add.f32 [tilespmem:s16], [sflag:$0x1], $0x80, s18, s15, $0xb8;
	[tilespmem:$0x17480] =	vst v63  }
0x7f: {  	_ =	swait.ge [sflag:s12], $0x3200  }
0x80: {  	[sflag:s12] =	ssyncset.done $0x0  }
0x81: {  	[sflag:s12] =	ssyncadd.s32 $0xFFFFCE00  }
0x82: {  	[tilespmem:s16], [sflag:$0x1] =	stream.indirect.gather [hbm4b:s3+s15], $0x80, s19, s15, $0xb8;
	[tilespmem:$0x17480] =	vst v63  }
0x83: {  	_ =	swait.ge [sflag:s12], $0x3200  }
0x84: {  	[sflag:s12] =	ssyncset.done $0x0  }
0x85: {  	[sflag:s12] =	ssyncadd.s32 $0xFFFFCE00  }
0x86: {  	[spmem:s1] =	stream.indirect.scatter.add.f32 [tilespmem:s16], [sflag:$0x1], $0x80, s20, s15, $0xb8;
	[tilespmem:$0x17480] =	vst v63  }
0x87: {  	_ =	swait.ge [sflag:s12], $0x3200  }
0x88: {  	[sflag:s12] =	ssyncset.done $0x0  }
0x89: {  	[sflag:s12] =	ssyncadd.s32 $0xFFFFCE00  }
0x8a: {  	[tilespmem:s16], [sflag:$0x1] =	stream.indirect.gather [hbm4b:s3+s15], $0x80, s21, s15, $0xb8;
	[tilespmem:$0x17480] =	vst v63  }
0x8b: {  	_ =	swait.ge [sflag:s12], $0x3200  }
0x8c: {  	[sflag:s12] =	ssyncset.done $0x0  }
0x8d: {  	[sflag:s12] =	ssyncadd.s32 $0xFFFFCE00  }
0x8e: {  	[spmem:s1] =	stream.indirect.scatter.add.f32 [tilespmem:s16], [sflag:$0x1], $0x80, s22, s15, $0xb8;
	[tilespmem:$0x17480] =	vst v63  }
0x8f: {  	_ =	swait.ge [sflag:s12], $0x3200  }
0x90: {  	[sflag:s12] =	ssyncset.done $0x0  }
0x91: {  	[sflag:s12] =	ssyncadd.s32 $0xFFFFCE00  }
0x92: {  	[tilespmem:s16], [sflag:$0x1] =	stream.indirect.gather [hbm4b:s3+s15], $0x80, s23, s15, $0xb8;
	[tilespmem:$0x17480] =	vst v63  }
0x93: {  	_ =	swait.ge [sflag:s12], $0x3200  }
0x94: {  	[sflag:s12] =	ssyncset.done $0x0  }
0x95: {  	[sflag:s12] =	ssyncadd.s32 $0xFFFFCE00  }
0x96: {  	[spmem:s1] =	stream.indirect.scatter.add.f32 [tilespmem:s16], [sflag:$0x1], $0x80, s24, s15, $0xb8;
	[tilespmem:$0x17480] =	vst v63  }
0x97: {  	_ =	swait.ge [sflag:s12], $0x3200  }
0x98: {  	[sflag:s12] =	ssyncset.done $0x0  }
0x99: {  	[sflag:s12] =	ssyncadd.s32 $0xFFFFCE00  }
0x9a: {  	[tilespmem:s16], [sflag:$0x1] =	stream.indirect.gather [hbm4b:s3+s15], $0x80, s25, s15, $0xb8;
	[tilespmem:$0x17480] =	vst v63  }
0x9b: {  	_ =	swait.ge [sflag:s12], $0x3200  }
0x9c: {  	[sflag:s12] =	ssyncset.done $0x0  }
0x9d: {  	[sflag:s12] =	ssyncadd.s32 $0xFFFFCE00  }
0x9e: {  	[spmem:s1] =	stream.indirect.scatter.add.f32 [tilespmem:s16], [sflag:$0x1], $0x80, s26, s15, $0xb8;
	[tilespmem:$0x17480] =	vst v63  }
0x9f: {  	_ =	swait.ge [sflag:s12], $0x3200  }
0xa0: {  	[sflag:s12] =	ssyncset.done $0x0  }
0xa1: {  	[sflag:s12] =	ssyncadd.s32 $0xFFFFCE00  }
0xa2: {  	[tilespmem:s16], [sflag:$0x1] =	stream.indirect.gather [hbm4b:s3+s15], $0x80, s28, s15, $0xb8;
	[tilespmem:$0x17480] =	vst v63  }
0xa3: {  	_ =	swait.ge [sflag:s12], $0x3200  }
0xa4: {  	[sflag:s12] =	ssyncset.done $0x0  }
0xa5: {  	[sflag:s12] =	ssyncadd.s32 $0xFFFFCE00  }
0xa6: {  	[spmem:s1] =	stream.indirect.scatter.add.f32 [tilespmem:s16], [sflag:$0x1], $0x80, s29, s15, $0xb8;
	[tilespmem:$0x17480] =	vst v63  }
0xa7: {  	_ =	swait.ge [sflag:s12], $0x3200  }
0xa8: {  	[sflag:s12] =	ssyncset.done $0x0  }
0xa9: {  	[sflag:s12] =	ssyncadd.s32 $0xFFFFCE00  }
0xaa: {  	[tilespmem:s16], [sflag:$0x1] =	stream.indirect.gather [hbm4b:s3+s15], $0x80, s30, s15, $0xb8;
	[tilespmem:$0x17480] =	vst v63  }
0xab: {  	_ =	swait.ge [sflag:s12], $0x3200  }
.Ltmp0:
0xac: {  	[sflag:s12] =	ssyncset.done $0x0;
	(pc) =	sbr.rel @p1 .LBB2_2-.Ltmp0, $4  }
0xad: {  	[sflag:s12] =	ssyncadd.s32 $0xFFFFCE00  }
0xae: {  	[spmem:s1] =	stream.indirect.scatter.add.f32 [tilespmem:s16], [sflag:$0x1], $0x80, s31, s15, $0xb8;
	[tilespmem:$0x17480] =	vst v63  }
0xaf: {  	_ =	swait.ge [sflag:s12], $0x3200  }
0xb0: {  	s7 =	smov.u32 s8;
	[sflag:s12] =	ssyncset.done $0x0  }
0xb1: {  	s4 =	sadd.s32 s6, s10;
	[sflag:s12] =	ssyncadd.s32 $0xFFFFCE00  }
0xb2: {  	[tilespmem:s2], [sflag:$0x1] =	stream.linear.gather [hbm4b:s4+s2], $0x400, $0x38;
	[tilespmem:$0x17480] =	vst v63  }
0xb3: {  	_ =	swait.ge [sflag:s12], $0x400  }
0xb4: {  	[sflag:s12] =	ssyncset.done $0x0  }
0xb5: {  	s8 =	sadd.s32 s6, s9;
	[sflag:s12] =	ssyncadd.s32 $0xFFFFFC00  }
0xb6: {  	[tilespmem:s14], [sflag:$0x1] =	stream.linear.gather [hbm4b:s8+s2], $0x400, $0x38;
	[tilespmem:$0x17480] =	vst v63  }
0xb7: {  	_ =	swait.ge [sflag:s12], $0x400  }
0xb8: {  	[sflag:s12] =	ssyncset.done $0x0  }
0xb9: {  	[sflag:s12] =	ssyncadd.s32 $0xFFFFFC00  }
0xba: {  	[tilespmem:s16], [sflag:$0x1] =	stream.indirect.gather [hbm4b:s3+s15], $0x80, s2, s15, $0xb8;
	[tilespmem:$0x17480] =	vst v63  }
0xbb: {  	_ =	swait.ge [sflag:s12], $0x3200  }
0xbc: {  	[sflag:s12] =	ssyncset.done $0x0  }
0xbd: {  	[sflag:s12] =	ssyncadd.s32 $0xFFFFCE00  }
0xbe: {  	[spmem:s1] =	stream.indirect.scatter.add.f32 [tilespmem:s16], [sflag:$0x1], $0x80, s14, s15, $0xb8;
	[tilespmem:$0x17480] =	vst v63  }
0xbf: {  	_ =	swait.ge [sflag:s12], $0x3200  }
0xc0: {  	[sflag:s12] =	ssyncset.done $0x0  }
0xc1: {  	[sflag:s12] =	ssyncadd.s32 $0xFFFFCE00  }
0xc2: {  	[tilespmem:s16], [sflag:$0x1] =	stream.indirect.gather [hbm4b:s3+s15], $0x80, s17, s15, $0xb8;
	[tilespmem:$0x17480] =	vst v63  }
0xc3: {  	_ =	swait.ge [sflag:s12], $0x3200  }
0xc4: {  	[sflag:s12] =	ssyncset.done $0x0  }
0xc5: {  	[sflag:s12] =	ssyncadd.s32 $0xFFFFCE00  }
0xc6: {  	[spmem:s1] =	stream.indirect.scatter.add.f32 [tilespmem:s16], [sflag:$0x1], $0x80, s18, s15, $0xb8;
	[tilespmem:$0x17480] =	vst v63  }
0xc7: {  	_ =	swait.ge [sflag:s12], $0x3200  }
0xc8: {  	[sflag:s12] =	ssyncset.done $0x0  }
0xc9: {  	[sflag:s12] =	ssyncadd.s32 $0xFFFFCE00  }
0xca: {  	[tilespmem:s16], [sflag:$0x1] =	stream.indirect.gather [hbm4b:s3+s15], $0x80, s19, s15, $0xb8;
	[tilespmem:$0x17480] =	vst v63  }
0xcb: {  	_ =	swait.ge [sflag:s12], $0x3200  }
0xcc: {  	[sflag:s12] =	ssyncset.done $0x0  }
0xcd: {  	[sflag:s12] =	ssyncadd.s32 $0xFFFFCE00  }
0xce: {  	[spmem:s1] =	stream.indirect.scatter.add.f32 [tilespmem:s16], [sflag:$0x1], $0x80, s20, s15, $0xb8;
	[tilespmem:$0x17480] =	vst v63  }
0xcf: {  	_ =	swait.ge [sflag:s12], $0x3200  }
0xd0: {  	[sflag:s12] =	ssyncset.done $0x0  }
0xd1: {  	[sflag:s12] =	ssyncadd.s32 $0xFFFFCE00  }
0xd2: {  	[tilespmem:s16], [sflag:$0x1] =	stream.indirect.gather [hbm4b:s3+s15], $0x80, s21, s15, $0xb8;
	[tilespmem:$0x17480] =	vst v63  }
0xd3: {  	_ =	swait.ge [sflag:s12], $0x3200  }
0xd4: {  	[sflag:s12] =	ssyncset.done $0x0  }
0xd5: {  	[sflag:s12] =	ssyncadd.s32 $0xFFFFCE00  }
0xd6: {  	[spmem:s1] =	stream.indirect.scatter.add.f32 [tilespmem:s16], [sflag:$0x1], $0x80, s22, s15, $0xb8;
	[tilespmem:$0x17480] =	vst v63  }
0xd7: {  	_ =	swait.ge [sflag:s12], $0x3200  }
0xd8: {  	[sflag:s12] =	ssyncset.done $0x0  }
0xd9: {  	[sflag:s12] =	ssyncadd.s32 $0xFFFFCE00  }
0xda: {  	[tilespmem:s16], [sflag:$0x1] =	stream.indirect.gather [hbm4b:s3+s15], $0x80, s23, s15, $0xb8;
	[tilespmem:$0x17480] =	vst v63  }
0xdb: {  	_ =	swait.ge [sflag:s12], $0x3200  }
0xdc: {  	[sflag:s12] =	ssyncset.done $0x0  }
0xdd: {  	[sflag:s12] =	ssyncadd.s32 $0xFFFFCE00  }
0xde: {  	[spmem:s1] =	stream.indirect.scatter.add.f32 [tilespmem:s16], [sflag:$0x1], $0x80, s24, s15, $0xb8;
	[tilespmem:$0x17480] =	vst v63  }
0xdf: {  	_ =	swait.ge [sflag:s12], $0x3200  }
0xe0: {  	[sflag:s12] =	ssyncset.done $0x0  }
0xe1: {  	[sflag:s12] =	ssyncadd.s32 $0xFFFFCE00  }
0xe2: {  	[tilespmem:s16], [sflag:$0x1] =	stream.indirect.gather [hbm4b:s3+s15], $0x80, s25, s15, $0xb8;
	[tilespmem:$0x17480] =	vst v63  }
0xe3: {  	_ =	swait.ge [sflag:s12], $0x3200  }
0xe4: {  	[sflag:s12] =	ssyncset.done $0x0  }
0xe5: {  	[sflag:s12] =	ssyncadd.s32 $0xFFFFCE00  }
0xe6: {  	[spmem:s1] =	stream.indirect.scatter.add.f32 [tilespmem:s16], [sflag:$0x1], $0x80, s26, s15, $0xb8;
	[tilespmem:$0x17480] =	vst v63  }
0xe7: {  	_ =	swait.ge [sflag:s12], $0x3200  }
0xe8: {  	[sflag:s12] =	ssyncset.done $0x0  }
0xe9: {  	[sflag:s12] =	ssyncadd.s32 $0xFFFFCE00  }
0xea: {  	[tilespmem:s16], [sflag:$0x1] =	stream.indirect.gather [hbm4b:s3+s15], $0x80, s28, s15, $0xb8;
	[tilespmem:$0x17480] =	vst v63  }
0xeb: {  	_ =	swait.ge [sflag:s12], $0x3200  }
0xec: {  	[sflag:s12] =	ssyncset.done $0x0  }
0xed: {  	[sflag:s12] =	ssyncadd.s32 $0xFFFFCE00  }
0xee: {  	[spmem:s1] =	stream.indirect.scatter.add.f32 [tilespmem:s16], [sflag:$0x1], $0x80, s29, s15, $0xb8;
	[tilespmem:$0x17480] =	vst v63  }
0xef: {  	_ =	swait.ge [sflag:s12], $0x3200  }
0xf0: {  	[sflag:s12] =	ssyncset.done $0x0  }
0xf1: {  	[sflag:s12] =	ssyncadd.s32 $0xFFFFCE00  }
0xf2: {  	[tilespmem:s16], [sflag:$0x1] =	stream.indirect.gather [hbm4b:s3+s15], $0x80, s30, s15, $0xb8;
	[tilespmem:$0x17480] =	vst v63  }
0xf3: {  	_ =	swait.ge [sflag:s12], $0x3200  }
0xf4: {  	[sflag:s12] =	ssyncset.done $0x0  }
0xf5: {  	[sflag:s12] =	ssyncadd.s32 $0xFFFFCE00  }
0xf6: {  	[spmem:s1] =	stream.indirect.scatter.add.f32 [tilespmem:s16], [sflag:$0x1], $0x80, s31, s15, $0xb8;
	[tilespmem:$0x17480] =	vst v63  }
0xf7: {  	_ =	swait.ge [sflag:s12], $0x3200  }
0xf8: {  	[sflag:s12] =	ssyncset.done $0x0  }
0xf9: {  	[sflag:s12] =	ssyncadd.s32 $0xFFFFCE00  }
0xfa: {  	[bflag:$0x0] =	sbarrier.arrive $0xFFFF  }
0xfb: {  	s11 =	rddreg [dreg:$0x4]  }
0xfc: {  	[hbm:s11], [sflag:s5] =	dma.local [spmem:s13], $0x2700  }
0xfd: {  	_ =	swait.ge [sflag:s12], $0x2700  }
0xfe: {  	[sflag:s12] =	ssyncset.done $0x0;
	s4 =	rddreg [dreg:$0x5]  }
0xff: {  	s8 =	rddreg [dreg:$0x7];
	[sflag:s12] =	ssyncadd.s32 $0xFFFFD900  }
0x100: {  	[hbm:s4], [sflag:s5] =	dma.local @!p0 [spmem:s8], $0x100  }
0x101: {  	s4 =	simm.s32 @!p0 $0x1  }
0x102: {  	_ =	swait.ge @!p0 [sflag:s4], $0x100  }
0x103: {  	s7 =	smov.u32 s13;
	s0 =	sadd.s32 $0x1, s0;
	s13 =	rddreg [dreg:$0x6]  }
0x104: {  	p1 =	sne.s32 s0, s13  }
.Ltmp1:
0x105: {  	_ = 	snop;
	(pc) =	sbr.rel @p1 .LBB2_1-.Ltmp1, $3  }
0x106: {  	_ =	sdelay $0x1  }
0x107: {  	[sflag:s4] =	ssyncset.done @!p0 $0x0  }
0x108: {  	[sflag:s4] =	ssyncadd.s32 @!p0 $0xFFFFFF00  }
0x109: {  	_ =	sfence.sel $0x180000  }
0x10a: {  	[bflag:$0x0] =	sbarrier.arrive $0xFFFF  }
0x10b: {  	_ =	strace $0x9000004A  }
0x10c: {  	[bflag:$0x2] =	sbarrier.arrive $0xFFFF  }
0x10d: {  	s0 =	rddreg [dreg:$0x2]  }
0x10e: {  	s0 =	sadd.s32 @!p0 $0x100000, s0  }
0x10f: {  	[sflag:s0] =	ssyncadd.tile.s32 @!p0 $0x1;
	_ =	shalt  }
.Lfunc_end2:
_tile_overlayer_lowered:
.L_overlay_start_2:
0x110: {  	(tag) =	ssettag $0x2  }
0x111: {  	s0 =	rddreg [dreg:$0x0];
	s2 =	stileid.u32  }
0x112: {  	s1 =	rddreg [dreg:$0x1];
	p0 =	sne.s32 s2, $0x0  }
0x113: {  	s3 =	rddreg [dreg:$0x2];
	[bflag:$0x3] =	sbarrier.arrive $0xFFFF;
	s2 =	simm.s32 @!p0 $0x1C01  }
0x114: {  	[timem:s3], [sflag:s2] =	dma.local @!p0 [hbm:s0], s1  }
0x115: {  	s0 =	simm.s32 @!p0 $0x1  }
0x116: {  	_ =	swait.ge @!p0 [sflag:s0], s1  }
0x117: {  	s1 =	ssub.s32 @!p0 $0x0, s1;
	[sflag:s0] =	ssyncset.done @!p0 $0x0  }
0x118: {  	[sflag:s0] =	ssyncadd.s32 @!p0 s1  }
0x119: {  	[bflag:$0x3] =	sbarrier.arrive $0xFFFF  }
0x11a: {  	_ =	shalt  }

// kernel: kernel.19.cloned.1.call-start
scs
__scs_entry_jumppad:
0x0: {  	(pc) =	sbr.rel $0x88, $3  }
0x1: {  	(tag) =	ssettag $0x0;
	lr =	simm.s32 $0x1  }
0x2: {  	[smem:$0x3F94] =	sst lr;
	_ =	strace $0xD0000000  }
0x3: {  	_ = 	snop  }
0x4: {  	_ = 	snop  }
0x5: {  	_ = 	snop  }
0x6: {  	_ = 	snop  }
0x7: {  	_ = 	snop  }
__scs_overlays_trampoline_lowered:
0x8: {  	[smem:$0x3FA3] =	sst s0  }
0x9: {  	[smem:$0x3FA4] =	sst s1  }
0xa: {  	[smem:$0x3FA5] =	sst s2  }
0xb: {  	[smem:$0x3FA6] =	sst s3  }
0xc: {  	[smem:$0x3FA7] =	sst s4  }
0xd: {  	[smem:$0x3FA8] =	sst s5  }
0xe: {  	[smem:$0x3FA9] =	sst s6  }
0xf: {  	[smem:$0x3FAA] =	sst s7  }
0x10: {  	[smem:$0x3FAB] =	sst s8  }
0x11: {  	[smem:$0x3FAC] =	sst s9;
	s0 =	simm.s32 @!p0 $0x0  }
0x12: {  	s1 =	sld [smem:$0x3F92];
	s0 =	simm.s32 @p0 $0x1  }
0x13: {  	[smem:$0x3FAD] =	sst s0;
	s0 =	simm.s32 @!p1 $0x0  }
0x14: {  	s2 =	sld [smem:$0x3F91];
	s0 =	simm.s32 @p1 $0x1  }
0x15: {  	[smem:$0x3FAE] =	sst s0;
	s0 =	simm.s32 @!p2 $0x0  }
0x16: {  	s3 =	sld [smem:$0x3FDB];
	s0 =	simm.s32 @p2 $0x1  }
0x17: {  	s4 =	simm.s32 $0x1BF5;
	[smem:$0x3FB0] =	sst s0  }
0x18: {  	s0 =	sld [smem:$0x3F93];
	_ =	swait.ge [sflag:s4], $0x0  }
0x19: {  	s7 =	sld [smem:$0x3F94]  }
0x1a: {  	s8 =	sadd.s32 $0xFFFFE003, lr  }
0x1b: {  	s9 =	sadd.s32 $0xFFFFFEF7, lr;
	s5 =	simm.s32 $0xFFFFFFFF;
	p2 =	slt.u32 s8, $0xFFFFF086  }
0x1c: {  	p1 =	slt.u32 s9, $0xF7A;
	s5 =	simm.s32 @!p2 $0x0  }
0x1d: {  	s5 =	simm.s32 @p1 $0x1;
	p0 =	seq.s32 s7, s2  }
0x1e: {  	s7 =	smul.u32 @!p0 $0xF7A, s2;
	p2 =	seq.s32 @!p0 s5, $0x0  }
0x1f: {  	s9 =	smul.u32 $0xF7A, s1;
	s8 =	simm.s32 @!p0 $0x1BF5;
	p2 =	por !p2, p0  }
0x20: {  	[sflag:s8] =	ssyncset.s32 @!p0 $0xFFFFF086;
	s6 =	sadd.s32 @!p0 s3, s7;
	s7 =	simm.s32 @!p0 $0x108  }
0x21: {  	s3 =	sadd.s32 s3, s9;
	s6 =	sadd.s32 @!p0 $0x88, s6;
	s7 =	simm.s32 @p2 $0x1082  }
0x22: {  	[simem:s7], [sflag:s8] =	dma.local @!p0 [hbm:s6], $0xF7A  }
0x23: {  	s9 =	sor.u32 $0xD0000000, s2;
	s6 =	simm.s32 $0x108;
	_ =	swait.ge @!p0 [sflag:s8], $0x0  }
0x24: {  	s3 =	sadd.s32 $0x88, s3;
	s6 =	simm.s32 @!p1 $0x1082;
	[sflag:s4] =	ssyncset.s32 $0xFFFFF086  }
0x25: {  	[simem:s6], [sflag:s4] =	dma.local [hbm:s3], $0xF7A  }
0x26: {  	[smem:$0x3F94] =	sst s1;
	(tag) =	ssettag s2;
	_ =	strace s9  }
0x27: {  	s1 =	sld [smem:$0x3FA4]  }
0x28: {  	s2 =	sld [smem:$0x3FA5]  }
0x29: {  	s4 =	sld [smem:$0x3FA7]  }
0x2a: {  	p0 =	seq.s32 s5, $0x0;
	s5 =	sld [smem:$0x3FA8]  }
0x2b: {  	s6 =	sld [smem:$0x3FA9]  }
0x2c: {  	s7 =	sld [smem:$0x3FAA]  }
0x2d: {  	s3 =	simm.s32 $0x108;
	s8 =	sld [smem:$0x3FAB]  }
0x2e: {  	s3 =	simm.s32 @!p0 $0x1082;
	s9 =	sld [smem:$0x3FAC]  }
0x2f: {  	lr =	sadd.s32 s0, s3;
	s0 =	sld [smem:$0x3FA3]  }
0x30: {  	s3 =	sld [smem:$0x3FA6]  }
0x31: {  	[smem:$0x3FAF] =	sst s10  }
0x32: {  	s10 =	sld [smem:$0x3FAD];
	_ =	sdelay $0x3  }
0x33: {  	p0 =	seq.s32 s10, $0x1;
	s10 =	sld [smem:$0x3FAF];
	_ =	sdelay $0x3  }
0x34: {  	[smem:$0x3FAF] =	sst s10  }
0x35: {  	s10 =	sld [smem:$0x3FAE];
	_ =	sdelay $0x3  }
0x36: {  	p1 =	seq.s32 s10, $0x1;
	s10 =	sld [smem:$0x3FAF];
	_ =	sdelay $0x3  }
0x37: {  	[smem:$0x3FAF] =	sst s10  }
0x38: {  	s10 =	sld [smem:$0x3FB0]  }
0x39: {  	_ = 	snop;
	(pc) =	sbr.ind lr, $3  }
0x3a: {  	_ = 	snop  }
0x3b: {  	_ = 	snop  }
0x3c: {  	p2 =	seq.s32 s10, $0x1;
	s10 =	sld [smem:$0x3FAF]  }
0x3d: {  	_ =	shalt  }
0x3e: {  	_ =	shalt  }
0x3f: {  	_ =	shalt  }
0x40: {  	_ =	shalt  }
0x41: {  	_ =	shalt  }
0x42: {  	_ =	shalt  }
0x43: {  	_ =	shalt  }
0x44: {  	_ =	shalt  }
0x45: {  	_ =	shalt  }
0x46: {  	_ =	shalt  }
0x47: {  	_ =	shalt  }
0x48: {  	_ =	shalt  }
0x49: {  	_ =	shalt  }
0x4a: {  	_ =	shalt  }
0x4b: {  	_ =	shalt  }
0x4c: {  	_ =	shalt  }
0x4d: {  	_ =	shalt  }
0x4e: {  	_ =	shalt  }
0x4f: {  	_ =	shalt  }
0x50: {  	_ =	shalt  }
0x51: {  	_ =	shalt  }
0x52: {  	_ =	shalt  }
0x53: {  	_ =	shalt  }
0x54: {  	_ =	shalt  }
0x55: {  	_ =	shalt  }
0x56: {  	_ =	shalt  }
0x57: {  	_ =	shalt  }
0x58: {  	_ =	shalt  }
0x59: {  	_ =	shalt  }
0x5a: {  	_ =	shalt  }
0x5b: {  	_ =	shalt  }
0x5c: {  	_ =	shalt  }
0x5d: {  	_ =	shalt  }
0x5e: {  	_ =	shalt  }
0x5f: {  	_ =	shalt  }
0x60: {  	_ =	shalt  }
0x61: {  	_ =	shalt  }
0x62: {  	_ =	shalt  }
0x63: {  	_ =	shalt  }
0x64: {  	_ =	shalt  }
0x65: {  	_ =	shalt  }
0x66: {  	_ =	shalt  }
0x67: {  	_ =	shalt  }
0x68: {  	_ =	shalt  }
0x69: {  	_ =	shalt  }
0x6a: {  	_ =	shalt  }
0x6b: {  	_ =	shalt  }
0x6c: {  	_ =	shalt  }
0x6d: {  	_ =	shalt  }
0x6e: {  	_ =	shalt  }
0x6f: {  	_ =	shalt  }
0x70: {  	_ =	shalt  }
0x71: {  	_ =	shalt  }
0x72: {  	_ =	shalt  }
0x73: {  	_ =	shalt  }
0x74: {  	_ =	shalt  }
0x75: {  	_ =	shalt  }
0x76: {  	_ =	shalt  }
0x77: {  	_ =	shalt  }
0x78: {  	_ =	shalt  }
0x79: {  	_ =	shalt  }
0x7a: {  	_ =	shalt  }
0x7b: {  	_ =	shalt  }
0x7c: {  	_ =	shalt  }
0x7d: {  	_ =	shalt  }
0x7e: {  	_ =	shalt  }
0x7f: {  	_ =	shalt  }
0x80: {  	_ =	shalt  }
0x81: {  	_ =	shalt  }
0x82: {  	_ =	shalt  }
0x83: {  	_ =	shalt  }
0x84: {  	_ =	shalt  }
0x85: {  	_ =	shalt  }
0x86: {  	_ =	shalt  }
0x87: {  	_ =	shalt  }
.Lfunc_end0:
.L_simem_size_0:
called_computation.2_lowered:
.L_overlay_start_0:
0x88: {  	s2 =	sld [smem:$0x3FD9]  }
0x89: {  	s3 =	sld [smem:$0x3FFE];
	_ =	sdelay $0x1  }
0x8a: {  	s1 =	srdreg.scid  }
0x8b: {  	s0 =	sand.u32 $0x1, s1  }
0x8c: {  	s16 =	sshll.u32 s0, $0xA;
	s2 =	sadd.s32 s3, s2  }
0x8d: {  	s2 =	sadd.s32 s2, s16  }
0x8e: {  	[smem:$0x3FBB] =	sst s2  }
0x8f: {  	_ = 	snop  }
0x90: {  	(tm) =	ssettm $0x1  }
0x91: {  	s17 =	sld [smem:$0x3FFB];
	_ =	sdelay $0x3  }
0x92: {  	_ =	strace s17  }
0x93: {  	s2 =	sld [smem:$0x3FFC];
	_ =	sdelay $0x3  }
0x94: {  	_ =	strace s2  }
0x95: {  	s2 =	sld [smem:$0x3FFD];
	_ =	sdelay $0x3  }
0x96: {  	_ =	strace s2  }
0x97: {  	_ =	strace $0x8FFFFFFF  }
0x98: {  	s18 =	sld [smem:$0x3FDB];
	_ =	sdelay $0x1  }
0x99: {  	s19 =	simm.s32 $_scs_section_size  }
0x9a: {  	s4 =	simm.s32 $_size__tile_overlayer_lowered;
	s5 =	simm.s32 $_tile_overlayer_lowered  }
0x9b: {  	s22 =	simm.s32 $0x1BFF;
	s21 =	sshll.u32 s5, $0x1;
	s2 =	sadd.s32 s19, s18  }
0x9c: {  	s6 =	simm.s32 $0x0;
	s20 =	sshll.u32 s4, $0x1;
	s4 =	sadd.s32 s21, s2  }
0x9d: {  	[timem:s6], [sflag:s22] =	dma.local [hbm:s4], s20  }
0x9e: {  	_ =	swait.ge [sflag:s22], s20  }
0x9f: {  	s3 =	ssub.s32 $0x0, s20;
	[sflag:s22] =	ssyncset.done $0x0  }
0xa0: {  	[sflag:s22] =	ssyncadd.s32 s3;
	_ =	sdelay $0x1  }
0xa1: {  	s23 =	simm.s32 $0x1B8B  }
0xa2: {  	_ =	swait.ge [sflag:s23], $0x1  }
0xa3: {  	[sflag:s23] =	ssyncset.done $0x0  }
0xa4: {  	s25 =	simm.s32 $0x1B8E;
	s24 =	sld [smem:$0x3FFE];
	[sflag:s23] =	ssyncadd.s32 $0xFFFFFFFF  }
0xa5: {  	s26 =	simm.s32 $execute0_lowered;
	[smem:$0x3FD2] =	sst s25  }
0xa6: {  	s4 =	sshll.u32 s26, $0x1;
	_ =	strace $0x8000004C;
	[dreg:$0x1] =	wrdreg $0xFFFFFFFF  }
0xa7: {  	s28 =	simm.s32 $_size_execute0_lowered;
	s2 =	sadd.s32 s2, s4;
	[dreg:$0x0] =	wrdreg $0x0  }
0xa8: {  	s4 =	sshll.u32 s28, $0x1;
	[dreg:$0x2] =	wrdreg s2  }
0xa9: {  	[dreg:$0x3] =	wrdreg s4  }
0xaa: {  	[dreg:$0x4] =	wrdreg $0xC0  }
0xab: {  	_ =	task [dreg:s6], $0x5FFFF  }
0xac: {  	[dreg:$0x1] =	wrdreg $0xFFFFFFFF  }
0xad: {  	[dreg:$0x0] =	wrdreg $0x60  }
0xae: {  	[dreg:$0x2] =	wrdreg s24  }
0xaf: {  	[dreg:$0x3] =	wrdreg $0x3C000  }
0xb0: {  	[dreg:$0x4] =	wrdreg $0x9  }
0xb1: {  	_ =	task.clear_ibuf [dreg:s6], $0x5FFFF;
	_ =	strace $0x9000004C  }
0xb2: {  	s29 =	simm.s32 $0x9;
	_ =	strace $0x8000004E  }
0xb3: {  	_ =	swait.ge [sflag:s29], $0x1  }
0xb4: {  	[sflag:s29] =	ssyncadd.s32 $0xFFFFFFFF  }
0xb5: {  	_ =	strace $0x9000004E  }
0xb6: {  	_ =	sfence  }
0xb7: {  	s30 =	sld [smem:$0x0];
	_ =	sdelay $0x2  }
0xb8: {  	s31 =	sshll.u32 s1, $0xD;
	s1 =	sshrl.u32 s1, $0x2  }
0xb9: {  	s3 =	sand.u32 $0x4000, s31;
	s1 =	sadd.s32 s1, s30  }
0xba: {  	s0 =	sor.u32 s3, s0;
	s1 =	sshll.u32 s1, $0x11  }
0xbb: {  	s0 =	sor.u32 s1, s0  }
0xbc: {  	s0 =	sadd.s32 $0x8F2B, s0  }
0xbd: {  	[sflag:s0] =	ssyncadd.remote.s32 $0x1  }
0xbe: {  	_ =	sfence.sel $0xFFFF  }
0xbf: {  	[dreg:$0x0] =	wrdreg $0xFFFFFFFF;
	(pc) =	sbr.abs _section_cstart, $3  }
0xc0: {  	[dreg:$0x1] =	wrdreg $0xFFFFFFFF  }
0xc1: {  	_ =	task.clear_ibuf [dreg:s6], $0x2FFFF;
	_ =	strace $0x9FFFFFFF  }
0xc2: {  	(tm) =	ssettm $0x7FFFFFFF  }
0xc3: {  	_ =	shalt  }
tec
execute0_lowered:
.L_overlay_start_1:
0x0: {  	(tag) =	ssettag $0x1  }
0x1: {  	s0 =	rddreg [dreg:$0x0]  }
0x2: {  	s1 =	rddreg [dreg:$0x1]  }
0x3: {  	s3 =	srdreg.scid;
	s2 =	simm.s32 $0x0;
	s6 =	stileid.u32  }
0x4: {  	s14 =	simm.s32 $0x400;
	s15 =	simm.s32 $0x64;
	s16 =	simm.s32 $0x800  }
0x5: {  	s17 =	simm.s32 $0x80;
	s28 =	simm.s32 $0x300;
	s29 =	simm.s32 $0x700  }
0x6: {  	s30 =	simm.s32 $0x380;
	s31 =	simm.s32 $0x780;
	s5 =	sand.u32 $0x1, s3  }
0x7: {  	[smem:$0x7FF] =	sst s2;
	s3 =	sadd.s32 $0x53400, s0;
	s8 =	smul.u32 $0x4E000, s6  }
0x8: {  	s18 =	sadd.s32 $0x3C00, s0;
	s11 =	smul.u32 $0x13800, s6;
	s21 =	sshll.u32 s6, $0x6  }
0x9: {  	s23 =	smul.u32 $0xC80, s6;
	s13 =	sadd.s32 $0x138000, s1;
	p0 =	sne.s32 s6, $0x0  }
0xa: {  	s4 =	smul.u32 $0xC800, s5;
	_ =	strace $0x8000004D;
	[dreg:$0x3] =	wrdreg s18  }
0xb: {  	s9 =	ssub.s32 $0x2, s5;
	s10 =	smul.u32 $0x138800, s5;
	s5 =	sor.u32 $0x1C01, s21  }
0xc: {  	s18 =	simm.s32 $0x480;
	s21 =	simm.s32 $0x180;
	s19 =	sshrl.u32 s9, $0x1  }
0xd: {  	s20 =	sshrl.u32 s8, $0x2;
	s7 =	sadd.s32 s4, s0;
	s0 =	sadd.s32 $0x7A600, s0  }
0xe: {  	s9 =	ssub.s32 s9, s19;
	s12 =	sadd.s32 s20, s1;
	s22 =	sadd.s32 s11, s10  }
0xf: {  	s10 =	sshrl.u32 s10, $0x3;
	s19 =	simm.s32 $0x100;
	s20 =	simm.s32 $0x500  }
0x10: {  	s8 =	sshrl.u32 s22, $0x3;
	s25 =	smax.u32 s9, $0x1;
	s26 =	sadd.s32 s23, s7  }
0x11: {  	s7 =	sshrl.u32 s12, $0x3;
	s12 =	simm.s32 $0x1;
	s22 =	simm.s32 $0x580  }
0x12: {  	s23 =	simm.s32 $0x200;
	s24 =	sadd.s32 s0, s8;
	s0 =	sadd.s32 s0, s10  }
0x13: {  	[dreg:$0x6] =	wrdreg s25;
	s9 =	sadd.s32 $0x3A400, s26;
	s10 =	sadd.s32 $0x21400, s26  }
0x14: {  	s8 =	sshrl.u32 @!p0 s13, $0x3;
	s25 =	simm.s32 $0x280;
	[dreg:$0x4] =	wrdreg s24  }
0x15: {  	s26 =	simm.s32 $0x680;
	s0 =	sadd.s32 $0x27000, s0;
	[dreg:$0x7] =	wrdreg s8  }
0x16: {  	s24 =	simm.s32 $0x600;
	[dreg:$0x5] =	wrdreg s0;
	s0 =	simm.s32 $0x0  }
.LBB2_1:
0x17: {  	s4 =	rddreg [dreg:$0x3]  }
0x18: {  	[spmem:s7], [sflag:s5] =	dma.local [hbm:s4], $0x2700  }
0x19: {  	_ =	swait.ge [sflag:s12], $0x2700  }
0x1a: {  	[sflag:s12] =	ssyncset.done $0x0  }
0x1b: {  	s6 =	simm.s32 @!p0 $0x1;
	[sflag:s12] =	ssyncadd.s32 $0xFFFFD900  }
0x1c: {  	[spmem:s8], [sflag:s5] =	dma.local @!p0 [hbm:s4], $0x100  }
0x1d: {  	_ =	swait.ge @!p0 [sflag:s6], $0x100  }
0x1e: {  	[sflag:s6] =	ssyncset.done @!p0 $0x0  }
0x1f: {  	[sflag:s6] =	ssyncadd.s32 @!p0 $0xFFFFFF00  }
0x20: {  	s8 =	sadd.s32 $0x0, s10;
	[bflag:$0x0] =	sbarrier.arrive $0xFFFF  }
0x21: {  	[tilespmem:s2], [sflag:$0x1] =	stream.linear.gather [hbm4b:s8+s2], $0x400, $0x38;
	[tilespmem:$0x17480] =	vst v63  }
0x22: {  	_ =	swait.ge [sflag:s12], $0x400  }
0x23: {  	[sflag:s12] =	ssyncset.done $0x0  }
0x24: {  	s11 =	sadd.s32 $0x0, s9;
	[sflag:s12] =	ssyncadd.s32 $0xFFFFFC00  }
0x25: {  	[tilespmem:s14], [sflag:$0x1] =	stream.linear.gather [hbm4b:s11+s2], $0x400, $0x38;
	[tilespmem:$0x17480] =	vst v63  }
0x26: {  	_ =	swait.ge [sflag:s12], $0x400  }
0x27: {  	[sflag:s12] =	ssyncset.done $0x0  }
0x28: {  	[sflag:s12] =	ssyncadd.s32 $0xFFFFFC00  }
0x29: {  	[tilespmem:s16], [sflag:$0x1] =	stream.indirect.gather [hbm4b:s3+s15], $0x80, s2, s15, $0xb8;
	[tilespmem:$0x17480] =	vst v63  }
0x2a: {  	_ =	swait.ge [sflag:s12], $0x3200  }
0x2b: {  	[sflag:s12] =	ssyncset.done $0x0  }
0x2c: {  	[sflag:s12] =	ssyncadd.s32 $0xFFFFCE00  }
0x2d: {  	[spmem:s1] =	stream.indirect.scatter.add.f32 [tilespmem:s16], [sflag:$0x1], $0x80, s14, s15, $0xb8;
	[tilespmem:$0x17480] =	vst v63  }
0x2e: {  	_ =	swait.ge [sflag:s12], $0x3200  }
0x2f: {  	[sflag:s12] =	ssyncset.done $0x0  }
0x30: {  	[sflag:s12] =	ssyncadd.s32 $0xFFFFCE00  }
0x31: {  	[tilespmem:s16], [sflag:$0x1] =	stream.indirect.gather [hbm4b:s3+s15], $0x80, s17, s15, $0xb8;
	[tilespmem:$0x17480] =	vst v63  }
0x32: {  	_ =	swait.ge [sflag:s12], $0x3200  }
0x33: {  	[sflag:s12] =	ssyncset.done $0x0  }
0x34: {  	[sflag:s12] =	ssyncadd.s32 $0xFFFFCE00  }
0x35: {  	[spmem:s1] =	stream.indirect.scatter.add.f32 [tilespmem:s16], [sflag:$0x1], $0x80, s18, s15, $0xb8;
	[tilespmem:$0x17480] =	vst v63  }
0x36: {  	_ =	swait.ge [sflag:s12], $0x3200  }
0x37: {  	[sflag:s12] =	ssyncset.done $0x0  }
0x38: {  	[sflag:s12] =	ssyncadd.s32 $0xFFFFCE00  }
0x39: {  	[tilespmem:s16], [sflag:$0x1] =	stream.indirect.gather [hbm4b:s3+s15], $0x80, s19, s15, $0xb8;
	[tilespmem:$0x17480] =	vst v63  }
0x3a: {  	_ =	swait.ge [sflag:s12], $0x3200  }
0x3b: {  	[sflag:s12] =	ssyncset.done $0x0  }
0x3c: {  	[sflag:s12] =	ssyncadd.s32 $0xFFFFCE00  }
0x3d: {  	[spmem:s1] =	stream.indirect.scatter.add.f32 [tilespmem:s16], [sflag:$0x1], $0x80, s20, s15, $0xb8;
	[tilespmem:$0x17480] =	vst v63  }
0x3e: {  	_ =	swait.ge [sflag:s12], $0x3200  }
0x3f: {  	[sflag:s12] =	ssyncset.done $0x0  }
0x40: {  	[sflag:s12] =	ssyncadd.s32 $0xFFFFCE00  }
0x41: {  	[tilespmem:s16], [sflag:$0x1] =	stream.indirect.gather [hbm4b:s3+s15], $0x80, s21, s15, $0xb8;
	[tilespmem:$0x17480] =	vst v63  }
0x42: {  	_ =	swait.ge [sflag:s12], $0x3200  }
0x43: {  	[sflag:s12] =	ssyncset.done $0x0  }
0x44: {  	[sflag:s12] =	ssyncadd.s32 $0xFFFFCE00  }
0x45: {  	[spmem:s1] =	stream.indirect.scatter.add.f32 [tilespmem:s16], [sflag:$0x1], $0x80, s22, s15, $0xb8;
	[tilespmem:$0x17480] =	vst v63  }
0x46: {  	_ =	swait.ge [sflag:s12], $0x3200  }
0x47: {  	[sflag:s12] =	ssyncset.done $0x0  }
0x48: {  	[sflag:s12] =	ssyncadd.s32 $0xFFFFCE00  }
0x49: {  	[tilespmem:s16], [sflag:$0x1] =	stream.indirect.gather [hbm4b:s3+s15], $0x80, s23, s15, $0xb8;
	[tilespmem:$0x17480] =	vst v63  }
0x4a: {  	_ =	swait.ge [sflag:s12], $0x3200  }
0x4b: {  	[sflag:s12] =	ssyncset.done $0x0  }
0x4c: {  	[sflag:s12] =	ssyncadd.s32 $0xFFFFCE00  }
0x4d: {  	[spmem:s1] =	stream.indirect.scatter.add.f32 [tilespmem:s16], [sflag:$0x1], $0x80, s24, s15, $0xb8;
	[tilespmem:$0x17480] =	vst v63  }
0x4e: {  	_ =	swait.ge [sflag:s12], $0x3200  }
0x4f: {  	[sflag:s12] =	ssyncset.done $0x0  }
0x50: {  	[sflag:s12] =	ssyncadd.s32 $0xFFFFCE00  }
0x51: {  	[tilespmem:s16], [sflag:$0x1] =	stream.indirect.gather [hbm4b:s3+s15], $0x80, s25, s15, $0xb8;
	[tilespmem:$0x17480] =	vst v63  }
0x52: {  	_ =	swait.ge [sflag:s12], $0x3200  }
0x53: {  	[sflag:s12] =	ssyncset.done $0x0  }
0x54: {  	[sflag:s12] =	ssyncadd.s32 $0xFFFFCE00  }
0x55: {  	[spmem:s1] =	stream.indirect.scatter.add.f32 [tilespmem:s16], [sflag:$0x1], $0x80, s26, s15, $0xb8;
	[tilespmem:$0x17480] =	vst v63  }
0x56: {  	_ =	swait.ge [sflag:s12], $0x3200  }
0x57: {  	[sflag:s12] =	ssyncset.done $0x0  }
0x58: {  	[sflag:s12] =	ssyncadd.s32 $0xFFFFCE00  }
0x59: {  	[tilespmem:s16], [sflag:$0x1] =	stream.indirect.gather [hbm4b:s3+s15], $0x80, s28, s15, $0xb8;
	[tilespmem:$0x17480] =	vst v63  }
0x5a: {  	_ =	swait.ge [sflag:s12], $0x3200  }
0x5b: {  	[sflag:s12] =	ssyncset.done $0x0  }
0x5c: {  	[sflag:s12] =	ssyncadd.s32 $0xFFFFCE00  }
0x5d: {  	[spmem:s1] =	stream.indirect.scatter.add.f32 [tilespmem:s16], [sflag:$0x1], $0x80, s29, s15, $0xb8;
	[tilespmem:$0x17480] =	vst v63  }
0x5e: {  	_ =	swait.ge [sflag:s12], $0x3200  }
0x5f: {  	[sflag:s12] =	ssyncset.done $0x0  }
0x60: {  	[sflag:s12] =	ssyncadd.s32 $0xFFFFCE00  }
0x61: {  	[tilespmem:s16], [sflag:$0x1] =	stream.indirect.gather [hbm4b:s3+s15], $0x80, s30, s15, $0xb8;
	[tilespmem:$0x17480] =	vst v63  }
0x62: {  	_ =	swait.ge [sflag:s12], $0x3200  }
0x63: {  	[sflag:s12] =	ssyncset.done $0x0  }
0x64: {  	[sflag:s12] =	ssyncadd.s32 $0xFFFFCE00  }
0x65: {  	[spmem:s1] =	stream.indirect.scatter.add.f32 [tilespmem:s16], [sflag:$0x1], $0x80, s31, s15, $0xb8;
	[tilespmem:$0x17480] =	vst v63  }
0x66: {  	s13 =	smov.u32 s7;
	_ =	swait.ge [sflag:s12], $0x3200  }
0x67: {  	s7 =	simm.s32 $0x100;
	s6 =	simm.s32 $0x80;
	[sflag:s12] =	ssyncset.done $0x0  }
.LBB2_2:
0x68: {  	s4 =	sadd.s32 s6, s10  }
0x69: {  	[sflag:s12] =	ssyncadd.s32 $0xFFFFCE00;
	s11 =	smov.u32 s7;
	s8 =	sadd.s32 $0x80, s7  }
0x6a: {  	[tilespmem:s2], [sflag:$0x1] =	stream.linear.gather [hbm4b:s4+s2], $0x400, $0x38;
	[tilespmem:$0x17480] =	vst v63  }
0x6b: {  	p1 =	sne.s32 s7, $0xC00;
	_ =	swait.ge [sflag:s12], $0x400  }
0x6c: {  	[sflag:s12] =	ssyncset.done $0x0  }
0x6d: {  	s4 =	sadd.s32 s6, s9;
	s6 =	smov.u32 s11;
	[sflag:s12] =	ssyncadd.s32 $0xFFFFFC00  }
0x6e: {  	[tilespmem:s14], [sflag:$0x1] =	stream.linear.gather [hbm4b:s4+s2], $0x400, $0x38;
	[tilespmem:$0x17480] =	vst v63  }
0x6f: {  	_ =	swait.ge [sflag:s12], $0x400  }
0x70: {  	[sflag:s12] =	ssyncset.done $0x0  }
0x71: {  	[sflag:s12] =	ssyncadd.s32 $0xFFFFFC00  }
0x72: {  	[tilespmem:s16], [sflag:$0x1] =	stream.indirect.gather [hbm4b:s3+s15], $0x80, s2, s15, $0xb8;
	[tilespmem:$0x17480] =	vst v63  }
0x73: {  	_ =	swait.ge [sflag:s12], $0x3200  }
0x74: {  	[sflag:s12] =	ssyncset.done $0x0  }
0x75: {  	[sflag:s12] =	ssyncadd.s32 $0xFFFFCE00  }
0x76: {  	[spmem:s1] =	stream.indirect.scatter.add.f32 [tilespmem:s16], [sflag:$0x1], $0x80, s14, s15, $0xb8;
	[tilespmem:$0x17480] =	vst v63  }
0x77: {  	_ =	swait.ge [sflag:s12], $0x3200  }
0x78: {  	[sflag:s12] =	ssyncset.done $0x0  }
0x79: {  	[sflag:s12] =	ssyncadd.s32 $0xFFFFCE00  }
0x7a: {  	[tilespmem:s16], [sflag:$0x1] =	stream.indirect.gather [hbm4b:s3+s15], $0x80, s17, s15, $0xb8;
	[tilespmem:$0x17480] =	vst v63  }
0x7b: {  	_ =	swait.ge [sflag:s12], $0x3200  }
0x7c: {  	[sflag:s12] =	ssyncset.done $0x0  }
0x7d: {  	[sflag:s12] =	ssyncadd.s32 $0xFFFFCE00  }
0x7e: {  	[spmem:s1] =	stream.indirect.scatter.add.f32 [tilespmem:s16], [sflag:$0x1], $0x80, s18, s15, $0xb8;
	[tilespmem:$0x17480] =	vst v63  }
0x7f: {  	_ =	swait.ge [sflag:s12], $0x3200  }
0x80: {  	[sflag:s12] =	ssyncset.done $0x0  }
0x81: {  	[sflag:s12] =	ssyncadd.s32 $0xFFFFCE00  }
0x82: {  	[tilespmem:s16], [sflag:$0x1] =	stream.indirect.gather [hbm4b:s3+s15], $0x80, s19, s15, $0xb8;
	[tilespmem:$0x17480] =	vst v63  }
0x83: {  	_ =	swait.ge [sflag:s12], $0x3200  }
0x84: {  	[sflag:s12] =	ssyncset.done $0x0  }
0x85: {  	[sflag:s12] =	ssyncadd.s32 $0xFFFFCE00  }
0x86: {  	[spmem:s1] =	stream.indirect.scatter.add.f32 [tilespmem:s16], [sflag:$0x1], $0x80, s20, s15, $0xb8;
	[tilespmem:$0x17480] =	vst v63  }
0x87: {  	_ =	swait.ge [sflag:s12], $0x3200  }
0x88: {  	[sflag:s12] =	ssyncset.done $0x0  }
0x89: {  	[sflag:s12] =	ssyncadd.s32 $0xFFFFCE00  }
0x8a: {  	[tilespmem:s16], [sflag:$0x1] =	stream.indirect.gather [hbm4b:s3+s15], $0x80, s21, s15, $0xb8;
	[tilespmem:$0x17480] =	vst v63  }
0x8b: {  	_ =	swait.ge [sflag:s12], $0x3200  }
0x8c: {  	[sflag:s12] =	ssyncset.done $0x0  }
0x8d: {  	[sflag:s12] =	ssyncadd.s32 $0xFFFFCE00  }
0x8e: {  	[spmem:s1] =	stream.indirect.scatter.add.f32 [tilespmem:s16], [sflag:$0x1], $0x80, s22, s15, $0xb8;
	[tilespmem:$0x17480] =	vst v63  }
0x8f: {  	_ =	swait.ge [sflag:s12], $0x3200  }
0x90: {  	[sflag:s12] =	ssyncset.done $0x0  }
0x91: {  	[sflag:s12] =	ssyncadd.s32 $0xFFFFCE00  }
0x92: {  	[tilespmem:s16], [sflag:$0x1] =	stream.indirect.gather [hbm4b:s3+s15], $0x80, s23, s15, $0xb8;
	[tilespmem:$0x17480] =	vst v63  }
0x93: {  	_ =	swait.ge [sflag:s12], $0x3200  }
0x94: {  	[sflag:s12] =	ssyncset.done $0x0  }
0x95: {  	[sflag:s12] =	ssyncadd.s32 $0xFFFFCE00  }
0x96: {  	[spmem:s1] =	stream.indirect.scatter.add.f32 [tilespmem:s16], [sflag:$0x1], $0x80, s24, s15, $0xb8;
	[tilespmem:$0x17480] =	vst v63  }
0x97: {  	_ =	swait.ge [sflag:s12], $0x3200  }
0x98: {  	[sflag:s12] =	ssyncset.done $0x0  }
0x99: {  	[sflag:s12] =	ssyncadd.s32 $0xFFFFCE00  }
0x9a: {  	[tilespmem:s16], [sflag:$0x1] =	stream.indirect.gather [hbm4b:s3+s15], $0x80, s25, s15, $0xb8;
	[tilespmem:$0x17480] =	vst v63  }
0x9b: {  	_ =	swait.ge [sflag:s12], $0x3200  }
0x9c: {  	[sflag:s12] =	ssyncset.done $0x0  }
0x9d: {  	[sflag:s12] =	ssyncadd.s32 $0xFFFFCE00  }
0x9e: {  	[spmem:s1] =	stream.indirect.scatter.add.f32 [tilespmem:s16], [sflag:$0x1], $0x80, s26, s15, $0xb8;
	[tilespmem:$0x17480] =	vst v63  }
0x9f: {  	_ =	swait.ge [sflag:s12], $0x3200  }
0xa0: {  	[sflag:s12] =	ssyncset.done $0x0  }
0xa1: {  	[sflag:s12] =	ssyncadd.s32 $0xFFFFCE00  }
0xa2: {  	[tilespmem:s16], [sflag:$0x1] =	stream.indirect.gather [hbm4b:s3+s15], $0x80, s28, s15, $0xb8;
	[tilespmem:$0x17480] =	vst v63  }
0xa3: {  	_ =	swait.ge [sflag:s12], $0x3200  }
0xa4: {  	[sflag:s12] =	ssyncset.done $0x0  }
0xa5: {  	[sflag:s12] =	ssyncadd.s32 $0xFFFFCE00  }
0xa6: {  	[spmem:s1] =	stream.indirect.scatter.add.f32 [tilespmem:s16], [sflag:$0x1], $0x80, s29, s15, $0xb8;
	[tilespmem:$0x17480] =	vst v63  }
0xa7: {  	_ =	swait.ge [sflag:s12], $0x3200  }
0xa8: {  	[sflag:s12] =	ssyncset.done $0x0  }
0xa9: {  	[sflag:s12] =	ssyncadd.s32 $0xFFFFCE00  }
0xaa: {  	[tilespmem:s16], [sflag:$0x1] =	stream.indirect.gather [hbm4b:s3+s15], $0x80, s30, s15, $0xb8;
	[tilespmem:$0x17480] =	vst v63  }
0xab: {  	_ =	swait.ge [sflag:s12], $0x3200  }
.Ltmp0:
0xac: {  	[sflag:s12] =	ssyncset.done $0x0;
	(pc) =	sbr.rel @p1 .LBB2_2-.Ltmp0, $4  }
0xad: {  	[sflag:s12] =	ssyncadd.s32 $0xFFFFCE00  }
0xae: {  	[spmem:s1] =	stream.indirect.scatter.add.f32 [tilespmem:s16], [sflag:$0x1], $0x80, s31, s15, $0xb8;
	[tilespmem:$0x17480] =	vst v63  }
0xaf: {  	_ =	swait.ge [sflag:s12], $0x3200  }
0xb0: {  	s7 =	smov.u32 s8;
	[sflag:s12] =	ssyncset.done $0x0  }
0xb1: {  	s4 =	sadd.s32 s6, s10;
	[sflag:s12] =	ssyncadd.s32 $0xFFFFCE00  }
0xb2: {  	[tilespmem:s2], [sflag:$0x1] =	stream.linear.gather [hbm4b:s4+s2], $0x400, $0x38;
	[tilespmem:$0x17480] =	vst v63  }
0xb3: {  	_ =	swait.ge [sflag:s12], $0x400  }
0xb4: {  	[sflag:s12] =	ssyncset.done $0x0  }
0xb5: {  	s8 =	sadd.s32 s6, s9;
	[sflag:s12] =	ssyncadd.s32 $0xFFFFFC00  }
0xb6: {  	[tilespmem:s14], [sflag:$0x1] =	stream.linear.gather [hbm4b:s8+s2], $0x400, $0x38;
	[tilespmem:$0x17480] =	vst v63  }
0xb7: {  	_ =	swait.ge [sflag:s12], $0x400  }
0xb8: {  	[sflag:s12] =	ssyncset.done $0x0  }
0xb9: {  	[sflag:s12] =	ssyncadd.s32 $0xFFFFFC00  }
0xba: {  	[tilespmem:s16], [sflag:$0x1] =	stream.indirect.gather [hbm4b:s3+s15], $0x80, s2, s15, $0xb8;
	[tilespmem:$0x17480] =	vst v63  }
0xbb: {  	_ =	swait.ge [sflag:s12], $0x3200  }
0xbc: {  	[sflag:s12] =	ssyncset.done $0x0  }
0xbd: {  	[sflag:s12] =	ssyncadd.s32 $0xFFFFCE00  }
0xbe: {  	[spmem:s1] =	stream.indirect.scatter.add.f32 [tilespmem:s16], [sflag:$0x1], $0x80, s14, s15, $0xb8;
	[tilespmem:$0x17480] =	vst v63  }
0xbf: {  	_ =	swait.ge [sflag:s12], $0x3200  }
0xc0: {  	[sflag:s12] =	ssyncset.done $0x0  }
0xc1: {  	[sflag:s12] =	ssyncadd.s32 $0xFFFFCE00  }
0xc2: {  	[tilespmem:s16], [sflag:$0x1] =	stream.indirect.gather [hbm4b:s3+s15], $0x80, s17, s15, $0xb8;
	[tilespmem:$0x17480] =	vst v63  }
0xc3: {  	_ =	swait.ge [sflag:s12], $0x3200  }
0xc4: {  	[sflag:s12] =	ssyncset.done $0x0  }
0xc5: {  	[sflag:s12] =	ssyncadd.s32 $0xFFFFCE00  }
0xc6: {  	[spmem:s1] =	stream.indirect.scatter.add.f32 [tilespmem:s16], [sflag:$0x1], $0x80, s18, s15, $0xb8;
	[tilespmem:$0x17480] =	vst v63  }
0xc7: {  	_ =	swait.ge [sflag:s12], $0x3200  }
0xc8: {  	[sflag:s12] =	ssyncset.done $0x0  }
0xc9: {  	[sflag:s12] =	ssyncadd.s32 $0xFFFFCE00  }
0xca: {  	[tilespmem:s16], [sflag:$0x1] =	stream.indirect.gather [hbm4b:s3+s15], $0x80, s19, s15, $0xb8;
	[tilespmem:$0x17480] =	vst v63  }
0xcb: {  	_ =	swait.ge [sflag:s12], $0x3200  }
0xcc: {  	[sflag:s12] =	ssyncset.done $0x0  }
0xcd: {  	[sflag:s12] =	ssyncadd.s32 $0xFFFFCE00  }
0xce: {  	[spmem:s1] =	stream.indirect.scatter.add.f32 [tilespmem:s16], [sflag:$0x1], $0x80, s20, s15, $0xb8;
	[tilespmem:$0x17480] =	vst v63  }
0xcf: {  	_ =	swait.ge [sflag:s12], $0x3200  }
0xd0: {  	[sflag:s12] =	ssyncset.done $0x0  }
0xd1: {  	[sflag:s12] =	ssyncadd.s32 $0xFFFFCE00  }
0xd2: {  	[tilespmem:s16], [sflag:$0x1] =	stream.indirect.gather [hbm4b:s3+s15], $0x80, s21, s15, $0xb8;
	[tilespmem:$0x17480] =	vst v63  }
0xd3: {  	_ =	swait.ge [sflag:s12], $0x3200  }
0xd4: {  	[sflag:s12] =	ssyncset.done $0x0  }
0xd5: {  	[sflag:s12] =	ssyncadd.s32 $0xFFFFCE00  }
0xd6: {  	[spmem:s1] =	stream.indirect.scatter.add.f32 [tilespmem:s16], [sflag:$0x1], $0x80, s22, s15, $0xb8;
	[tilespmem:$0x17480] =	vst v63  }
0xd7: {  	_ =	swait.ge [sflag:s12], $0x3200  }
0xd8: {  	[sflag:s12] =	ssyncset.done $0x0  }
0xd9: {  	[sflag:s12] =	ssyncadd.s32 $0xFFFFCE00  }
0xda: {  	[tilespmem:s16], [sflag:$0x1] =	stream.indirect.gather [hbm4b:s3+s15], $0x80, s23, s15, $0xb8;
	[tilespmem:$0x17480] =	vst v63  }
0xdb: {  	_ =	swait.ge [sflag:s12], $0x3200  }
0xdc: {  	[sflag:s12] =	ssyncset.done $0x0  }
0xdd: {  	[sflag:s12] =	ssyncadd.s32 $0xFFFFCE00  }
0xde: {  	[spmem:s1] =	stream.indirect.scatter.add.f32 [tilespmem:s16], [sflag:$0x1], $0x80, s24, s15, $0xb8;
	[tilespmem:$0x17480] =	vst v63  }
0xdf: {  	_ =	swait.ge [sflag:s12], $0x3200  }
0xe0: {  	[sflag:s12] =	ssyncset.done $0x0  }
0xe1: {  	[sflag:s12] =	ssyncadd.s32 $0xFFFFCE00  }
0xe2: {  	[tilespmem:s16], [sflag:$0x1] =	stream.indirect.gather [hbm4b:s3+s15], $0x80, s25, s15, $0xb8;
	[tilespmem:$0x17480] =	vst v63  }
0xe3: {  	_ =	swait.ge [sflag:s12], $0x3200  }
0xe4: {  	[sflag:s12] =	ssyncset.done $0x0  }
0xe5: {  	[sflag:s12] =	ssyncadd.s32 $0xFFFFCE00  }
0xe6: {  	[spmem:s1] =	stream.indirect.scatter.add.f32 [tilespmem:s16], [sflag:$0x1], $0x80, s26, s15, $0xb8;
	[tilespmem:$0x17480] =	vst v63  }
0xe7: {  	_ =	swait.ge [sflag:s12], $0x3200  }
0xe8: {  	[sflag:s12] =	ssyncset.done $0x0  }
0xe9: {  	[sflag:s12] =	ssyncadd.s32 $0xFFFFCE00  }
0xea: {  	[tilespmem:s16], [sflag:$0x1] =	stream.indirect.gather [hbm4b:s3+s15], $0x80, s28, s15, $0xb8;
	[tilespmem:$0x17480] =	vst v63  }
0xeb: {  	_ =	swait.ge [sflag:s12], $0x3200  }
0xec: {  	[sflag:s12] =	ssyncset.done $0x0  }
0xed: {  	[sflag:s12] =	ssyncadd.s32 $0xFFFFCE00  }
0xee: {  	[spmem:s1] =	stream.indirect.scatter.add.f32 [tilespmem:s16], [sflag:$0x1], $0x80, s29, s15, $0xb8;
	[tilespmem:$0x17480] =	vst v63  }
0xef: {  	_ =	swait.ge [sflag:s12], $0x3200  }
0xf0: {  	[sflag:s12] =	ssyncset.done $0x0  }
0xf1: {  	[sflag:s12] =	ssyncadd.s32 $0xFFFFCE00  }
0xf2: {  	[tilespmem:s16], [sflag:$0x1] =	stream.indirect.gather [hbm4b:s3+s15], $0x80, s30, s15, $0xb8;
	[tilespmem:$0x17480] =	vst v63  }
0xf3: {  	_ =	swait.ge [sflag:s12], $0x3200  }
0xf4: {  	[sflag:s12] =	ssyncset.done $0x0  }
0xf5: {  	[sflag:s12] =	ssyncadd.s32 $0xFFFFCE00  }
0xf6: {  	[spmem:s1] =	stream.indirect.scatter.add.f32 [tilespmem:s16], [sflag:$0x1], $0x80, s31, s15, $0xb8;
	[tilespmem:$0x17480] =	vst v63  }
0xf7: {  	_ =	swait.ge [sflag:s12], $0x3200  }
0xf8: {  	[sflag:s12] =	ssyncset.done $0x0  }
0xf9: {  	[sflag:s12] =	ssyncadd.s32 $0xFFFFCE00  }
0xfa: {  	[bflag:$0x0] =	sbarrier.arrive $0xFFFF  }
0xfb: {  	s11 =	rddreg [dreg:$0x4]  }
0xfc: {  	[hbm:s11], [sflag:s5] =	dma.local [spmem:s13], $0x2700  }
0xfd: {  	_ =	swait.ge [sflag:s12], $0x2700  }
0xfe: {  	[sflag:s12] =	ssyncset.done $0x0;
	s4 =	rddreg [dreg:$0x5]  }
0xff: {  	s8 =	rddreg [dreg:$0x7];
	[sflag:s12] =	ssyncadd.s32 $0xFFFFD900  }
0x100: {  	[hbm:s4], [sflag:s5] =	dma.local @!p0 [spmem:s8], $0x100  }
0x101: {  	s4 =	simm.s32 @!p0 $0x1  }
0x102: {  	_ =	swait.ge @!p0 [sflag:s4], $0x100  }
0x103: {  	s7 =	smov.u32 s13;
	s0 =	sadd.s32 $0x1, s0;
	s13 =	rddreg [dreg:$0x6]  }
0x104: {  	p1 =	sne.s32 s0, s13  }
.Ltmp1:
0x105: {  	_ = 	snop;
	(pc) =	sbr.rel @p1 .LBB2_1-.Ltmp1, $3  }
0x106: {  	_ =	sdelay $0x1  }
0x107: {  	[sflag:s4] =	ssyncset.done @!p0 $0x0  }
0x108: {  	[sflag:s4] =	ssyncadd.s32 @!p0 $0xFFFFFF00  }
0x109: {  	_ =	sfence.sel $0x180000  }
0x10a: {  	[bflag:$0x0] =	sbarrier.arrive $0xFFFF  }
0x10b: {  	_ =	strace $0x9000004D  }
0x10c: {  	[bflag:$0x2] =	sbarrier.arrive $0xFFFF  }
0x10d: {  	s0 =	rddreg [dreg:$0x2]  }
0x10e: {  	s0 =	sadd.s32 @!p0 $0x100000, s0  }
0x10f: {  	[sflag:s0] =	ssyncadd.tile.s32 @!p0 $0x1;
	_ =	shalt  }
.Lfunc_end2:
_tile_overlayer_lowered:
.L_overlay_start_2:
0x110: {  	(tag) =	ssettag $0x2  }
0x111: {  	s0 =	rddreg [dreg:$0x0];
	s2 =	stileid.u32  }
0x112: {  	s1 =	rddreg [dreg:$0x1];
	p0 =	sne.s32 s2, $0x0  }
0x113: {  	s3 =	rddreg [dreg:$0x2];
	[bflag:$0x3] =	sbarrier.arrive $0xFFFF;
	s2 =	simm.s32 @!p0 $0x1C01  }
0x114: {  	[timem:s3], [sflag:s2] =	dma.local @!p0 [hbm:s0], s1  }
0x115: {  	s0 =	simm.s32 @!p0 $0x1  }
0x116: {  	_ =	swait.ge @!p0 [sflag:s0], s1  }
0x117: {  	s1 =	ssub.s32 @!p0 $0x0, s1;
	[sflag:s0] =	ssyncset.done @!p0 $0x0  }
0x118: {  	[sflag:s0] =	ssyncadd.s32 @!p0 s1  }
0x119: {  	[bflag:$0x3] =	sbarrier.arrive $0xFFFF  }
0x11a: {  	_ =	shalt  }

// kernel: kernel.22.cloned.1.call-start
scs
__scs_entry_jumppad:
0x0: {  	(pc) =	sbr.rel $0x88, $3  }
0x1: {  	(tag) =	ssettag $0x0;
	lr =	simm.s32 $0x1  }
0x2: {  	[smem:$0x3F94] =	sst lr;
	_ =	strace $0xD0000000  }
0x3: {  	_ = 	snop  }
0x4: {  	_ = 	snop  }
0x5: {  	_ = 	snop  }
0x6: {  	_ = 	snop  }
0x7: {  	_ = 	snop  }
__scs_overlays_trampoline_lowered:
0x8: {  	[smem:$0x3FA3] =	sst s0  }
0x9: {  	[smem:$0x3FA4] =	sst s1  }
0xa: {  	[smem:$0x3FA5] =	sst s2  }
0xb: {  	[smem:$0x3FA6] =	sst s3  }
0xc: {  	[smem:$0x3FA7] =	sst s4  }
0xd: {  	[smem:$0x3FA8] =	sst s5  }
0xe: {  	[smem:$0x3FA9] =	sst s6  }
0xf: {  	[smem:$0x3FAA] =	sst s7  }
0x10: {  	[smem:$0x3FAB] =	sst s8  }
0x11: {  	[smem:$0x3FAC] =	sst s9;
	s0 =	simm.s32 @!p0 $0x0  }
0x12: {  	s1 =	sld [smem:$0x3F92];
	s0 =	simm.s32 @p0 $0x1  }
0x13: {  	[smem:$0x3FAD] =	sst s0;
	s0 =	simm.s32 @!p1 $0x0  }
0x14: {  	s2 =	sld [smem:$0x3F91];
	s0 =	simm.s32 @p1 $0x1  }
0x15: {  	[smem:$0x3FAE] =	sst s0;
	s0 =	simm.s32 @!p2 $0x0  }
0x16: {  	s3 =	sld [smem:$0x3FDB];
	s0 =	simm.s32 @p2 $0x1  }
0x17: {  	s4 =	simm.s32 $0x1BF5;
	[smem:$0x3FB0] =	sst s0  }
0x18: {  	s0 =	sld [smem:$0x3F93];
	_ =	swait.ge [sflag:s4], $0x0  }
0x19: {  	s7 =	sld [smem:$0x3F94]  }
0x1a: {  	s8 =	sadd.s32 $0xFFFFE003, lr  }
0x1b: {  	s9 =	sadd.s32 $0xFFFFFEF7, lr;
	s5 =	simm.s32 $0xFFFFFFFF;
	p2 =	slt.u32 s8, $0xFFFFF086  }
0x1c: {  	p1 =	slt.u32 s9, $0xF7A;
	s5 =	simm.s32 @!p2 $0x0  }
0x1d: {  	s5 =	simm.s32 @p1 $0x1;
	p0 =	seq.s32 s7, s2  }
0x1e: {  	s7 =	smul.u32 @!p0 $0xF7A, s2;
	p2 =	seq.s32 @!p0 s5, $0x0  }
0x1f: {  	s9 =	smul.u32 $0xF7A, s1;
	s8 =	simm.s32 @!p0 $0x1BF5;
	p2 =	por !p2, p0  }
0x20: {  	[sflag:s8] =	ssyncset.s32 @!p0 $0xFFFFF086;
	s6 =	sadd.s32 @!p0 s3, s7;
	s7 =	simm.s32 @!p0 $0x108  }
0x21: {  	s3 =	sadd.s32 s3, s9;
	s6 =	sadd.s32 @!p0 $0x88, s6;
	s7 =	simm.s32 @p2 $0x1082  }
0x22: {  	[simem:s7], [sflag:s8] =	dma.local @!p0 [hbm:s6], $0xF7A  }
0x23: {  	s9 =	sor.u32 $0xD0000000, s2;
	s6 =	simm.s32 $0x108;
	_ =	swait.ge @!p0 [sflag:s8], $0x0  }
0x24: {  	s3 =	sadd.s32 $0x88, s3;
	s6 =	simm.s32 @!p1 $0x1082;
	[sflag:s4] =	ssyncset.s32 $0xFFFFF086  }
0x25: {  	[simem:s6], [sflag:s4] =	dma.local [hbm:s3], $0xF7A  }
0x26: {  	[smem:$0x3F94] =	sst s1;
	(tag) =	ssettag s2;
	_ =	strace s9  }
0x27: {  	s1 =	sld [smem:$0x3FA4]  }
0x28: {  	s2 =	sld [smem:$0x3FA5]  }
0x29: {  	s4 =	sld [smem:$0x3FA7]  }
0x2a: {  	p0 =	seq.s32 s5, $0x0;
	s5 =	sld [smem:$0x3FA8]  }
0x2b: {  	s6 =	sld [smem:$0x3FA9]  }
0x2c: {  	s7 =	sld [smem:$0x3FAA]  }
0x2d: {  	s3 =	simm.s32 $0x108;
	s8 =	sld [smem:$0x3FAB]  }
0x2e: {  	s3 =	simm.s32 @!p0 $0x1082;
	s9 =	sld [smem:$0x3FAC]  }
0x2f: {  	lr =	sadd.s32 s0, s3;
	s0 =	sld [smem:$0x3FA3]  }
0x30: {  	s3 =	sld [smem:$0x3FA6]  }
0x31: {  	[smem:$0x3FAF] =	sst s10  }
0x32: {  	s10 =	sld [smem:$0x3FAD];
	_ =	sdelay $0x3  }
0x33: {  	p0 =	seq.s32 s10, $0x1;
	s10 =	sld [smem:$0x3FAF];
	_ =	sdelay $0x3  }
0x34: {  	[smem:$0x3FAF] =	sst s10  }
0x35: {  	s10 =	sld [smem:$0x3FAE];
	_ =	sdelay $0x3  }
0x36: {  	p1 =	seq.s32 s10, $0x1;
	s10 =	sld [smem:$0x3FAF];
	_ =	sdelay $0x3  }
0x37: {  	[smem:$0x3FAF] =	sst s10  }
0x38: {  	s10 =	sld [smem:$0x3FB0]  }
0x39: {  	_ = 	snop;
	(pc) =	sbr.ind lr, $3  }
0x3a: {  	_ = 	snop  }
0x3b: {  	_ = 	snop  }
0x3c: {  	p2 =	seq.s32 s10, $0x1;
	s10 =	sld [smem:$0x3FAF]  }
0x3d: {  	_ =	shalt  }
0x3e: {  	_ =	shalt  }
0x3f: {  	_ =	shalt  }
0x40: {  	_ =	shalt  }
0x41: {  	_ =	shalt  }
0x42: {  	_ =	shalt  }
0x43: {  	_ =	shalt  }
0x44: {  	_ =	shalt  }
0x45: {  	_ =	shalt  }
0x46: {  	_ =	shalt  }
0x47: {  	_ =	shalt  }
0x48: {  	_ =	shalt  }
0x49: {  	_ =	shalt  }
0x4a: {  	_ =	shalt  }
0x4b: {  	_ =	shalt  }
0x4c: {  	_ =	shalt  }
0x4d: {  	_ =	shalt  }
0x4e: {  	_ =	shalt  }
0x4f: {  	_ =	shalt  }
0x50: {  	_ =	shalt  }
0x51: {  	_ =	shalt  }
0x52: {  	_ =	shalt  }
0x53: {  	_ =	shalt  }
0x54: {  	_ =	shalt  }
0x55: {  	_ =	shalt  }
0x56: {  	_ =	shalt  }
0x57: {  	_ =	shalt  }
0x58: {  	_ =	shalt  }
0x59: {  	_ =	shalt  }
0x5a: {  	_ =	shalt  }
0x5b: {  	_ =	shalt  }
0x5c: {  	_ =	shalt  }
0x5d: {  	_ =	shalt  }
0x5e: {  	_ =	shalt  }
0x5f: {  	_ =	shalt  }
0x60: {  	_ =	shalt  }
0x61: {  	_ =	shalt  }
0x62: {  	_ =	shalt  }
0x63: {  	_ =	shalt  }
0x64: {  	_ =	shalt  }
0x65: {  	_ =	shalt  }
0x66: {  	_ =	shalt  }
0x67: {  	_ =	shalt  }
0x68: {  	_ =	shalt  }
0x69: {  	_ =	shalt  }
0x6a: {  	_ =	shalt  }
0x6b: {  	_ =	shalt  }
0x6c: {  	_ =	shalt  }
0x6d: {  	_ =	shalt  }
0x6e: {  	_ =	shalt  }
0x6f: {  	_ =	shalt  }
0x70: {  	_ =	shalt  }
0x71: {  	_ =	shalt  }
0x72: {  	_ =	shalt  }
0x73: {  	_ =	shalt  }
0x74: {  	_ =	shalt  }
0x75: {  	_ =	shalt  }
0x76: {  	_ =	shalt  }
0x77: {  	_ =	shalt  }
0x78: {  	_ =	shalt  }
0x79: {  	_ =	shalt  }
0x7a: {  	_ =	shalt  }
0x7b: {  	_ =	shalt  }
0x7c: {  	_ =	shalt  }
0x7d: {  	_ =	shalt  }
0x7e: {  	_ =	shalt  }
0x7f: {  	_ =	shalt  }
0x80: {  	_ =	shalt  }
0x81: {  	_ =	shalt  }
0x82: {  	_ =	shalt  }
0x83: {  	_ =	shalt  }
0x84: {  	_ =	shalt  }
0x85: {  	_ =	shalt  }
0x86: {  	_ =	shalt  }
0x87: {  	_ =	shalt  }
.Lfunc_end0:
.L_simem_size_0:
called_computation.3_lowered:
.L_overlay_start_0:
0x88: {  	s2 =	sld [smem:$0x3FD9]  }
0x89: {  	s3 =	sld [smem:$0x3FFE];
	_ =	sdelay $0x1  }
0x8a: {  	s1 =	srdreg.scid  }
0x8b: {  	s0 =	sand.u32 $0x1, s1  }
0x8c: {  	s16 =	sshll.u32 s0, $0xA;
	s2 =	sadd.s32 s3, s2  }
0x8d: {  	s2 =	sadd.s32 s2, s16  }
0x8e: {  	[smem:$0x3FBB] =	sst s2  }
0x8f: {  	_ = 	snop  }
0x90: {  	(tm) =	ssettm $0x1  }
0x91: {  	s17 =	sld [smem:$0x3FFB];
	_ =	sdelay $0x3  }
0x92: {  	_ =	strace s17  }
0x93: {  	s2 =	sld [smem:$0x3FFC];
	_ =	sdelay $0x3  }
0x94: {  	_ =	strace s2  }
0x95: {  	s2 =	sld [smem:$0x3FFD];
	_ =	sdelay $0x3  }
0x96: {  	_ =	strace s2  }
0x97: {  	_ =	strace $0x8FFFFFFF  }
0x98: {  	s18 =	sld [smem:$0x3FDB];
	_ =	sdelay $0x1  }
0x99: {  	s19 =	simm.s32 $_scs_section_size  }
0x9a: {  	s4 =	simm.s32 $_size__tile_overlayer_lowered;
	s5 =	simm.s32 $_tile_overlayer_lowered  }
0x9b: {  	s22 =	simm.s32 $0x1BFF;
	s21 =	sshll.u32 s5, $0x1;
	s2 =	sadd.s32 s19, s18  }
0x9c: {  	s6 =	simm.s32 $0x0;
	s20 =	sshll.u32 s4, $0x1;
	s4 =	sadd.s32 s21, s2  }
0x9d: {  	[timem:s6], [sflag:s22] =	dma.local [hbm:s4], s20  }
0x9e: {  	_ =	swait.ge [sflag:s22], s20  }
0x9f: {  	s3 =	ssub.s32 $0x0, s20;
	[sflag:s22] =	ssyncset.done $0x0  }
0xa0: {  	[sflag:s22] =	ssyncadd.s32 s3;
	_ =	sdelay $0x1  }
0xa1: {  	s23 =	simm.s32 $0x1B8B  }
0xa2: {  	_ =	swait.ge [sflag:s23], $0x1  }
0xa3: {  	[sflag:s23] =	ssyncset.done $0x0  }
0xa4: {  	s25 =	simm.s32 $0x1B8E;
	s24 =	sld [smem:$0x3FFE];
	[sflag:s23] =	ssyncadd.s32 $0xFFFFFFFF  }
0xa5: {  	s26 =	simm.s32 $execute0_lowered;
	[smem:$0x3FD2] =	sst s25  }
0xa6: {  	s4 =	sshll.u32 s26, $0x1;
	_ =	strace $0x8000004F;
	[dreg:$0x1] =	wrdreg $0xFFFFFFFF  }
0xa7: {  	s28 =	simm.s32 $_size_execute0_lowered;
	s2 =	sadd.s32 s2, s4;
	[dreg:$0x0] =	wrdreg $0x0  }
0xa8: {  	s4 =	sshll.u32 s28, $0x1;
	[dreg:$0x2] =	wrdreg s2  }
0xa9: {  	[dreg:$0x3] =	wrdreg s4  }
0xaa: {  	[dreg:$0x4] =	wrdreg $0xC0  }
0xab: {  	_ =	task [dreg:s6], $0x5FFFF  }
0xac: {  	[dreg:$0x1] =	wrdreg $0xFFFFFFFF  }
0xad: {  	[dreg:$0x0] =	wrdreg $0x60  }
0xae: {  	[dreg:$0x2] =	wrdreg s24  }
0xaf: {  	[dreg:$0x3] =	wrdreg $0x3C000  }
0xb0: {  	[dreg:$0x4] =	wrdreg $0x9  }
0xb1: {  	_ =	task.clear_ibuf [dreg:s6], $0x5FFFF;
	_ =	strace $0x9000004F  }
0xb2: {  	s29 =	simm.s32 $0x9;
	_ =	strace $0x80000051  }
0xb3: {  	_ =	swait.ge [sflag:s29], $0x1  }
0xb4: {  	[sflag:s29] =	ssyncadd.s32 $0xFFFFFFFF  }
0xb5: {  	_ =	strace $0x90000051  }
0xb6: {  	_ =	sfence  }
0xb7: {  	s30 =	sld [smem:$0x0];
	_ =	sdelay $0x2  }
0xb8: {  	s31 =	sshll.u32 s1, $0xD;
	s1 =	sshrl.u32 s1, $0x2  }
0xb9: {  	s3 =	sand.u32 $0x4000, s31;
	s1 =	sadd.s32 s1, s30  }
0xba: {  	s0 =	sor.u32 s3, s0;
	s1 =	sshll.u32 s1, $0x11  }
0xbb: {  	s0 =	sor.u32 s1, s0  }
0xbc: {  	s0 =	sadd.s32 $0x8F2B, s0  }
0xbd: {  	[sflag:s0] =	ssyncadd.remote.s32 $0x1  }
0xbe: {  	_ =	sfence.sel $0xFFFF  }
0xbf: {  	[dreg:$0x0] =	wrdreg $0xFFFFFFFF;
	(pc) =	sbr.abs _section_cstart, $3  }
0xc0: {  	[dreg:$0x1] =	wrdreg $0xFFFFFFFF  }
0xc1: {  	_ =	task.clear_ibuf [dreg:s6], $0x2FFFF;
	_ =	strace $0x9FFFFFFF  }
0xc2: {  	(tm) =	ssettm $0x7FFFFFFF  }
0xc3: {  	_ =	shalt  }
tec
execute0_lowered:
.L_overlay_start_1:
0x0: {  	(tag) =	ssettag $0x1  }
0x1: {  	s0 =	rddreg [dreg:$0x0]  }
0x2: {  	s1 =	rddreg [dreg:$0x1]  }
0x3: {  	s3 =	srdreg.scid;
	s2 =	simm.s32 $0x0;
	s6 =	stileid.u32  }
0x4: {  	s14 =	simm.s32 $0x400;
	s15 =	simm.s32 $0x64;
	s16 =	simm.s32 $0x800  }
0x5: {  	s17 =	simm.s32 $0x80;
	s28 =	simm.s32 $0x300;
	s29 =	simm.s32 $0x700  }
0x6: {  	s30 =	simm.s32 $0x380;
	s31 =	simm.s32 $0x780;
	s5 =	sand.u32 $0x1, s3  }
0x7: {  	[smem:$0x7FF] =	sst s2;
	s3 =	sadd.s32 $0x53400, s0;
	s8 =	smul.u32 $0x4E000, s6  }
0x8: {  	s18 =	sadd.s32 $0x3C00, s0;
	s11 =	smul.u32 $0x13800, s6;
	s21 =	sshll.u32 s6, $0x6  }
0x9: {  	s23 =	smul.u32 $0xC80, s6;
	s13 =	sadd.s32 $0x138000, s1;
	p0 =	sne.s32 s6, $0x0  }
0xa: {  	s4 =	smul.u32 $0xC800, s5;
	_ =	strace $0x80000050;
	[dreg:$0x3] =	wrdreg s18  }
0xb: {  	s9 =	ssub.s32 $0x2, s5;
	s10 =	smul.u32 $0x138800, s5;
	s5 =	sor.u32 $0x1C01, s21  }
0xc: {  	s18 =	simm.s32 $0x480;
	s21 =	simm.s32 $0x180;
	s19 =	sshrl.u32 s9, $0x1  }
0xd: {  	s20 =	sshrl.u32 s8, $0x2;
	s7 =	sadd.s32 s4, s0;
	s0 =	sadd.s32 $0x7A600, s0  }
0xe: {  	s9 =	ssub.s32 s9, s19;
	s12 =	sadd.s32 s20, s1;
	s22 =	sadd.s32 s11, s10  }
0xf: {  	s10 =	sshrl.u32 s10, $0x3;
	s19 =	simm.s32 $0x100;
	s20 =	simm.s32 $0x500  }
0x10: {  	s8 =	sshrl.u32 s22, $0x3;
	s25 =	smax.u32 s9, $0x1;
	s26 =	sadd.s32 s23, s7  }
0x11: {  	s7 =	sshrl.u32 s12, $0x3;
	s12 =	simm.s32 $0x1;
	s22 =	simm.s32 $0x580  }
0x12: {  	s23 =	simm.s32 $0x200;
	s24 =	sadd.s32 s0, s8;
	s0 =	sadd.s32 s0, s10  }
0x13: {  	[dreg:$0x6] =	wrdreg s25;
	s9 =	sadd.s32 $0x3A400, s26;
	s10 =	sadd.s32 $0x21400, s26  }
0x14: {  	s8 =	sshrl.u32 @!p0 s13, $0x3;
	s25 =	simm.s32 $0x280;
	[dreg:$0x4] =	wrdreg s24  }
0x15: {  	s26 =	simm.s32 $0x680;
	s0 =	sadd.s32 $0x27000, s0;
	[dreg:$0x7] =	wrdreg s8  }
0x16: {  	s24 =	simm.s32 $0x600;
	[dreg:$0x5] =	wrdreg s0;
	s0 =	simm.s32 $0x0  }
.LBB2_1:
0x17: {  	s4 =	rddreg [dreg:$0x3]  }
0x18: {  	[spmem:s7], [sflag:s5] =	dma.local [hbm:s4], $0x2700  }
0x19: {  	_ =	swait.ge [sflag:s12], $0x2700  }
0x1a: {  	[sflag:s12] =	ssyncset.done $0x0  }
0x1b: {  	s6 =	simm.s32 @!p0 $0x1;
	[sflag:s12] =	ssyncadd.s32 $0xFFFFD900  }
0x1c: {  	[spmem:s8], [sflag:s5] =	dma.local @!p0 [hbm:s4], $0x100  }
0x1d: {  	_ =	swait.ge @!p0 [sflag:s6], $0x100  }
0x1e: {  	[sflag:s6] =	ssyncset.done @!p0 $0x0  }
0x1f: {  	[sflag:s6] =	ssyncadd.s32 @!p0 $0xFFFFFF00  }
0x20: {  	s8 =	sadd.s32 $0x0, s10;
	[bflag:$0x0] =	sbarrier.arrive $0xFFFF  }
0x21: {  	[tilespmem:s2], [sflag:$0x1] =	stream.linear.gather [hbm4b:s8+s2], $0x400, $0x38;
	[tilespmem:$0x17480] =	vst v63  }
0x22: {  	_ =	swait.ge [sflag:s12], $0x400  }
0x23: {  	[sflag:s12] =	ssyncset.done $0x0  }
0x24: {  	s11 =	sadd.s32 $0x0, s9;
	[sflag:s12] =	ssyncadd.s32 $0xFFFFFC00  }
0x25: {  	[tilespmem:s14], [sflag:$0x1] =	stream.linear.gather [hbm4b:s11+s2], $0x400, $0x38;
	[tilespmem:$0x17480] =	vst v63  }
0x26: {  	_ =	swait.ge [sflag:s12], $0x400  }
0x27: {  	[sflag:s12] =	ssyncset.done $0x0  }
0x28: {  	[sflag:s12] =	ssyncadd.s32 $0xFFFFFC00  }
0x29: {  	[tilespmem:s16], [sflag:$0x1] =	stream.indirect.gather [hbm4b:s3+s15], $0x80, s2, s15, $0xb8;
	[tilespmem:$0x17480] =	vst v63  }
0x2a: {  	_ =	swait.ge [sflag:s12], $0x3200  }
0x2b: {  	[sflag:s12] =	ssyncset.done $0x0  }
0x2c: {  	[sflag:s12] =	ssyncadd.s32 $0xFFFFCE00  }
0x2d: {  	[spmem:s1] =	stream.indirect.scatter.add.f32 [tilespmem:s16], [sflag:$0x1], $0x80, s14, s15, $0xb8;
	[tilespmem:$0x17480] =	vst v63  }
0x2e: {  	_ =	swait.ge [sflag:s12], $0x3200  }
0x2f: {  	[sflag:s12] =	ssyncset.done $0x0  }
0x30: {  	[sflag:s12] =	ssyncadd.s32 $0xFFFFCE00  }
0x31: {  	[tilespmem:s16], [sflag:$0x1] =	stream.indirect.gather [hbm4b:s3+s15], $0x80, s17, s15, $0xb8;
	[tilespmem:$0x17480] =	vst v63  }
0x32: {  	_ =	swait.ge [sflag:s12], $0x3200  }
0x33: {  	[sflag:s12] =	ssyncset.done $0x0  }
0x34: {  	[sflag:s12] =	ssyncadd.s32 $0xFFFFCE00  }
0x35: {  	[spmem:s1] =	stream.indirect.scatter.add.f32 [tilespmem:s16], [sflag:$0x1], $0x80, s18, s15, $0xb8;
	[tilespmem:$0x17480] =	vst v63  }
0x36: {  	_ =	swait.ge [sflag:s12], $0x3200  }
0x37: {  	[sflag:s12] =	ssyncset.done $0x0  }
0x38: {  	[sflag:s12] =	ssyncadd.s32 $0xFFFFCE00  }
0x39: {  	[tilespmem:s16], [sflag:$0x1] =	stream.indirect.gather [hbm4b:s3+s15], $0x80, s19, s15, $0xb8;
	[tilespmem:$0x17480] =	vst v63  }
0x3a: {  	_ =	swait.ge [sflag:s12], $0x3200  }
0x3b: {  	[sflag:s12] =	ssyncset.done $0x0  }
0x3c: {  	[sflag:s12] =	ssyncadd.s32 $0xFFFFCE00  }
0x3d: {  	[spmem:s1] =	stream.indirect.scatter.add.f32 [tilespmem:s16], [sflag:$0x1], $0x80, s20, s15, $0xb8;
	[tilespmem:$0x17480] =	vst v63  }
0x3e: {  	_ =	swait.ge [sflag:s12], $0x3200  }
0x3f: {  	[sflag:s12] =	ssyncset.done $0x0  }
0x40: {  	[sflag:s12] =	ssyncadd.s32 $0xFFFFCE00  }
0x41: {  	[tilespmem:s16], [sflag:$0x1] =	stream.indirect.gather [hbm4b:s3+s15], $0x80, s21, s15, $0xb8;
	[tilespmem:$0x17480] =	vst v63  }
0x42: {  	_ =	swait.ge [sflag:s12], $0x3200  }
0x43: {  	[sflag:s12] =	ssyncset.done $0x0  }
0x44: {  	[sflag:s12] =	ssyncadd.s32 $0xFFFFCE00  }
0x45: {  	[spmem:s1] =	stream.indirect.scatter.add.f32 [tilespmem:s16], [sflag:$0x1], $0x80, s22, s15, $0xb8;
	[tilespmem:$0x17480] =	vst v63  }
0x46: {  	_ =	swait.ge [sflag:s12], $0x3200  }
0x47: {  	[sflag:s12] =	ssyncset.done $0x0  }
0x48: {  	[sflag:s12] =	ssyncadd.s32 $0xFFFFCE00  }
0x49: {  	[tilespmem:s16], [sflag:$0x1] =	stream.indirect.gather [hbm4b:s3+s15], $0x80, s23, s15, $0xb8;
	[tilespmem:$0x17480] =	vst v63  }
0x4a: {  	_ =	swait.ge [sflag:s12], $0x3200  }
0x4b: {  	[sflag:s12] =	ssyncset.done $0x0  }
0x4c: {  	[sflag:s12] =	ssyncadd.s32 $0xFFFFCE00  }
0x4d: {  	[spmem:s1] =	stream.indirect.scatter.add.f32 [tilespmem:s16], [sflag:$0x1], $0x80, s24, s15, $0xb8;
	[tilespmem:$0x17480] =	vst v63  }
0x4e: {  	_ =	swait.ge [sflag:s12], $0x3200  }
0x4f: {  	[sflag:s12] =	ssyncset.done $0x0  }
0x50: {  	[sflag:s12] =	ssyncadd.s32 $0xFFFFCE00  }
0x51: {  	[tilespmem:s16], [sflag:$0x1] =	stream.indirect.gather [hbm4b:s3+s15], $0x80, s25, s15, $0xb8;
	[tilespmem:$0x17480] =	vst v63  }
0x52: {  	_ =	swait.ge [sflag:s12], $0x3200  }
0x53: {  	[sflag:s12] =	ssyncset.done $0x0  }
0x54: {  	[sflag:s12] =	ssyncadd.s32 $0xFFFFCE00  }
0x55: {  	[spmem:s1] =	stream.indirect.scatter.add.f32 [tilespmem:s16], [sflag:$0x1], $0x80, s26, s15, $0xb8;
	[tilespmem:$0x17480] =	vst v63  }
0x56: {  	_ =	swait.ge [sflag:s12], $0x3200  }
0x57: {  	[sflag:s12] =	ssyncset.done $0x0  }
0x58: {  	[sflag:s12] =	ssyncadd.s32 $0xFFFFCE00  }
0x59: {  	[tilespmem:s16], [sflag:$0x1] =	stream.indirect.gather [hbm4b:s3+s15], $0x80, s28, s15, $0xb8;
	[tilespmem:$0x17480] =	vst v63  }
0x5a: {  	_ =	swait.ge [sflag:s12], $0x3200  }
0x5b: {  	[sflag:s12] =	ssyncset.done $0x0  }
0x5c: {  	[sflag:s12] =	ssyncadd.s32 $0xFFFFCE00  }
0x5d: {  	[spmem:s1] =	stream.indirect.scatter.add.f32 [tilespmem:s16], [sflag:$0x1], $0x80, s29, s15, $0xb8;
	[tilespmem:$0x17480] =	vst v63  }
0x5e: {  	_ =	swait.ge [sflag:s12], $0x3200  }
0x5f: {  	[sflag:s12] =	ssyncset.done $0x0  }
0x60: {  	[sflag:s12] =	ssyncadd.s32 $0xFFFFCE00  }
0x61: {  	[tilespmem:s16], [sflag:$0x1] =	stream.indirect.gather [hbm4b:s3+s15], $0x80, s30, s15, $0xb8;
	[tilespmem:$0x17480] =	vst v63  }
0x62: {  	_ =	swait.ge [sflag:s12], $0x3200  }
0x63: {  	[sflag:s12] =	ssyncset.done $0x0  }
0x64: {  	[sflag:s12] =	ssyncadd.s32 $0xFFFFCE00  }
0x65: {  	[spmem:s1] =	stream.indirect.scatter.add.f32 [tilespmem:s16], [sflag:$0x1], $0x80, s31, s15, $0xb8;
	[tilespmem:$0x17480] =	vst v63  }
0x66: {  	s13 =	smov.u32 s7;
	_ =	swait.ge [sflag:s12], $0x3200  }
0x67: {  	s7 =	simm.s32 $0x100;
	s6 =	simm.s32 $0x80;
	[sflag:s12] =	ssyncset.done $0x0  }
.LBB2_2:
0x68: {  	s4 =	sadd.s32 s6, s10  }
0x69: {  	[sflag:s12] =	ssyncadd.s32 $0xFFFFCE00;
	s11 =	smov.u32 s7;
	s8 =	sadd.s32 $0x80, s7  }
0x6a: {  	[tilespmem:s2], [sflag:$0x1] =	stream.linear.gather [hbm4b:s4+s2], $0x400, $0x38;
	[tilespmem:$0x17480] =	vst v63  }
0x6b: {  	p1 =	sne.s32 s7, $0xC00;
	_ =	swait.ge [sflag:s12], $0x400  }
0x6c: {  	[sflag:s12] =	ssyncset.done $0x0  }
0x6d: {  	s4 =	sadd.s32 s6, s9;
	s6 =	smov.u32 s11;
	[sflag:s12] =	ssyncadd.s32 $0xFFFFFC00  }
0x6e: {  	[tilespmem:s14], [sflag:$0x1] =	stream.linear.gather [hbm4b:s4+s2], $0x400, $0x38;
	[tilespmem:$0x17480] =	vst v63  }
0x6f: {  	_ =	swait.ge [sflag:s12], $0x400  }
0x70: {  	[sflag:s12] =	ssyncset.done $0x0  }
0x71: {  	[sflag:s12] =	ssyncadd.s32 $0xFFFFFC00  }
0x72: {  	[tilespmem:s16], [sflag:$0x1] =	stream.indirect.gather [hbm4b:s3+s15], $0x80, s2, s15, $0xb8;
	[tilespmem:$0x17480] =	vst v63  }
0x73: {  	_ =	swait.ge [sflag:s12], $0x3200  }
0x74: {  	[sflag:s12] =	ssyncset.done $0x0  }
0x75: {  	[sflag:s12] =	ssyncadd.s32 $0xFFFFCE00  }
0x76: {  	[spmem:s1] =	stream.indirect.scatter.add.f32 [tilespmem:s16], [sflag:$0x1], $0x80, s14, s15, $0xb8;
	[tilespmem:$0x17480] =	vst v63  }
0x77: {  	_ =	swait.ge [sflag:s12], $0x3200  }
0x78: {  	[sflag:s12] =	ssyncset.done $0x0  }
0x79: {  	[sflag:s12] =	ssyncadd.s32 $0xFFFFCE00  }
0x7a: {  	[tilespmem:s16], [sflag:$0x1] =	stream.indirect.gather [hbm4b:s3+s15], $0x80, s17, s15, $0xb8;
	[tilespmem:$0x17480] =	vst v63  }
0x7b: {  	_ =	swait.ge [sflag:s12], $0x3200  }
0x7c: {  	[sflag:s12] =	ssyncset.done $0x0  }
0x7d: {  	[sflag:s12] =	ssyncadd.s32 $0xFFFFCE00  }
0x7e: {  	[spmem:s1] =	stream.indirect.scatter.add.f32 [tilespmem:s16], [sflag:$0x1], $0x80, s18, s15, $0xb8;
	[tilespmem:$0x17480] =	vst v63  }
0x7f: {  	_ =	swait.ge [sflag:s12], $0x3200  }
0x80: {  	[sflag:s12] =	ssyncset.done $0x0  }
0x81: {  	[sflag:s12] =	ssyncadd.s32 $0xFFFFCE00  }
0x82: {  	[tilespmem:s16], [sflag:$0x1] =	stream.indirect.gather [hbm4b:s3+s15], $0x80, s19, s15, $0xb8;
	[tilespmem:$0x17480] =	vst v63  }
0x83: {  	_ =	swait.ge [sflag:s12], $0x3200  }
0x84: {  	[sflag:s12] =	ssyncset.done $0x0  }
0x85: {  	[sflag:s12] =	ssyncadd.s32 $0xFFFFCE00  }
0x86: {  	[spmem:s1] =	stream.indirect.scatter.add.f32 [tilespmem:s16], [sflag:$0x1], $0x80, s20, s15, $0xb8;
	[tilespmem:$0x17480] =	vst v63  }
0x87: {  	_ =	swait.ge [sflag:s12], $0x3200  }
0x88: {  	[sflag:s12] =	ssyncset.done $0x0  }
0x89: {  	[sflag:s12] =	ssyncadd.s32 $0xFFFFCE00  }
0x8a: {  	[tilespmem:s16], [sflag:$0x1] =	stream.indirect.gather [hbm4b:s3+s15], $0x80, s21, s15, $0xb8;
	[tilespmem:$0x17480] =	vst v63  }
0x8b: {  	_ =	swait.ge [sflag:s12], $0x3200  }
0x8c: {  	[sflag:s12] =	ssyncset.done $0x0  }
0x8d: {  	[sflag:s12] =	ssyncadd.s32 $0xFFFFCE00  }
0x8e: {  	[spmem:s1] =	stream.indirect.scatter.add.f32 [tilespmem:s16], [sflag:$0x1], $0x80, s22, s15, $0xb8;
	[tilespmem:$0x17480] =	vst v63  }
0x8f: {  	_ =	swait.ge [sflag:s12], $0x3200  }
0x90: {  	[sflag:s12] =	ssyncset.done $0x0  }
0x91: {  	[sflag:s12] =	ssyncadd.s32 $0xFFFFCE00  }
0x92: {  	[tilespmem:s16], [sflag:$0x1] =	stream.indirect.gather [hbm4b:s3+s15], $0x80, s23, s15, $0xb8;
	[tilespmem:$0x17480] =	vst v63  }
0x93: {  	_ =	swait.ge [sflag:s12], $0x3200  }
0x94: {  	[sflag:s12] =	ssyncset.done $0x0  }
0x95: {  	[sflag:s12] =	ssyncadd.s32 $0xFFFFCE00  }
0x96: {  	[spmem:s1] =	stream.indirect.scatter.add.f32 [tilespmem:s16], [sflag:$0x1], $0x80, s24, s15, $0xb8;
	[tilespmem:$0x17480] =	vst v63  }
0x97: {  	_ =	swait.ge [sflag:s12], $0x3200  }
0x98: {  	[sflag:s12] =	ssyncset.done $0x0  }
0x99: {  	[sflag:s12] =	ssyncadd.s32 $0xFFFFCE00  }
0x9a: {  	[tilespmem:s16], [sflag:$0x1] =	stream.indirect.gather [hbm4b:s3+s15], $0x80, s25, s15, $0xb8;
	[tilespmem:$0x17480] =	vst v63  }
0x9b: {  	_ =	swait.ge [sflag:s12], $0x3200  }
0x9c: {  	[sflag:s12] =	ssyncset.done $0x0  }
0x9d: {  	[sflag:s12] =	ssyncadd.s32 $0xFFFFCE00  }
0x9e: {  	[spmem:s1] =	stream.indirect.scatter.add.f32 [tilespmem:s16], [sflag:$0x1], $0x80, s26, s15, $0xb8;
	[tilespmem:$0x17480] =	vst v63  }
0x9f: {  	_ =	swait.ge [sflag:s12], $0x3200  }
0xa0: {  	[sflag:s12] =	ssyncset.done $0x0  }
0xa1: {  	[sflag:s12] =	ssyncadd.s32 $0xFFFFCE00  }
0xa2: {  	[tilespmem:s16], [sflag:$0x1] =	stream.indirect.gather [hbm4b:s3+s15], $0x80, s28, s15, $0xb8;
	[tilespmem:$0x17480] =	vst v63  }
0xa3: {  	_ =	swait.ge [sflag:s12], $0x3200  }
0xa4: {  	[sflag:s12] =	ssyncset.done $0x0  }
0xa5: {  	[sflag:s12] =	ssyncadd.s32 $0xFFFFCE00  }
0xa6: {  	[spmem:s1] =	stream.indirect.scatter.add.f32 [tilespmem:s16], [sflag:$0x1], $0x80, s29, s15, $0xb8;
	[tilespmem:$0x17480] =	vst v63  }
0xa7: {  	_ =	swait.ge [sflag:s12], $0x3200  }
0xa8: {  	[sflag:s12] =	ssyncset.done $0x0  }
0xa9: {  	[sflag:s12] =	ssyncadd.s32 $0xFFFFCE00  }
0xaa: {  	[tilespmem:s16], [sflag:$0x1] =	stream.indirect.gather [hbm4b:s3+s15], $0x80, s30, s15, $0xb8;
	[tilespmem:$0x17480] =	vst v63  }
0xab: {  	_ =	swait.ge [sflag:s12], $0x3200  }
.Ltmp0:
0xac: {  	[sflag:s12] =	ssyncset.done $0x0;
	(pc) =	sbr.rel @p1 .LBB2_2-.Ltmp0, $4  }
0xad: {  	[sflag:s12] =	ssyncadd.s32 $0xFFFFCE00  }
0xae: {  	[spmem:s1] =	stream.indirect.scatter.add.f32 [tilespmem:s16], [sflag:$0x1], $0x80, s31, s15, $0xb8;
	[tilespmem:$0x17480] =	vst v63  }
0xaf: {  	_ =	swait.ge [sflag:s12], $0x3200  }
0xb0: {  	s7 =	smov.u32 s8;
	[sflag:s12] =	ssyncset.done $0x0  }
0xb1: {  	s4 =	sadd.s32 s6, s10;
	[sflag:s12] =	ssyncadd.s32 $0xFFFFCE00  }
0xb2: {  	[tilespmem:s2], [sflag:$0x1] =	stream.linear.gather [hbm4b:s4+s2], $0x400, $0x38;
	[tilespmem:$0x17480] =	vst v63  }
0xb3: {  	_ =	swait.ge [sflag:s12], $0x400  }
0xb4: {  	[sflag:s12] =	ssyncset.done $0x0  }
0xb5: {  	s8 =	sadd.s32 s6, s9;
	[sflag:s12] =	ssyncadd.s32 $0xFFFFFC00  }
0xb6: {  	[tilespmem:s14], [sflag:$0x1] =	stream.linear.gather [hbm4b:s8+s2], $0x400, $0x38;
	[tilespmem:$0x17480] =	vst v63  }
0xb7: {  	_ =	swait.ge [sflag:s12], $0x400  }
0xb8: {  	[sflag:s12] =	ssyncset.done $0x0  }
0xb9: {  	[sflag:s12] =	ssyncadd.s32 $0xFFFFFC00  }
0xba: {  	[tilespmem:s16], [sflag:$0x1] =	stream.indirect.gather [hbm4b:s3+s15], $0x80, s2, s15, $0xb8;
	[tilespmem:$0x17480] =	vst v63  }
0xbb: {  	_ =	swait.ge [sflag:s12], $0x3200  }
0xbc: {  	[sflag:s12] =	ssyncset.done $0x0  }
0xbd: {  	[sflag:s12] =	ssyncadd.s32 $0xFFFFCE00  }
0xbe: {  	[spmem:s1] =	stream.indirect.scatter.add.f32 [tilespmem:s16], [sflag:$0x1], $0x80, s14, s15, $0xb8;
	[tilespmem:$0x17480] =	vst v63  }
0xbf: {  	_ =	swait.ge [sflag:s12], $0x3200  }
0xc0: {  	[sflag:s12] =	ssyncset.done $0x0  }
0xc1: {  	[sflag:s12] =	ssyncadd.s32 $0xFFFFCE00  }
0xc2: {  	[tilespmem:s16], [sflag:$0x1] =	stream.indirect.gather [hbm4b:s3+s15], $0x80, s17, s15, $0xb8;
	[tilespmem:$0x17480] =	vst v63  }
0xc3: {  	_ =	swait.ge [sflag:s12], $0x3200  }
0xc4: {  	[sflag:s12] =	ssyncset.done $0x0  }
0xc5: {  	[sflag:s12] =	ssyncadd.s32 $0xFFFFCE00  }
0xc6: {  	[spmem:s1] =	stream.indirect.scatter.add.f32 [tilespmem:s16], [sflag:$0x1], $0x80, s18, s15, $0xb8;
	[tilespmem:$0x17480] =	vst v63  }
0xc7: {  	_ =	swait.ge [sflag:s12], $0x3200  }
0xc8: {  	[sflag:s12] =	ssyncset.done $0x0  }
0xc9: {  	[sflag:s12] =	ssyncadd.s32 $0xFFFFCE00  }
0xca: {  	[tilespmem:s16], [sflag:$0x1] =	stream.indirect.gather [hbm4b:s3+s15], $0x80, s19, s15, $0xb8;
	[tilespmem:$0x17480] =	vst v63  }
0xcb: {  	_ =	swait.ge [sflag:s12], $0x3200  }
0xcc: {  	[sflag:s12] =	ssyncset.done $0x0  }
0xcd: {  	[sflag:s12] =	ssyncadd.s32 $0xFFFFCE00  }
0xce: {  	[spmem:s1] =	stream.indirect.scatter.add.f32 [tilespmem:s16], [sflag:$0x1], $0x80, s20, s15, $0xb8;
	[tilespmem:$0x17480] =	vst v63  }
0xcf: {  	_ =	swait.ge [sflag:s12], $0x3200  }
0xd0: {  	[sflag:s12] =	ssyncset.done $0x0  }
0xd1: {  	[sflag:s12] =	ssyncadd.s32 $0xFFFFCE00  }
0xd2: {  	[tilespmem:s16], [sflag:$0x1] =	stream.indirect.gather [hbm4b:s3+s15], $0x80, s21, s15, $0xb8;
	[tilespmem:$0x17480] =	vst v63  }
0xd3: {  	_ =	swait.ge [sflag:s12], $0x3200  }
0xd4: {  	[sflag:s12] =	ssyncset.done $0x0  }
0xd5: {  	[sflag:s12] =	ssyncadd.s32 $0xFFFFCE00  }
0xd6: {  	[spmem:s1] =	stream.indirect.scatter.add.f32 [tilespmem:s16], [sflag:$0x1], $0x80, s22, s15, $0xb8;
	[tilespmem:$0x17480] =	vst v63  }
0xd7: {  	_ =	swait.ge [sflag:s12], $0x3200  }
0xd8: {  	[sflag:s12] =	ssyncset.done $0x0  }
0xd9: {  	[sflag:s12] =	ssyncadd.s32 $0xFFFFCE00  }
0xda: {  	[tilespmem:s16], [sflag:$0x1] =	stream.indirect.gather [hbm4b:s3+s15], $0x80, s23, s15, $0xb8;
	[tilespmem:$0x17480] =	vst v63  }
0xdb: {  	_ =	swait.ge [sflag:s12], $0x3200  }
0xdc: {  	[sflag:s12] =	ssyncset.done $0x0  }
0xdd: {  	[sflag:s12] =	ssyncadd.s32 $0xFFFFCE00  }
0xde: {  	[spmem:s1] =	stream.indirect.scatter.add.f32 [tilespmem:s16], [sflag:$0x1], $0x80, s24, s15, $0xb8;
	[tilespmem:$0x17480] =	vst v63  }
0xdf: {  	_ =	swait.ge [sflag:s12], $0x3200  }
0xe0: {  	[sflag:s12] =	ssyncset.done $0x0  }
0xe1: {  	[sflag:s12] =	ssyncadd.s32 $0xFFFFCE00  }
0xe2: {  	[tilespmem:s16], [sflag:$0x1] =	stream.indirect.gather [hbm4b:s3+s15], $0x80, s25, s15, $0xb8;
	[tilespmem:$0x17480] =	vst v63  }
0xe3: {  	_ =	swait.ge [sflag:s12], $0x3200  }
0xe4: {  	[sflag:s12] =	ssyncset.done $0x0  }
0xe5: {  	[sflag:s12] =	ssyncadd.s32 $0xFFFFCE00  }
0xe6: {  	[spmem:s1] =	stream.indirect.scatter.add.f32 [tilespmem:s16], [sflag:$0x1], $0x80, s26, s15, $0xb8;
	[tilespmem:$0x17480] =	vst v63  }
0xe7: {  	_ =	swait.ge [sflag:s12], $0x3200  }
0xe8: {  	[sflag:s12] =	ssyncset.done $0x0  }
0xe9: {  	[sflag:s12] =	ssyncadd.s32 $0xFFFFCE00  }
0xea: {  	[tilespmem:s16], [sflag:$0x1] =	stream.indirect.gather [hbm4b:s3+s15], $0x80, s28, s15, $0xb8;
	[tilespmem:$0x17480] =	vst v63  }
0xeb: {  	_ =	swait.ge [sflag:s12], $0x3200  }
0xec: {  	[sflag:s12] =	ssyncset.done $0x0  }
0xed: {  	[sflag:s12] =	ssyncadd.s32 $0xFFFFCE00  }
0xee: {  	[spmem:s1] =	stream.indirect.scatter.add.f32 [tilespmem:s16], [sflag:$0x1], $0x80, s29, s15, $0xb8;
	[tilespmem:$0x17480] =	vst v63  }
0xef: {  	_ =	swait.ge [sflag:s12], $0x3200  }
0xf0: {  	[sflag:s12] =	ssyncset.done $0x0  }
0xf1: {  	[sflag:s12] =	ssyncadd.s32 $0xFFFFCE00  }
0xf2: {  	[tilespmem:s16], [sflag:$0x1] =	stream.indirect.gather [hbm4b:s3+s15], $0x80, s30, s15, $0xb8;
	[tilespmem:$0x17480] =	vst v63  }
0xf3: {  	_ =	swait.ge [sflag:s12], $0x3200  }
0xf4: {  	[sflag:s12] =	ssyncset.done $0x0  }
0xf5: {  	[sflag:s12] =	ssyncadd.s32 $0xFFFFCE00  }
0xf6: {  	[spmem:s1] =	stream.indirect.scatter.add.f32 [tilespmem:s16], [sflag:$0x1], $0x80, s31, s15, $0xb8;
	[tilespmem:$0x17480] =	vst v63  }
0xf7: {  	_ =	swait.ge [sflag:s12], $0x3200  }
0xf8: {  	[sflag:s12] =	ssyncset.done $0x0  }
0xf9: {  	[sflag:s12] =	ssyncadd.s32 $0xFFFFCE00  }
0xfa: {  	[bflag:$0x0] =	sbarrier.arrive $0xFFFF  }
0xfb: {  	s11 =	rddreg [dreg:$0x4]  }
0xfc: {  	[hbm:s11], [sflag:s5] =	dma.local [spmem:s13], $0x2700  }
0xfd: {  	_ =	swait.ge [sflag:s12], $0x2700  }
0xfe: {  	[sflag:s12] =	ssyncset.done $0x0;
	s4 =	rddreg [dreg:$0x5]  }
0xff: {  	s8 =	rddreg [dreg:$0x7];
	[sflag:s12] =	ssyncadd.s32 $0xFFFFD900  }
0x100: {  	[hbm:s4], [sflag:s5] =	dma.local @!p0 [spmem:s8], $0x100  }
0x101: {  	s4 =	simm.s32 @!p0 $0x1  }
0x102: {  	_ =	swait.ge @!p0 [sflag:s4], $0x100  }
0x103: {  	s7 =	smov.u32 s13;
	s0 =	sadd.s32 $0x1, s0;
	s13 =	rddreg [dreg:$0x6]  }
0x104: {  	p1 =	sne.s32 s0, s13  }
.Ltmp1:
0x105: {  	_ = 	snop;
	(pc) =	sbr.rel @p1 .LBB2_1-.Ltmp1, $3  }
0x106: {  	_ =	sdelay $0x1  }
0x107: {  	[sflag:s4] =	ssyncset.done @!p0 $0x0  }
0x108: {  	[sflag:s4] =	ssyncadd.s32 @!p0 $0xFFFFFF00  }
0x109: {  	_ =	sfence.sel $0x180000  }
0x10a: {  	[bflag:$0x0] =	sbarrier.arrive $0xFFFF  }
0x10b: {  	_ =	strace $0x90000050  }
0x10c: {  	[bflag:$0x2] =	sbarrier.arrive $0xFFFF  }
0x10d: {  	s0 =	rddreg [dreg:$0x2]  }
0x10e: {  	s0 =	sadd.s32 @!p0 $0x100000, s0  }
0x10f: {  	[sflag:s0] =	ssyncadd.tile.s32 @!p0 $0x1;
	_ =	shalt  }
.Lfunc_end2:
_tile_overlayer_lowered:
.L_overlay_start_2:
0x110: {  	(tag) =	ssettag $0x2  }
0x111: {  	s0 =	rddreg [dreg:$0x0];
	s2 =	stileid.u32  }
0x112: {  	s1 =	rddreg [dreg:$0x1];
	p0 =	sne.s32 s2, $0x0  }
0x113: {  	s3 =	rddreg [dreg:$0x2];
	[bflag:$0x3] =	sbarrier.arrive $0xFFFF;
	s2 =	simm.s32 @!p0 $0x1C01  }
0x114: {  	[timem:s3], [sflag:s2] =	dma.local @!p0 [hbm:s0], s1  }
0x115: {  	s0 =	simm.s32 @!p0 $0x1  }
0x116: {  	_ =	swait.ge @!p0 [sflag:s0], s1  }
0x117: {  	s1 =	ssub.s32 @!p0 $0x0, s1;
	[sflag:s0] =	ssyncset.done @!p0 $0x0  }
0x118: {  	[sflag:s0] =	ssyncadd.s32 @!p0 s1  }
0x119: {  	[bflag:$0x3] =	sbarrier.arrive $0xFFFF  }
0x11a: {  	_ =	shalt  }

// kernel: kernel.25.cloned.1.call-start
scs
__scs_entry_jumppad:
0x0: {  	(pc) =	sbr.rel $0x88, $3  }
0x1: {  	(tag) =	ssettag $0x0;
	lr =	simm.s32 $0x1  }
0x2: {  	[smem:$0x3F94] =	sst lr;
	_ =	strace $0xD0000000  }
0x3: {  	_ = 	snop  }
0x4: {  	_ = 	snop  }
0x5: {  	_ = 	snop  }
0x6: {  	_ = 	snop  }
0x7: {  	_ = 	snop  }
__scs_overlays_trampoline_lowered:
0x8: {  	[smem:$0x3FA3] =	sst s0  }
0x9: {  	[smem:$0x3FA4] =	sst s1  }
0xa: {  	[smem:$0x3FA5] =	sst s2  }
0xb: {  	[smem:$0x3FA6] =	sst s3  }
0xc: {  	[smem:$0x3FA7] =	sst s4  }
0xd: {  	[smem:$0x3FA8] =	sst s5  }
0xe: {  	[smem:$0x3FA9] =	sst s6  }
0xf: {  	[smem:$0x3FAA] =	sst s7  }
0x10: {  	[smem:$0x3FAB] =	sst s8  }
0x11: {  	[smem:$0x3FAC] =	sst s9;
	s0 =	simm.s32 @!p0 $0x0  }
0x12: {  	s1 =	sld [smem:$0x3F92];
	s0 =	simm.s32 @p0 $0x1  }
0x13: {  	[smem:$0x3FAD] =	sst s0;
	s0 =	simm.s32 @!p1 $0x0  }
0x14: {  	s2 =	sld [smem:$0x3F91];
	s0 =	simm.s32 @p1 $0x1  }
0x15: {  	[smem:$0x3FAE] =	sst s0;
	s0 =	simm.s32 @!p2 $0x0  }
0x16: {  	s3 =	sld [smem:$0x3FDB];
	s0 =	simm.s32 @p2 $0x1  }
0x17: {  	s4 =	simm.s32 $0x1BF5;
	[smem:$0x3FB0] =	sst s0  }
0x18: {  	s0 =	sld [smem:$0x3F93];
	_ =	swait.ge [sflag:s4], $0x0  }
0x19: {  	s7 =	sld [smem:$0x3F94]  }
0x1a: {  	s8 =	sadd.s32 $0xFFFFE003, lr  }
0x1b: {  	s9 =	sadd.s32 $0xFFFFFEF7, lr;
	s5 =	simm.s32 $0xFFFFFFFF;
	p2 =	slt.u32 s8, $0xFFFFF086  }
0x1c: {  	p1 =	slt.u32 s9, $0xF7A;
	s5 =	simm.s32 @!p2 $0x0  }
0x1d: {  	s5 =	simm.s32 @p1 $0x1;
	p0 =	seq.s32 s7, s2  }
0x1e: {  	s7 =	smul.u32 @!p0 $0xF7A, s2;
	p2 =	seq.s32 @!p0 s5, $0x0  }
0x1f: {  	s9 =	smul.u32 $0xF7A, s1;
	s8 =	simm.s32 @!p0 $0x1BF5;
	p2 =	por !p2, p0  }
0x20: {  	[sflag:s8] =	ssyncset.s32 @!p0 $0xFFFFF086;
	s6 =	sadd.s32 @!p0 s3, s7;
	s7 =	simm.s32 @!p0 $0x108  }
0x21: {  	s3 =	sadd.s32 s3, s9;
	s6 =	sadd.s32 @!p0 $0x88, s6;
	s7 =	simm.s32 @p2 $0x1082  }
0x22: {  	[simem:s7], [sflag:s8] =	dma.local @!p0 [hbm:s6], $0xF7A  }
0x23: {  	s9 =	sor.u32 $0xD0000000, s2;
	s6 =	simm.s32 $0x108;
	_ =	swait.ge @!p0 [sflag:s8], $0x0  }
0x24: {  	s3 =	sadd.s32 $0x88, s3;
	s6 =	simm.s32 @!p1 $0x1082;
	[sflag:s4] =	ssyncset.s32 $0xFFFFF086  }
0x25: {  	[simem:s6], [sflag:s4] =	dma.local [hbm:s3], $0xF7A  }
0x26: {  	[smem:$0x3F94] =	sst s1;
	(tag) =	ssettag s2;
	_ =	strace s9  }
0x27: {  	s1 =	sld [smem:$0x3FA4]  }
0x28: {  	s2 =	sld [smem:$0x3FA5]  }
0x29: {  	s4 =	sld [smem:$0x3FA7]  }
0x2a: {  	p0 =	seq.s32 s5, $0x0;
	s5 =	sld [smem:$0x3FA8]  }
0x2b: {  	s6 =	sld [smem:$0x3FA9]  }
0x2c: {  	s7 =	sld [smem:$0x3FAA]  }
0x2d: {  	s3 =	simm.s32 $0x108;
	s8 =	sld [smem:$0x3FAB]  }
0x2e: {  	s3 =	simm.s32 @!p0 $0x1082;
	s9 =	sld [smem:$0x3FAC]  }
0x2f: {  	lr =	sadd.s32 s0, s3;
	s0 =	sld [smem:$0x3FA3]  }
0x30: {  	s3 =	sld [smem:$0x3FA6]  }
0x31: {  	[smem:$0x3FAF] =	sst s10  }
0x32: {  	s10 =	sld [smem:$0x3FAD];
	_ =	sdelay $0x3  }
0x33: {  	p0 =	seq.s32 s10, $0x1;
	s10 =	sld [smem:$0x3FAF];
	_ =	sdelay $0x3  }
0x34: {  	[smem:$0x3FAF] =	sst s10  }
0x35: {  	s10 =	sld [smem:$0x3FAE];
	_ =	sdelay $0x3  }
0x36: {  	p1 =	seq.s32 s10, $0x1;
	s10 =	sld [smem:$0x3FAF];
	_ =	sdelay $0x3  }
0x37: {  	[smem:$0x3FAF] =	sst s10  }
0x38: {  	s10 =	sld [smem:$0x3FB0]  }
0x39: {  	_ = 	snop;
	(pc) =	sbr.ind lr, $3  }
0x3a: {  	_ = 	snop  }
0x3b: {  	_ = 	snop  }
0x3c: {  	p2 =	seq.s32 s10, $0x1;
	s10 =	sld [smem:$0x3FAF]  }
0x3d: {  	_ =	shalt  }
0x3e: {  	_ =	shalt  }
0x3f: {  	_ =	shalt  }
0x40: {  	_ =	shalt  }
0x41: {  	_ =	shalt  }
0x42: {  	_ =	shalt  }
0x43: {  	_ =	shalt  }
0x44: {  	_ =	shalt  }
0x45: {  	_ =	shalt  }
0x46: {  	_ =	shalt  }
0x47: {  	_ =	shalt  }
0x48: {  	_ =	shalt  }
0x49: {  	_ =	shalt  }
0x4a: {  	_ =	shalt  }
0x4b: {  	_ =	shalt  }
0x4c: {  	_ =	shalt  }
0x4d: {  	_ =	shalt  }
0x4e: {  	_ =	shalt  }
0x4f: {  	_ =	shalt  }
0x50: {  	_ =	shalt  }
0x51: {  	_ =	shalt  }
0x52: {  	_ =	shalt  }
0x53: {  	_ =	shalt  }
0x54: {  	_ =	shalt  }
0x55: {  	_ =	shalt  }
0x56: {  	_ =	shalt  }
0x57: {  	_ =	shalt  }
0x58: {  	_ =	shalt  }
0x59: {  	_ =	shalt  }
0x5a: {  	_ =	shalt  }
0x5b: {  	_ =	shalt  }
0x5c: {  	_ =	shalt  }
0x5d: {  	_ =	shalt  }
0x5e: {  	_ =	shalt  }
0x5f: {  	_ =	shalt  }
0x60: {  	_ =	shalt  }
0x61: {  	_ =	shalt  }
0x62: {  	_ =	shalt  }
0x63: {  	_ =	shalt  }
0x64: {  	_ =	shalt  }
0x65: {  	_ =	shalt  }
0x66: {  	_ =	shalt  }
0x67: {  	_ =	shalt  }
0x68: {  	_ =	shalt  }
0x69: {  	_ =	shalt  }
0x6a: {  	_ =	shalt  }
0x6b: {  	_ =	shalt  }
0x6c: {  	_ =	shalt  }
0x6d: {  	_ =	shalt  }
0x6e: {  	_ =	shalt  }
0x6f: {  	_ =	shalt  }
0x70: {  	_ =	shalt  }
0x71: {  	_ =	shalt  }
0x72: {  	_ =	shalt  }
0x73: {  	_ =	shalt  }
0x74: {  	_ =	shalt  }
0x75: {  	_ =	shalt  }
0x76: {  	_ =	shalt  }
0x77: {  	_ =	shalt  }
0x78: {  	_ =	shalt  }
0x79: {  	_ =	shalt  }
0x7a: {  	_ =	shalt  }
0x7b: {  	_ =	shalt  }
0x7c: {  	_ =	shalt  }
0x7d: {  	_ =	shalt  }
0x7e: {  	_ =	shalt  }
0x7f: {  	_ =	shalt  }
0x80: {  	_ =	shalt  }
0x81: {  	_ =	shalt  }
0x82: {  	_ =	shalt  }
0x83: {  	_ =	shalt  }
0x84: {  	_ =	shalt  }
0x85: {  	_ =	shalt  }
0x86: {  	_ =	shalt  }
0x87: {  	_ =	shalt  }
.Lfunc_end0:
.L_simem_size_0:
called_computation.4_lowered:
.L_overlay_start_0:
0x88: {  	s2 =	sld [smem:$0x3FD9]  }
0x89: {  	s3 =	sld [smem:$0x3FFE];
	_ =	sdelay $0x1  }
0x8a: {  	s1 =	srdreg.scid  }
0x8b: {  	s0 =	sand.u32 $0x1, s1  }
0x8c: {  	s16 =	sshll.u32 s0, $0xA;
	s2 =	sadd.s32 s3, s2  }
0x8d: {  	s2 =	sadd.s32 s2, s16  }
0x8e: {  	[smem:$0x3FBB] =	sst s2  }
0x8f: {  	_ = 	snop  }
0x90: {  	(tm) =	ssettm $0x1  }
0x91: {  	s17 =	sld [smem:$0x3FFB];
	_ =	sdelay $0x3  }
0x92: {  	_ =	strace s17  }
0x93: {  	s2 =	sld [smem:$0x3FFC];
	_ =	sdelay $0x3  }
0x94: {  	_ =	strace s2  }
0x95: {  	s2 =	sld [smem:$0x3FFD];
	_ =	sdelay $0x3  }
0x96: {  	_ =	strace s2  }
0x97: {  	_ =	strace $0x8FFFFFFF  }
0x98: {  	s18 =	sld [smem:$0x3FDB];
	_ =	sdelay $0x1  }
0x99: {  	s19 =	simm.s32 $_scs_section_size  }
0x9a: {  	s4 =	simm.s32 $_size__tile_overlayer_lowered;
	s5 =	simm.s32 $_tile_overlayer_lowered  }
0x9b: {  	s22 =	simm.s32 $0x1BFF;
	s21 =	sshll.u32 s5, $0x1;
	s2 =	sadd.s32 s19, s18  }
0x9c: {  	s6 =	simm.s32 $0x0;
	s20 =	sshll.u32 s4, $0x1;
	s4 =	sadd.s32 s21, s2  }
0x9d: {  	[timem:s6], [sflag:s22] =	dma.local [hbm:s4], s20  }
0x9e: {  	_ =	swait.ge [sflag:s22], s20  }
0x9f: {  	s3 =	ssub.s32 $0x0, s20;
	[sflag:s22] =	ssyncset.done $0x0  }
0xa0: {  	[sflag:s22] =	ssyncadd.s32 s3;
	_ =	sdelay $0x1  }
0xa1: {  	s23 =	simm.s32 $0x1B8B  }
0xa2: {  	_ =	swait.ge [sflag:s23], $0x1  }
0xa3: {  	[sflag:s23] =	ssyncset.done $0x0  }
0xa4: {  	s25 =	simm.s32 $0x1B8E;
	s24 =	sld [smem:$0x3FFE];
	[sflag:s23] =	ssyncadd.s32 $0xFFFFFFFF  }
0xa5: {  	s26 =	simm.s32 $execute0_lowered;
	[smem:$0x3FD2] =	sst s25  }
0xa6: {  	s4 =	sshll.u32 s26, $0x1;
	_ =	strace $0x80000052;
	[dreg:$0x1] =	wrdreg $0xFFFFFFFF  }
0xa7: {  	s28 =	simm.s32 $_size_execute0_lowered;
	s2 =	sadd.s32 s2, s4;
	[dreg:$0x0] =	wrdreg $0x0  }
0xa8: {  	s4 =	sshll.u32 s28, $0x1;
	[dreg:$0x2] =	wrdreg s2  }
0xa9: {  	[dreg:$0x3] =	wrdreg s4  }
0xaa: {  	[dreg:$0x4] =	wrdreg $0xC0  }
0xab: {  	_ =	task [dreg:s6], $0x5FFFF  }
0xac: {  	[dreg:$0x1] =	wrdreg $0xFFFFFFFF  }
0xad: {  	[dreg:$0x0] =	wrdreg $0x60  }
0xae: {  	[dreg:$0x2] =	wrdreg s24  }
0xaf: {  	[dreg:$0x3] =	wrdreg $0x3C000  }
0xb0: {  	[dreg:$0x4] =	wrdreg $0x9  }
0xb1: {  	_ =	task.clear_ibuf [dreg:s6], $0x5FFFF;
	_ =	strace $0x90000052  }
0xb2: {  	s29 =	simm.s32 $0x9;
	_ =	strace $0x80000054  }
0xb3: {  	_ =	swait.ge [sflag:s29], $0x1  }
0xb4: {  	[sflag:s29] =	ssyncadd.s32 $0xFFFFFFFF  }
0xb5: {  	_ =	strace $0x90000054  }
0xb6: {  	_ =	sfence  }
0xb7: {  	s30 =	sld [smem:$0x0];
	_ =	sdelay $0x2  }
0xb8: {  	s31 =	sshll.u32 s1, $0xD;
	s1 =	sshrl.u32 s1, $0x2  }
0xb9: {  	s3 =	sand.u32 $0x4000, s31;
	s1 =	sadd.s32 s1, s30  }
0xba: {  	s0 =	sor.u32 s3, s0;
	s1 =	sshll.u32 s1, $0x11  }
0xbb: {  	s0 =	sor.u32 s1, s0  }
0xbc: {  	s0 =	sadd.s32 $0x8F2B, s0  }
0xbd: {  	[sflag:s0] =	ssyncadd.remote.s32 $0x1  }
0xbe: {  	_ =	sfence.sel $0xFFFF  }
0xbf: {  	[dreg:$0x0] =	wrdreg $0xFFFFFFFF;
	(pc) =	sbr.abs _section_cstart, $3  }
0xc0: {  	[dreg:$0x1] =	wrdreg $0xFFFFFFFF  }
0xc1: {  	_ =	task.clear_ibuf [dreg:s6], $0x2FFFF;
	_ =	strace $0x9FFFFFFF  }
0xc2: {  	(tm) =	ssettm $0x7FFFFFFF  }
0xc3: {  	_ =	shalt  }
tec
execute0_lowered:
.L_overlay_start_1:
0x0: {  	(tag) =	ssettag $0x1  }
0x1: {  	s0 =	rddreg [dreg:$0x0]  }
0x2: {  	s1 =	rddreg [dreg:$0x1]  }
0x3: {  	s3 =	srdreg.scid;
	s2 =	simm.s32 $0x0;
	s6 =	stileid.u32  }
0x4: {  	s14 =	simm.s32 $0x400;
	s15 =	simm.s32 $0x64;
	s16 =	simm.s32 $0x800  }
0x5: {  	s17 =	simm.s32 $0x80;
	s28 =	simm.s32 $0x300;
	s29 =	simm.s32 $0x700  }
0x6: {  	s30 =	simm.s32 $0x380;
	s31 =	simm.s32 $0x780;
	s5 =	sand.u32 $0x1, s3  }
0x7: {  	[smem:$0x7FF] =	sst s2;
	s3 =	sadd.s32 $0x53400, s0;
	s8 =	smul.u32 $0x4E000, s6  }
0x8: {  	s18 =	sadd.s32 $0x3C00, s0;
	s11 =	smul.u32 $0x13800, s6;
	s21 =	sshll.u32 s6, $0x6  }
0x9: {  	s23 =	smul.u32 $0xC80, s6;
	s13 =	sadd.s32 $0x138000, s1;
	p0 =	sne.s32 s6, $0x0  }
0xa: {  	s4 =	smul.u32 $0xC800, s5;
	_ =	strace $0x80000053;
	[dreg:$0x3] =	wrdreg s18  }
0xb: {  	s9 =	ssub.s32 $0x2, s5;
	s10 =	smul.u32 $0x138800, s5;
	s5 =	sor.u32 $0x1C01, s21  }
0xc: {  	s18 =	simm.s32 $0x480;
	s21 =	simm.s32 $0x180;
	s19 =	sshrl.u32 s9, $0x1  }
0xd: {  	s20 =	sshrl.u32 s8, $0x2;
	s7 =	sadd.s32 s4, s0;
	s0 =	sadd.s32 $0x7A600, s0  }
0xe: {  	s9 =	ssub.s32 s9, s19;
	s12 =	sadd.s32 s20, s1;
	s22 =	sadd.s32 s11, s10  }
0xf: {  	s10 =	sshrl.u32 s10, $0x3;
	s19 =	simm.s32 $0x100;
	s20 =	simm.s32 $0x500  }
0x10: {  	s8 =	sshrl.u32 s22, $0x3;
	s25 =	smax.u32 s9, $0x1;
	s26 =	sadd.s32 s23, s7  }
0x11: {  	s7 =	sshrl.u32 s12, $0x3;
	s12 =	simm.s32 $0x1;
	s22 =	simm.s32 $0x580  }
0x12: {  	s23 =	simm.s32 $0x200;
	s24 =	sadd.s32 s0, s8;
	s0 =	sadd.s32 s0, s10  }
0x13: {  	[dreg:$0x6] =	wrdreg s25;
	s9 =	sadd.s32 $0x3A400, s26;
	s10 =	sadd.s32 $0x21400, s26  }
0x14: {  	s8 =	sshrl.u32 @!p0 s13, $0x3;
	s25 =	simm.s32 $0x280;
	[dreg:$0x4] =	wrdreg s24  }
0x15: {  	s26 =	simm.s32 $0x680;
	s0 =	sadd.s32 $0x27000, s0;
	[dreg:$0x7] =	wrdreg s8  }
0x16: {  	s24 =	simm.s32 $0x600;
	[dreg:$0x5] =	wrdreg s0;
	s0 =	simm.s32 $0x0  }
.LBB2_1:
0x17: {  	s4 =	rddreg [dreg:$0x3]  }
0x18: {  	[spmem:s7], [sflag:s5] =	dma.local [hbm:s4], $0x2700  }
0x19: {  	_ =	swait.ge [sflag:s12], $0x2700  }
0x1a: {  	[sflag:s12] =	ssyncset.done $0x0  }
0x1b: {  	s6 =	simm.s32 @!p0 $0x1;
	[sflag:s12] =	ssyncadd.s32 $0xFFFFD900  }
0x1c: {  	[spmem:s8], [sflag:s5] =	dma.local @!p0 [hbm:s4], $0x100  }
0x1d: {  	_ =	swait.ge @!p0 [sflag:s6], $0x100  }
0x1e: {  	[sflag:s6] =	ssyncset.done @!p0 $0x0  }
0x1f: {  	[sflag:s6] =	ssyncadd.s32 @!p0 $0xFFFFFF00  }
0x20: {  	s8 =	sadd.s32 $0x0, s10;
	[bflag:$0x0] =	sbarrier.arrive $0xFFFF  }
0x21: {  	[tilespmem:s2], [sflag:$0x1] =	stream.linear.gather [hbm4b:s8+s2], $0x400, $0x38;
	[tilespmem:$0x17480] =	vst v63  }
0x22: {  	_ =	swait.ge [sflag:s12], $0x400  }
0x23: {  	[sflag:s12] =	ssyncset.done $0x0  }
0x24: {  	s11 =	sadd.s32 $0x0, s9;
	[sflag:s12] =	ssyncadd.s32 $0xFFFFFC00  }
0x25: {  	[tilespmem:s14], [sflag:$0x1] =	stream.linear.gather [hbm4b:s11+s2], $0x400, $0x38;
	[tilespmem:$0x17480] =	vst v63  }
0x26: {  	_ =	swait.ge [sflag:s12], $0x400  }
0x27: {  	[sflag:s12] =	ssyncset.done $0x0  }
0x28: {  	[sflag:s12] =	ssyncadd.s32 $0xFFFFFC00  }
0x29: {  	[tilespmem:s16], [sflag:$0x1] =	stream.indirect.gather [hbm4b:s3+s15], $0x80, s2, s15, $0xb8;
	[tilespmem:$0x17480] =	vst v63  }
0x2a: {  	_ =	swait.ge [sflag:s12], $0x3200  }
0x2b: {  	[sflag:s12] =	ssyncset.done $0x0  }
0x2c: {  	[sflag:s12] =	ssyncadd.s32 $0xFFFFCE00  }
0x2d: {  	[spmem:s1] =	stream.indirect.scatter.add.f32 [tilespmem:s16], [sflag:$0x1], $0x80, s14, s15, $0xb8;
	[tilespmem:$0x17480] =	vst v63  }
0x2e: {  	_ =	swait.ge [sflag:s12], $0x3200  }
0x2f: {  	[sflag:s12] =	ssyncset.done $0x0  }
0x30: {  	[sflag:s12] =	ssyncadd.s32 $0xFFFFCE00  }
0x31: {  	[tilespmem:s16], [sflag:$0x1] =	stream.indirect.gather [hbm4b:s3+s15], $0x80, s17, s15, $0xb8;
	[tilespmem:$0x17480] =	vst v63  }
0x32: {  	_ =	swait.ge [sflag:s12], $0x3200  }
0x33: {  	[sflag:s12] =	ssyncset.done $0x0  }
0x34: {  	[sflag:s12] =	ssyncadd.s32 $0xFFFFCE00  }
0x35: {  	[spmem:s1] =	stream.indirect.scatter.add.f32 [tilespmem:s16], [sflag:$0x1], $0x80, s18, s15, $0xb8;
	[tilespmem:$0x17480] =	vst v63  }
0x36: {  	_ =	swait.ge [sflag:s12], $0x3200  }
0x37: {  	[sflag:s12] =	ssyncset.done $0x0  }
0x38: {  	[sflag:s12] =	ssyncadd.s32 $0xFFFFCE00  }
0x39: {  	[tilespmem:s16], [sflag:$0x1] =	stream.indirect.gather [hbm4b:s3+s15], $0x80, s19, s15, $0xb8;
	[tilespmem:$0x17480] =	vst v63  }
0x3a: {  	_ =	swait.ge [sflag:s12], $0x3200  }
0x3b: {  	[sflag:s12] =	ssyncset.done $0x0  }
0x3c: {  	[sflag:s12] =	ssyncadd.s32 $0xFFFFCE00  }
0x3d: {  	[spmem:s1] =	stream.indirect.scatter.add.f32 [tilespmem:s16], [sflag:$0x1], $0x80, s20, s15, $0xb8;
	[tilespmem:$0x17480] =	vst v63  }
0x3e: {  	_ =	swait.ge [sflag:s12], $0x3200  }
0x3f: {  	[sflag:s12] =	ssyncset.done $0x0  }
0x40: {  	[sflag:s12] =	ssyncadd.s32 $0xFFFFCE00  }
0x41: {  	[tilespmem:s16], [sflag:$0x1] =	stream.indirect.gather [hbm4b:s3+s15], $0x80, s21, s15, $0xb8;
	[tilespmem:$0x17480] =	vst v63  }
0x42: {  	_ =	swait.ge [sflag:s12], $0x3200  }
0x43: {  	[sflag:s12] =	ssyncset.done $0x0  }
0x44: {  	[sflag:s12] =	ssyncadd.s32 $0xFFFFCE00  }
0x45: {  	[spmem:s1] =	stream.indirect.scatter.add.f32 [tilespmem:s16], [sflag:$0x1], $0x80, s22, s15, $0xb8;
	[tilespmem:$0x17480] =	vst v63  }
0x46: {  	_ =	swait.ge [sflag:s12], $0x3200  }
0x47: {  	[sflag:s12] =	ssyncset.done $0x0  }
0x48: {  	[sflag:s12] =	ssyncadd.s32 $0xFFFFCE00  }
0x49: {  	[tilespmem:s16], [sflag:$0x1] =	stream.indirect.gather [hbm4b:s3+s15], $0x80, s23, s15, $0xb8;
	[tilespmem:$0x17480] =	vst v63  }
0x4a: {  	_ =	swait.ge [sflag:s12], $0x3200  }
0x4b: {  	[sflag:s12] =	ssyncset.done $0x0  }
0x4c: {  	[sflag:s12] =	ssyncadd.s32 $0xFFFFCE00  }
0x4d: {  	[spmem:s1] =	stream.indirect.scatter.add.f32 [tilespmem:s16], [sflag:$0x1], $0x80, s24, s15, $0xb8;
	[tilespmem:$0x17480] =	vst v63  }
0x4e: {  	_ =	swait.ge [sflag:s12], $0x3200  }
0x4f: {  	[sflag:s12] =	ssyncset.done $0x0  }
0x50: {  	[sflag:s12] =	ssyncadd.s32 $0xFFFFCE00  }
0x51: {  	[tilespmem:s16], [sflag:$0x1] =	stream.indirect.gather [hbm4b:s3+s15], $0x80, s25, s15, $0xb8;
	[tilespmem:$0x17480] =	vst v63  }
0x52: {  	_ =	swait.ge [sflag:s12], $0x3200  }
0x53: {  	[sflag:s12] =	ssyncset.done $0x0  }
0x54: {  	[sflag:s12] =	ssyncadd.s32 $0xFFFFCE00  }
0x55: {  	[spmem:s1] =	stream.indirect.scatter.add.f32 [tilespmem:s16], [sflag:$0x1], $0x80, s26, s15, $0xb8;
	[tilespmem:$0x17480] =	vst v63  }
0x56: {  	_ =	swait.ge [sflag:s12], $0x3200  }
0x57: {  	[sflag:s12] =	ssyncset.done $0x0  }
0x58: {  	[sflag:s12] =	ssyncadd.s32 $0xFFFFCE00  }
0x59: {  	[tilespmem:s16], [sflag:$0x1] =	stream.indirect.gather [hbm4b:s3+s15], $0x80, s28, s15, $0xb8;
	[tilespmem:$0x17480] =	vst v63  }
0x5a: {  	_ =	swait.ge [sflag:s12], $0x3200  }
0x5b: {  	[sflag:s12] =	ssyncset.done $0x0  }
0x5c: {  	[sflag:s12] =	ssyncadd.s32 $0xFFFFCE00  }
0x5d: {  	[spmem:s1] =	stream.indirect.scatter.add.f32 [tilespmem:s16], [sflag:$0x1], $0x80, s29, s15, $0xb8;
	[tilespmem:$0x17480] =	vst v63  }
0x5e: {  	_ =	swait.ge [sflag:s12], $0x3200  }
0x5f: {  	[sflag:s12] =	ssyncset.done $0x0  }
0x60: {  	[sflag:s12] =	ssyncadd.s32 $0xFFFFCE00  }
0x61: {  	[tilespmem:s16], [sflag:$0x1] =	stream.indirect.gather [hbm4b:s3+s15], $0x80, s30, s15, $0xb8;
	[tilespmem:$0x17480] =	vst v63  }
0x62: {  	_ =	swait.ge [sflag:s12], $0x3200  }
0x63: {  	[sflag:s12] =	ssyncset.done $0x0  }
0x64: {  	[sflag:s12] =	ssyncadd.s32 $0xFFFFCE00  }
0x65: {  	[spmem:s1] =	stream.indirect.scatter.add.f32 [tilespmem:s16], [sflag:$0x1], $0x80, s31, s15, $0xb8;
	[tilespmem:$0x17480] =	vst v63  }
0x66: {  	s13 =	smov.u32 s7;
	_ =	swait.ge [sflag:s12], $0x3200  }
0x67: {  	s7 =	simm.s32 $0x100;
	s6 =	simm.s32 $0x80;
	[sflag:s12] =	ssyncset.done $0x0  }
.LBB2_2:
0x68: {  	s4 =	sadd.s32 s6, s10  }
0x69: {  	[sflag:s12] =	ssyncadd.s32 $0xFFFFCE00;
	s11 =	smov.u32 s7;
	s8 =	sadd.s32 $0x80, s7  }
0x6a: {  	[tilespmem:s2], [sflag:$0x1] =	stream.linear.gather [hbm4b:s4+s2], $0x400, $0x38;
	[tilespmem:$0x17480] =	vst v63  }
0x6b: {  	p1 =	sne.s32 s7, $0xC00;
	_ =	swait.ge [sflag:s12], $0x400  }
0x6c: {  	[sflag:s12] =	ssyncset.done $0x0  }
0x6d: {  	s4 =	sadd.s32 s6, s9;
	s6 =	smov.u32 s11;
	[sflag:s12] =	ssyncadd.s32 $0xFFFFFC00  }
0x6e: {  	[tilespmem:s14], [sflag:$0x1] =	stream.linear.gather [hbm4b:s4+s2], $0x400, $0x38;
	[tilespmem:$0x17480] =	vst v63  }
0x6f: {  	_ =	swait.ge [sflag:s12], $0x400  }
0x70: {  	[sflag:s12] =	ssyncset.done $0x0  }
0x71: {  	[sflag:s12] =	ssyncadd.s32 $0xFFFFFC00  }
0x72: {  	[tilespmem:s16], [sflag:$0x1] =	stream.indirect.gather [hbm4b:s3+s15], $0x80, s2, s15, $0xb8;
	[tilespmem:$0x17480] =	vst v63  }
0x73: {  	_ =	swait.ge [sflag:s12], $0x3200  }
0x74: {  	[sflag:s12] =	ssyncset.done $0x0  }
0x75: {  	[sflag:s12] =	ssyncadd.s32 $0xFFFFCE00  }
0x76: {  	[spmem:s1] =	stream.indirect.scatter.add.f32 [tilespmem:s16], [sflag:$0x1], $0x80, s14, s15, $0xb8;
	[tilespmem:$0x17480] =	vst v63  }
0x77: {  	_ =	swait.ge [sflag:s12], $0x3200  }
0x78: {  	[sflag:s12] =	ssyncset.done $0x0  }
0x79: {  	[sflag:s12] =	ssyncadd.s32 $0xFFFFCE00  }
0x7a: {  	[tilespmem:s16], [sflag:$0x1] =	stream.indirect.gather [hbm4b:s3+s15], $0x80, s17, s15, $0xb8;
	[tilespmem:$0x17480] =	vst v63  }
0x7b: {  	_ =	swait.ge [sflag:s12], $0x3200  }
0x7c: {  	[sflag:s12] =	ssyncset.done $0x0  }
0x7d: {  	[sflag:s12] =	ssyncadd.s32 $0xFFFFCE00  }
0x7e: {  	[spmem:s1] =	stream.indirect.scatter.add.f32 [tilespmem:s16], [sflag:$0x1], $0x80, s18, s15, $0xb8;
	[tilespmem:$0x17480] =	vst v63  }
0x7f: {  	_ =	swait.ge [sflag:s12], $0x3200  }
0x80: {  	[sflag:s12] =	ssyncset.done $0x0  }
0x81: {  	[sflag:s12] =	ssyncadd.s32 $0xFFFFCE00  }
0x82: {  	[tilespmem:s16], [sflag:$0x1] =	stream.indirect.gather [hbm4b:s3+s15], $0x80, s19, s15, $0xb8;
	[tilespmem:$0x17480] =	vst v63  }
0x83: {  	_ =	swait.ge [sflag:s12], $0x3200  }
0x84: {  	[sflag:s12] =	ssyncset.done $0x0  }
0x85: {  	[sflag:s12] =	ssyncadd.s32 $0xFFFFCE00  }
0x86: {  	[spmem:s1] =	stream.indirect.scatter.add.f32 [tilespmem:s16], [sflag:$0x1], $0x80, s20, s15, $0xb8;
	[tilespmem:$0x17480] =	vst v63  }
0x87: {  	_ =	swait.ge [sflag:s12], $0x3200  }
0x88: {  	[sflag:s12] =	ssyncset.done $0x0  }
0x89: {  	[sflag:s12] =	ssyncadd.s32 $0xFFFFCE00  }
0x8a: {  	[tilespmem:s16], [sflag:$0x1] =	stream.indirect.gather [hbm4b:s3+s15], $0x80, s21, s15, $0xb8;
	[tilespmem:$0x17480] =	vst v63  }
0x8b: {  	_ =	swait.ge [sflag:s12], $0x3200  }
0x8c: {  	[sflag:s12] =	ssyncset.done $0x0  }
0x8d: {  	[sflag:s12] =	ssyncadd.s32 $0xFFFFCE00  }
0x8e: {  	[spmem:s1] =	stream.indirect.scatter.add.f32 [tilespmem:s16], [sflag:$0x1], $0x80, s22, s15, $0xb8;
	[tilespmem:$0x17480] =	vst v63  }
0x8f: {  	_ =	swait.ge [sflag:s12], $0x3200  }
0x90: {  	[sflag:s12] =	ssyncset.done $0x0  }
0x91: {  	[sflag:s12] =	ssyncadd.s32 $0xFFFFCE00  }
0x92: {  	[tilespmem:s16], [sflag:$0x1] =	stream.indirect.gather [hbm4b:s3+s15], $0x80, s23, s15, $0xb8;
	[tilespmem:$0x17480] =	vst v63  }
0x93: {  	_ =	swait.ge [sflag:s12], $0x3200  }
0x94: {  	[sflag:s12] =	ssyncset.done $0x0  }
0x95: {  	[sflag:s12] =	ssyncadd.s32 $0xFFFFCE00  }
0x96: {  	[spmem:s1] =	stream.indirect.scatter.add.f32 [tilespmem:s16], [sflag:$0x1], $0x80, s24, s15, $0xb8;
	[tilespmem:$0x17480] =	vst v63  }
0x97: {  	_ =	swait.ge [sflag:s12], $0x3200  }
0x98: {  	[sflag:s12] =	ssyncset.done $0x0  }
0x99: {  	[sflag:s12] =	ssyncadd.s32 $0xFFFFCE00  }
0x9a: {  	[tilespmem:s16], [sflag:$0x1] =	stream.indirect.gather [hbm4b:s3+s15], $0x80, s25, s15, $0xb8;
	[tilespmem:$0x17480] =	vst v63  }
0x9b: {  	_ =	swait.ge [sflag:s12], $0x3200  }
0x9c: {  	[sflag:s12] =	ssyncset.done $0x0  }
0x9d: {  	[sflag:s12] =	ssyncadd.s32 $0xFFFFCE00  }
0x9e: {  	[spmem:s1] =	stream.indirect.scatter.add.f32 [tilespmem:s16], [sflag:$0x1], $0x80, s26, s15, $0xb8;
	[tilespmem:$0x17480] =	vst v63  }
0x9f: {  	_ =	swait.ge [sflag:s12], $0x3200  }
0xa0: {  	[sflag:s12] =	ssyncset.done $0x0  }
0xa1: {  	[sflag:s12] =	ssyncadd.s32 $0xFFFFCE00  }
0xa2: {  	[tilespmem:s16], [sflag:$0x1] =	stream.indirect.gather [hbm4b:s3+s15], $0x80, s28, s15, $0xb8;
	[tilespmem:$0x17480] =	vst v63  }
0xa3: {  	_ =	swait.ge [sflag:s12], $0x3200  }
0xa4: {  	[sflag:s12] =	ssyncset.done $0x0  }
0xa5: {  	[sflag:s12] =	ssyncadd.s32 $0xFFFFCE00  }
0xa6: {  	[spmem:s1] =	stream.indirect.scatter.add.f32 [tilespmem:s16], [sflag:$0x1], $0x80, s29, s15, $0xb8;
	[tilespmem:$0x17480] =	vst v63  }
0xa7: {  	_ =	swait.ge [sflag:s12], $0x3200  }
0xa8: {  	[sflag:s12] =	ssyncset.done $0x0  }
0xa9: {  	[sflag:s12] =	ssyncadd.s32 $0xFFFFCE00  }
0xaa: {  	[tilespmem:s16], [sflag:$0x1] =	stream.indirect.gather [hbm4b:s3+s15], $0x80, s30, s15, $0xb8;
	[tilespmem:$0x17480] =	vst v63  }
0xab: {  	_ =	swait.ge [sflag:s12], $0x3200  }
.Ltmp0:
0xac: {  	[sflag:s12] =	ssyncset.done $0x0;
	(pc) =	sbr.rel @p1 .LBB2_2-.Ltmp0, $4  }
0xad: {  	[sflag:s12] =	ssyncadd.s32 $0xFFFFCE00  }
0xae: {  	[spmem:s1] =	stream.indirect.scatter.add.f32 [tilespmem:s16], [sflag:$0x1], $0x80, s31, s15, $0xb8;
	[tilespmem:$0x17480] =	vst v63  }
0xaf: {  	_ =	swait.ge [sflag:s12], $0x3200  }
0xb0: {  	s7 =	smov.u32 s8;
	[sflag:s12] =	ssyncset.done $0x0  }
0xb1: {  	s4 =	sadd.s32 s6, s10;
	[sflag:s12] =	ssyncadd.s32 $0xFFFFCE00  }
0xb2: {  	[tilespmem:s2], [sflag:$0x1] =	stream.linear.gather [hbm4b:s4+s2], $0x400, $0x38;
	[tilespmem:$0x17480] =	vst v63  }
0xb3: {  	_ =	swait.ge [sflag:s12], $0x400  }
0xb4: {  	[sflag:s12] =	ssyncset.done $0x0  }
0xb5: {  	s8 =	sadd.s32 s6, s9;
	[sflag:s12] =	ssyncadd.s32 $0xFFFFFC00  }
0xb6: {  	[tilespmem:s14], [sflag:$0x1] =	stream.linear.gather [hbm4b:s8+s2], $0x400, $0x38;
	[tilespmem:$0x17480] =	vst v63  }
0xb7: {  	_ =	swait.ge [sflag:s12], $0x400  }
0xb8: {  	[sflag:s12] =	ssyncset.done $0x0  }
0xb9: {  	[sflag:s12] =	ssyncadd.s32 $0xFFFFFC00  }
0xba: {  	[tilespmem:s16], [sflag:$0x1] =	stream.indirect.gather [hbm4b:s3+s15], $0x80, s2, s15, $0xb8;
	[tilespmem:$0x17480] =	vst v63  }
0xbb: {  	_ =	swait.ge [sflag:s12], $0x3200  }
0xbc: {  	[sflag:s12] =	ssyncset.done $0x0  }
0xbd: {  	[sflag:s12] =	ssyncadd.s32 $0xFFFFCE00  }
0xbe: {  	[spmem:s1] =	stream.indirect.scatter.add.f32 [tilespmem:s16], [sflag:$0x1], $0x80, s14, s15, $0xb8;
	[tilespmem:$0x17480] =	vst v63  }
0xbf: {  	_ =	swait.ge [sflag:s12], $0x3200  }
0xc0: {  	[sflag:s12] =	ssyncset.done $0x0  }
0xc1: {  	[sflag:s12] =	ssyncadd.s32 $0xFFFFCE00  }
0xc2: {  	[tilespmem:s16], [sflag:$0x1] =	stream.indirect.gather [hbm4b:s3+s15], $0x80, s17, s15, $0xb8;
	[tilespmem:$0x17480] =	vst v63  }
0xc3: {  	_ =	swait.ge [sflag:s12], $0x3200  }
0xc4: {  	[sflag:s12] =	ssyncset.done $0x0  }
0xc5: {  	[sflag:s12] =	ssyncadd.s32 $0xFFFFCE00  }
0xc6: {  	[spmem:s1] =	stream.indirect.scatter.add.f32 [tilespmem:s16], [sflag:$0x1], $0x80, s18, s15, $0xb8;
	[tilespmem:$0x17480] =	vst v63  }
0xc7: {  	_ =	swait.ge [sflag:s12], $0x3200  }
0xc8: {  	[sflag:s12] =	ssyncset.done $0x0  }
0xc9: {  	[sflag:s12] =	ssyncadd.s32 $0xFFFFCE00  }
0xca: {  	[tilespmem:s16], [sflag:$0x1] =	stream.indirect.gather [hbm4b:s3+s15], $0x80, s19, s15, $0xb8;
	[tilespmem:$0x17480] =	vst v63  }
0xcb: {  	_ =	swait.ge [sflag:s12], $0x3200  }
0xcc: {  	[sflag:s12] =	ssyncset.done $0x0  }
0xcd: {  	[sflag:s12] =	ssyncadd.s32 $0xFFFFCE00  }
0xce: {  	[spmem:s1] =	stream.indirect.scatter.add.f32 [tilespmem:s16], [sflag:$0x1], $0x80, s20, s15, $0xb8;
	[tilespmem:$0x17480] =	vst v63  }
0xcf: {  	_ =	swait.ge [sflag:s12], $0x3200  }
0xd0: {  	[sflag:s12] =	ssyncset.done $0x0  }
0xd1: {  	[sflag:s12] =	ssyncadd.s32 $0xFFFFCE00  }
0xd2: {  	[tilespmem:s16], [sflag:$0x1] =	stream.indirect.gather [hbm4b:s3+s15], $0x80, s21, s15, $0xb8;
	[tilespmem:$0x17480] =	vst v63  }
0xd3: {  	_ =	swait.ge [sflag:s12], $0x3200  }
0xd4: {  	[sflag:s12] =	ssyncset.done $0x0  }
0xd5: {  	[sflag:s12] =	ssyncadd.s32 $0xFFFFCE00  }
0xd6: {  	[spmem:s1] =	stream.indirect.scatter.add.f32 [tilespmem:s16], [sflag:$0x1], $0x80, s22, s15, $0xb8;
	[tilespmem:$0x17480] =	vst v63  }
0xd7: {  	_ =	swait.ge [sflag:s12], $0x3200  }
0xd8: {  	[sflag:s12] =	ssyncset.done $0x0  }
0xd9: {  	[sflag:s12] =	ssyncadd.s32 $0xFFFFCE00  }
0xda: {  	[tilespmem:s16], [sflag:$0x1] =	stream.indirect.gather [hbm4b:s3+s15], $0x80, s23, s15, $0xb8;
	[tilespmem:$0x17480] =	vst v63  }
0xdb: {  	_ =	swait.ge [sflag:s12], $0x3200  }
0xdc: {  	[sflag:s12] =	ssyncset.done $0x0  }
0xdd: {  	[sflag:s12] =	ssyncadd.s32 $0xFFFFCE00  }
0xde: {  	[spmem:s1] =	stream.indirect.scatter.add.f32 [tilespmem:s16], [sflag:$0x1], $0x80, s24, s15, $0xb8;
	[tilespmem:$0x17480] =	vst v63  }
0xdf: {  	_ =	swait.ge [sflag:s12], $0x3200  }
0xe0: {  	[sflag:s12] =	ssyncset.done $0x0  }
0xe1: {  	[sflag:s12] =	ssyncadd.s32 $0xFFFFCE00  }
0xe2: {  	[tilespmem:s16], [sflag:$0x1] =	stream.indirect.gather [hbm4b:s3+s15], $0x80, s25, s15, $0xb8;
	[tilespmem:$0x17480] =	vst v63  }
0xe3: {  	_ =	swait.ge [sflag:s12], $0x3200  }
0xe4: {  	[sflag:s12] =	ssyncset.done $0x0  }
0xe5: {  	[sflag:s12] =	ssyncadd.s32 $0xFFFFCE00  }
0xe6: {  	[spmem:s1] =	stream.indirect.scatter.add.f32 [tilespmem:s16], [sflag:$0x1], $0x80, s26, s15, $0xb8;
	[tilespmem:$0x17480] =	vst v63  }
0xe7: {  	_ =	swait.ge [sflag:s12], $0x3200  }
0xe8: {  	[sflag:s12] =	ssyncset.done $0x0  }
0xe9: {  	[sflag:s12] =	ssyncadd.s32 $0xFFFFCE00  }
0xea: {  	[tilespmem:s16], [sflag:$0x1] =	stream.indirect.gather [hbm4b:s3+s15], $0x80, s28, s15, $0xb8;
	[tilespmem:$0x17480] =	vst v63  }
0xeb: {  	_ =	swait.ge [sflag:s12], $0x3200  }
0xec: {  	[sflag:s12] =	ssyncset.done $0x0  }
0xed: {  	[sflag:s12] =	ssyncadd.s32 $0xFFFFCE00  }
0xee: {  	[spmem:s1] =	stream.indirect.scatter.add.f32 [tilespmem:s16], [sflag:$0x1], $0x80, s29, s15, $0xb8;
	[tilespmem:$0x17480] =	vst v63  }
0xef: {  	_ =	swait.ge [sflag:s12], $0x3200  }
0xf0: {  	[sflag:s12] =	ssyncset.done $0x0  }
0xf1: {  	[sflag:s12] =	ssyncadd.s32 $0xFFFFCE00  }
0xf2: {  	[tilespmem:s16], [sflag:$0x1] =	stream.indirect.gather [hbm4b:s3+s15], $0x80, s30, s15, $0xb8;
	[tilespmem:$0x17480] =	vst v63  }
0xf3: {  	_ =	swait.ge [sflag:s12], $0x3200  }
0xf4: {  	[sflag:s12] =	ssyncset.done $0x0  }
0xf5: {  	[sflag:s12] =	ssyncadd.s32 $0xFFFFCE00  }
0xf6: {  	[spmem:s1] =	stream.indirect.scatter.add.f32 [tilespmem:s16], [sflag:$0x1], $0x80, s31, s15, $0xb8;
	[tilespmem:$0x17480] =	vst v63  }
0xf7: {  	_ =	swait.ge [sflag:s12], $0x3200  }
0xf8: {  	[sflag:s12] =	ssyncset.done $0x0  }
0xf9: {  	[sflag:s12] =	ssyncadd.s32 $0xFFFFCE00  }
0xfa: {  	[bflag:$0x0] =	sbarrier.arrive $0xFFFF  }
0xfb: {  	s11 =	rddreg [dreg:$0x4]  }
0xfc: {  	[hbm:s11], [sflag:s5] =	dma.local [spmem:s13], $0x2700  }
0xfd: {  	_ =	swait.ge [sflag:s12], $0x2700  }
0xfe: {  	[sflag:s12] =	ssyncset.done $0x0;
	s4 =	rddreg [dreg:$0x5]  }
0xff: {  	s8 =	rddreg [dreg:$0x7];
	[sflag:s12] =	ssyncadd.s32 $0xFFFFD900  }
0x100: {  	[hbm:s4], [sflag:s5] =	dma.local @!p0 [spmem:s8], $0x100  }
0x101: {  	s4 =	simm.s32 @!p0 $0x1  }
0x102: {  	_ =	swait.ge @!p0 [sflag:s4], $0x100  }
0x103: {  	s7 =	smov.u32 s13;
	s0 =	sadd.s32 $0x1, s0;
	s13 =	rddreg [dreg:$0x6]  }
0x104: {  	p1 =	sne.s32 s0, s13  }
.Ltmp1:
0x105: {  	_ = 	snop;
	(pc) =	sbr.rel @p1 .LBB2_1-.Ltmp1, $3  }
0x106: {  	_ =	sdelay $0x1  }
0x107: {  	[sflag:s4] =	ssyncset.done @!p0 $0x0  }
0x108: {  	[sflag:s4] =	ssyncadd.s32 @!p0 $0xFFFFFF00  }
0x109: {  	_ =	sfence.sel $0x180000  }
0x10a: {  	[bflag:$0x0] =	sbarrier.arrive $0xFFFF  }
0x10b: {  	_ =	strace $0x90000053  }
0x10c: {  	[bflag:$0x2] =	sbarrier.arrive $0xFFFF  }
0x10d: {  	s0 =	rddreg [dreg:$0x2]  }
0x10e: {  	s0 =	sadd.s32 @!p0 $0x100000, s0  }
0x10f: {  	[sflag:s0] =	ssyncadd.tile.s32 @!p0 $0x1;
	_ =	shalt  }
.Lfunc_end2:
_tile_overlayer_lowered:
.L_overlay_start_2:
0x110: {  	(tag) =	ssettag $0x2  }
0x111: {  	s0 =	rddreg [dreg:$0x0];
	s2 =	stileid.u32  }
0x112: {  	s1 =	rddreg [dreg:$0x1];
	p0 =	sne.s32 s2, $0x0  }
0x113: {  	s3 =	rddreg [dreg:$0x2];
	[bflag:$0x3] =	sbarrier.arrive $0xFFFF;
	s2 =	simm.s32 @!p0 $0x1C01  }
0x114: {  	[timem:s3], [sflag:s2] =	dma.local @!p0 [hbm:s0], s1  }
0x115: {  	s0 =	simm.s32 @!p0 $0x1  }
0x116: {  	_ =	swait.ge @!p0 [sflag:s0], s1  }
0x117: {  	s1 =	ssub.s32 @!p0 $0x0, s1;
	[sflag:s0] =	ssyncset.done @!p0 $0x0  }
0x118: {  	[sflag:s0] =	ssyncadd.s32 @!p0 s1  }
0x119: {  	[bflag:$0x3] =	sbarrier.arrive $0xFFFF  }
0x11a: {  	_ =	shalt  }

</sc_bundles>
